<compile_context>
chip_gen: v7x
topology: tpu7x:2x2x1
jax: 0.10.2.dev20260603
libtpu: 0.0.44.dev20260713+nightly
codegen_flags: <defaults>
</compile_context>

<pallas_src>
import functools

import jax
import jax.numpy as jnp
from jax import lax
from jax.experimental import pallas as pl
from jax.experimental.pallas import tpu as pltpu
from jax.experimental.pallas import tpu_sc as plsc

N = 10000
E = 320000
D = 128

NC = 2
NS = 16
NW = NC * NS
L = 16

CH = 64
NBLK = 160
EPT = CH * NBLK
E_PAD = NW * EPT
PK = 4 * CH
GL = 2 * CH

ACC_ROWS = 10240
RPT = ACC_ROWS // NS
ZB = 8
PAD_ROW = 10016
WB = 40


def _sc_pass(with_hop, table, packed):
    mesh = plsc.VectorSubcoreMesh(core_axis_name="c", subcore_axis_name="s")
    NBPC = 1
    NLOOP = NBLK // NBPC
    PKC = NBPC * PK
    GLP = 2 * CH if with_hop else CH

    def body(table_h, packed_h, zeros_h, out_h,
             pkA, pkB, gA, gB, dA, dB, rA, rB, stA,
             acc_sh,
             semI_A, semI_B, semG_A, semG_B, semS_A, semS_B):
        c = lax.axis_index("c")
        s = lax.axis_index("s")
        wid = c * NS + s
        pbase = wid * NBLK * PK
        trash = ACC_ROWS - NS * ZB + s * ZB

        SETA = (pkA, gA, dA, rA, semI_A, semG_A, semS_A)
        SETB = (pkB, gB, dB, rB, semI_B, semG_B, semS_B)

        def idx_load(j, st):
            pk = st[0]
            off = pl.multiple_of(pbase + j * PKC, 8)
            pltpu.async_copy(packed_h.at[pl.ds(off, PKC)], pk, st[4])

        def idx_wait(st):
            pk = st[0]
            pltpu.make_async_copy(packed_h.at[pl.ds(0, PKC)], pk, st[4]).wait()

        def idx_compute(st):
            pk, g, d = st[0], st[1], st[2]
            for b in range(NBPC):
                for q in range(CH // L):
                    o = b * PK + q * L
                    sv = pk[pl.ds(o, L)]
                    ev = pk[pl.ds(CH + o, L)]
                    dv = pk[pl.ds(2 * CH + o, L)]
                    sl = pl.ds(b * CH + q * L, L)
                    g[sl] = ev * N + sv
                    d[sl] = dv
                    if with_hop:
                        sl2 = pl.ds(CH + q * L, L)
                        hv = pk[pl.ds(3 * CH + o, L)]
                        g[sl2] = sv + 3 * N
                        d[sl2] = jnp.where(hv == 2, dv, trash)

        def gather_issue(st):
            pltpu.async_copy(table_h.at[st[1]], st[3], st[5])

        def gather_wait(st):
            pltpu.make_async_copy(table_h.at[st[1]], st[3], st[5]).wait()

        def scatter(st):
            pltpu.sync_copy(st[3], acc_sh.at[st[2]], add=True)

        pltpu.sync_copy(zeros_h, stA)

        @pl.loop(0, RPT // WB)
        def zero_body(j):
            pltpu.sync_copy(stA, acc_sh.at[pl.ds(s * RPT + j * WB, WB)])
        plsc.subcore_barrier()

        def half(j, cur, nxt):
            idx_wait(nxt)
            idx_compute(nxt)
            gather_wait(cur)
            gather_issue(nxt)
            idx_load(j + 2, cur)
            scatter(cur)

        idx_load(0, SETA)
        idx_wait(SETA)
        idx_compute(SETA)
        gather_issue(SETA)
        idx_load(1, SETB)

        @pl.loop(0, NLOOP // 2 - 1)
        def pair_body(m):
            half(2 * m, SETA, SETB)
            half(2 * m + 1, SETB, SETA)

        idx_wait(SETB)
        idx_compute(SETB)
        gather_wait(SETA)
        gather_issue(SETB)
        scatter(SETA)
        gather_wait(SETB)
        scatter(SETB)
        plsc.subcore_barrier()

        @pl.loop(0, RPT // WB)
        def out_body(m):
            r0 = s * RPT + m * WB
            pltpu.sync_copy(acc_sh.at[pl.ds(r0, WB)], stA)
            pltpu.sync_copy(stA, out_h.at[pl.ds(c * ACC_ROWS + r0, WB)])

    k = pl.kernel(
        body,
        out_type=jax.ShapeDtypeStruct((NC * ACC_ROWS, D), jnp.float32),
        mesh=mesh,
        scratch_types=[
            pltpu.VMEM((PKC,), jnp.int32),
            pltpu.VMEM((PKC,), jnp.int32),
            pltpu.VMEM((GLP,), jnp.int32),
            pltpu.VMEM((GLP,), jnp.int32),
            pltpu.VMEM((GLP,), jnp.int32),
            pltpu.VMEM((GLP,), jnp.int32),
            pltpu.VMEM((GLP, D), jnp.float32),
            pltpu.VMEM((GLP, D), jnp.float32),
            pltpu.VMEM((WB, D), jnp.float32),
            pltpu.VMEM_SHARED((ACC_ROWS, D), jnp.float32),
            pltpu.SemaphoreType.DMA,
            pltpu.SemaphoreType.DMA,
            pltpu.SemaphoreType.DMA,
            pltpu.SemaphoreType.DMA,
            pltpu.SemaphoreType.DMA,
            pltpu.SemaphoreType.DMA,
        ],
    )
    zeros = jnp.zeros((WB, D), jnp.float32)
    return k(table, packed, zeros).reshape(NC, ACC_ROWS, D)


NB = 10
BR = N // NB


def _table0_kernel(x_ref, w_ref, t_ref):
    for e in range(4):
        t_ref[e] = jnp.dot(x_ref[...], w_ref[e],
                           preferred_element_type=jnp.float32)


def _mk_table0(x, w4):
    return pl.pallas_call(
        _table0_kernel,
        grid=(NB,),
        in_specs=[
            pl.BlockSpec((BR, D), lambda i: (i, 0)),
            pl.BlockSpec((4, D, D), lambda i: (0, 0, 0)),
        ],
        out_specs=pl.BlockSpec((4, BR, D), lambda i: (0, i, 0)),
        out_shape=jax.ShapeDtypeStruct((4, N, D), jnp.float32),
    )(x, w4)


def _update_kernel(make_table, x_ref, p_ref, w_ref, t03_ref, cur_ref, t_ref):
    a = p_ref[0] + p_ref[1]
    h = x_ref[...] + jnp.maximum(a, 0.0)
    nrm = jnp.sqrt(jnp.sum(h * h, axis=1, keepdims=True))
    cur = h / jnp.maximum(nrm, 1e-12)
    cur_ref[...] = cur
    if make_table:
        for e in range(3):
            t_ref[e] = jnp.dot(cur, w_ref[e],
                               preferred_element_type=jnp.float32)
        t_ref[3] = t03_ref[0]


def _mk_update(x, parts, w3, t03):
    return pl.pallas_call(
        functools.partial(_update_kernel, True),
        grid=(NB,),
        in_specs=[
            pl.BlockSpec((BR, D), lambda i: (i, 0)),
            pl.BlockSpec((NC, BR, D), lambda i: (0, i, 0)),
            pl.BlockSpec((3, D, D), lambda i: (0, 0, 0)),
            pl.BlockSpec((1, BR, D), lambda i: (3, i, 0)),
        ],
        out_specs=[
            pl.BlockSpec((BR, D), lambda i: (i, 0)),
            pl.BlockSpec((4, BR, D), lambda i: (0, i, 0)),
        ],
        out_shape=[
            jax.ShapeDtypeStruct((N, D), jnp.float32),
            jax.ShapeDtypeStruct((4, N, D), jnp.float32),
        ],
    )(x, parts, w3, t03)


def _final_kernel(x_ref, p_ref, cur_ref):
    a = p_ref[0] + p_ref[1]
    h = x_ref[...] + jnp.maximum(a, 0.0)
    nrm = jnp.sqrt(jnp.sum(h * h, axis=1, keepdims=True))
    cur_ref[...] = h / jnp.maximum(nrm, 1e-12)


def _mk_final(x, parts):
    return pl.pallas_call(
        _final_kernel,
        grid=(NB,),
        in_specs=[
            pl.BlockSpec((BR, D), lambda i: (i, 0)),
            pl.BlockSpec((NC, BR, D), lambda i: (0, i, 0)),
        ],
        out_specs=pl.BlockSpec((BR, D), lambda i: (i, 0)),
        out_shape=jax.ShapeDtypeStruct((N, D), jnp.float32),
    )(x, parts)


def kernel(x, edge_index, edge_attr, W_t, W_edge, nu_kt, nu_edge):
    src = edge_index[0]
    dst = edge_index[1]
    hop = edge_attr[:, 0]
    etype = edge_attr[:, 1]

    pad = E_PAD - E
    zpad = jnp.zeros((pad,), jnp.int32)
    src_p = jnp.concatenate([src, zpad])
    et_p = jnp.concatenate([etype, zpad])
    hop_p = jnp.concatenate([hop, zpad])
    dst_p = jnp.concatenate(
        [dst, PAD_ROW + (jnp.arange(pad, dtype=jnp.int32) % 64)])

    packed = jnp.concatenate(
        [src_p.reshape(-1, CH), et_p.reshape(-1, CH),
         dst_p.reshape(-1, CH), hop_p.reshape(-1, CH)], axis=1).reshape(-1)

    w0 = jnp.concatenate(
        [W_edge[0] * nu_edge[0, :, None, None],
         (W_t[1] * nu_kt[1, 0])[None]], axis=0)
    w1 = W_edge[1] * nu_edge[1, :, None, None]

    t0 = _mk_table0(x, w0)
    parts0 = _sc_pass(False, t0.reshape(4 * N, D), packed)
    cur1, t1 = _mk_update(x, parts0, w1, t0)
    parts1 = _sc_pass(True, t1.reshape(4 * N, D), packed)
    return _mk_final(cur1, parts1)

# --- scband reference (transcript-rebuilt; emitter-appended) ---
"""Pipeline reference for scband-relational-delay-gnnlite-stage-75041668595838 (READ-ONLY COPY).

The authoritative reference and input builder live on the scoring server;
editing this copy changes nothing except your own understanding.
"""

import jax, jax.numpy as jnp
import numpy as np

N = 10000   # nodes
E = 320000  # edges
D = 128     # dim_in == dim_out
T = 2       # num_layers
NE = 3      # number of edge types (cfg.edge_types assumed ['0','1','2'])
RBAR = 1


def setup_inputs(seed: int = 0) -> dict:
    key = jax.random.key(seed)
    ks = jax.random.split(key, 8)
    x = jax.random.normal(ks[0], (N, D), dtype=jnp.float32)
    edge_index = jax.random.randint(ks[1], (2, E), 0, N, dtype=jnp.int32)
    # edge_attr[:,0] = hop k in {0,1,2}; edge_attr[:,1] = edge type in {0,1,2}
    edge_attr = jax.random.randint(ks[2], (E, 2), 0, 3, dtype=jnp.int32)
    # learned parameters (GNNLayer ~ linear transform + sum aggregation)
    W_t = jax.random.normal(ks[3], (T, D, D), dtype=jnp.float32) * (1.0 / np.sqrt(D))
    W_edge = jax.random.normal(ks[4], (T, NE, D, D), dtype=jnp.float32) * (1.0 / np.sqrt(D))
    nu_kt = jnp.ones((T, 1), dtype=jnp.float32)      # nu_kt[t, k-2], only (k=2,t=1) used
    nu_edge = jnp.ones((T, NE), dtype=jnp.float32)   # nu_edge[t, e], init 1.0 as in torch
    return {"x": x, "edge_index": edge_index, "edge_attr": edge_attr,
            "W_t": W_t, "W_edge": W_edge, "nu_kt": nu_kt, "nu_edge": nu_edge}


def _gnn_layer(x_in, src, dst, mask_f, W):
    # GNNLayer: linear transform then masked sum-aggregation (scatter-add over dst)
    h = x_in @ W
    msgs = h[src] * mask_f[:, None]
    return jax.ops.segment_sum(msgs, dst, num_segments=N)


def reference(x, edge_index, edge_attr, W_t, W_edge, nu_kt, nu_edge):
    src = edge_index[0]
    dst = edge_index[1]
    hop = edge_attr[:, 0]
    etype = edge_attr[:, 1]
    xs = []
    cur = x
    for t in range(T):
        xs.append(cur)
        acc = jnp.zeros_like(cur)
        # per-edge-type first-hop passes: A_edge(e)
        for e in range(NE):
            m = (etype == e).astype(cur.dtype)
            acc = acc + nu_edge[t, e] * _gnn_layer(xs[t], src, dst, m, W_edge[t, e])
        # delayed k-hop passes: A(k), k = 2..t+1
        for k in range(2, t + 2):
            m = (hop == k).astype(cur.dtype)
            delay = max(k - RBAR, 0)
            acc = acc + nu_kt[t, k - 2] * _gnn_layer(xs[t - delay], src, dst, m, W_t[t])
        cur = xs[t] + jax.nn.relu(acc)
        # cfg.gnn.l2norm = True -> F.normalize(x, p=2, dim=-1)
        cur = cur / jnp.maximum(jnp.linalg.norm(cur, axis=-1, keepdims=True), 1e-12)
    return cur

if __name__ == "__main__":
    import jax
    _d = setup_inputs()
    print(jax.jit(kernel)(*tuple(_d.values())))

</pallas_src>

<mosaic_0001>
#map = affine_map<(d0, d1) -> (0, 0)>
#map1 = affine_map<(d0, d1) -> (0)>
module attributes {stable_mosaic.version = 14 : i64} {
  func.func @body(%arg0: i32, %arg1: i32, %arg2: memref<40000x128xf32, #tpu.memory_space<hbm>>, %arg3: memref<1310720xi32, #tpu.memory_space<hbm>>, %arg4: memref<40x128xf32, #tpu.memory_space<hbm>>, %arg5: memref<20480x128xf32, #tpu.memory_space<hbm>>, %arg6: memref<256xi32, #tpu.memory_space<vmem>>, %arg7: memref<256xi32, #tpu.memory_space<vmem>>, %arg8: memref<64xi32, #tpu.memory_space<vmem>>, %arg9: memref<64xi32, #tpu.memory_space<vmem>>, %arg10: memref<64xi32, #tpu.memory_space<vmem>>, %arg11: memref<64xi32, #tpu.memory_space<vmem>>, %arg12: memref<64x128xf32, #tpu.memory_space<vmem>>, %arg13: memref<64x128xf32, #tpu.memory_space<vmem>>, %arg14: memref<40x128xf32, #tpu.memory_space<vmem>>, %arg15: memref<10240x128xf32, #tpu.memory_space<vmem_shared>>, %arg16: memref<!tpu.dma_semaphore, #tpu.memory_space<semaphore_mem>>, %arg17: memref<!tpu.dma_semaphore, #tpu.memory_space<semaphore_mem>>, %arg18: memref<!tpu.dma_semaphore, #tpu.memory_space<semaphore_mem>>, %arg19: memref<!tpu.dma_semaphore, #tpu.memory_space<semaphore_mem>>, %arg20: memref<!tpu.dma_semaphore, #tpu.memory_space<semaphore_mem>>, %arg21: memref<!tpu.dma_semaphore, #tpu.memory_space<semaphore_mem>>) attributes {dimension_semantics = [#tpu.dimension_semantics<core_parallel>, #tpu.dimension_semantics<subcore_parallel>], iteration_bounds = array<i64: 2, 16>, scalar_prefetch = 0 : i64, scratch_operands = 16 : i64, tpu.core_type = #tpu.core_type<sc_vector_subcore>, window_params = [{transform_indices = #map}, {transform_indices = #map1}, {transform_indices = #map}, {transform_indices = #map}]} {
    %mul3A = arith.constant 16 : i32
    %mul3A_0 = arith.muli %arg0, %mul3A : i32
    %add3A = arith.addi %mul3A_0, %arg1 : i32
    %mul3A_1 = arith.constant 160 : i32
    %mul3A_2 = arith.muli %add3A, %mul3A_1 : i32
    %mul3A_3 = arith.constant 256 : i32
    %mul3A_4 = arith.muli %mul3A_2, %mul3A_3 : i32
    %mul3A_5 = arith.constant 8 : i32
    %mul3A_6 = arith.muli %arg1, %mul3A_5 : i32
    %add3A_7 = arith.constant 10112 : i32
    %add3A_8 = arith.addi %add3A_7, %mul3A_6 : i32
    "tpu.region"() ({
      %run_scoped3A = tpu.sem_alloc : memref<!tpu.dma_semaphore, #tpu.memory_space<semaphore_mem>>
      tpu.enqueue_dma source(%arg4 : memref<40x128xf32, #tpu.memory_space<hbm>>) target(%arg14 : memref<40x128xf32, #tpu.memory_space<vmem>>) target_semaphore(%run_scoped3A : memref<!tpu.dma_semaphore, #tpu.memory_space<semaphore_mem>>)
      tpu.wait_dma2 semaphore(%run_scoped3A : memref<!tpu.dma_semaphore, #tpu.memory_space<semaphore_mem>>) src(%arg4 : memref<40x128xf32, #tpu.memory_space<hbm>>) dst(%arg14 : memref<40x128xf32, #tpu.memory_space<vmem>>)
      tpu.yield
    }) : () -> ()
    %scan3A = arith.constant 0 : i32
    %scan3A_9 = arith.constant 16 : i32
    %scan3A_10 = arith.addi %scan3A, %scan3A_9 : i32
    %scan3A_11 = arith.constant 1 : i32
    scf.for %scan3A_217 = %scan3A to %scan3A_10 step %scan3A_11  : i32 {
      %mul3A_218 = arith.constant 1 : i32
      %mul3A_219 = arith.muli %scan3A_217, %mul3A_218 : i32
      %add3A_220 = arith.constant 0 : i32
      %add3A_221 = arith.addi %add3A_220, %mul3A_219 : i32
      %mul3A_222 = arith.constant 640 : i32
      %mul3A_223 = arith.muli %arg1, %mul3A_222 : i32
      %mul3A_224 = arith.constant 40 : i32
      %mul3A_225 = arith.muli %add3A_221, %mul3A_224 : i32
      %add3A_226 = arith.addi %mul3A_223, %mul3A_225 : i32
      "tpu.region"() ({
        %run_scoped3A = tpu.sem_alloc : memref<!tpu.dma_semaphore, #tpu.memory_space<semaphore_mem>>
        %dma_start3A_227 = arith.constant 0 : i32
        %dma_start3A_228 = tpu.memref_slice %arg15[%add3A_226, %dma_start3A_227] : memref<10240x128xf32, #tpu.memory_space<vmem_shared>> -> memref<40x128xf32, #tpu.memory_space<vmem_shared>>
        %dma_start3A_229 = arith.constant 0 : i32
        %dma_start3A_230 = tpu.memref_slice %arg15[%add3A_226, %dma_start3A_229] : memref<10240x128xf32, #tpu.memory_space<vmem_shared>> -> memref<40x128xf32, #tpu.memory_space<vmem_shared>>
        tpu.enqueue_dma source(%arg14 : memref<40x128xf32, #tpu.memory_space<vmem>>) target(%dma_start3A_230 : memref<40x128xf32, #tpu.memory_space<vmem_shared>>) target_semaphore(%run_scoped3A : memref<!tpu.dma_semaphore, #tpu.memory_space<semaphore_mem>>)
        %dma_wait3A_231 = arith.constant 0 : i32
        %dma_wait3A_232 = tpu.memref_slice %arg15[%add3A_226, %dma_wait3A_231] : memref<10240x128xf32, #tpu.memory_space<vmem_shared>> -> memref<40x128xf32, #tpu.memory_space<vmem_shared>>
        %dma_wait3A_233 = arith.constant 0 : i32
        %dma_wait3A_234 = tpu.memref_slice %arg15[%add3A_226, %dma_wait3A_233] : memref<10240x128xf32, #tpu.memory_space<vmem_shared>> -> memref<40x128xf32, #tpu.memory_space<vmem_shared>>
        tpu.wait_dma2 semaphore(%run_scoped3A : memref<!tpu.dma_semaphore, #tpu.memory_space<semaphore_mem>>) src(%arg14 : memref<40x128xf32, #tpu.memory_space<vmem>>) dst(%dma_wait3A_234 : memref<40x128xf32, #tpu.memory_space<vmem_shared>>)
        tpu.yield
      }) : () -> ()
    }
    %scan3A_12 = arith.constant 16 : i32
    %barrier3A = arith.constant 0 : index
    tpu.barrier barrier_id(%barrier3A)
    %add3A_13 = arith.constant 0 : i32
    %add3A_14 = arith.addi %mul3A_4, %add3A_13 : i32
    %multiple_of3A = tpu.assume_multiple %add3A_14, 8 : i32
    %dma_start3A = tpu.memref_slice %arg3[%multiple_of3A] : memref<1310720xi32, #tpu.memory_space<hbm>> -> memref<256xi32, #tpu.memory_space<hbm>>
    %dma_start3A_15 = tpu.memref_slice %arg3[%multiple_of3A] : memref<1310720xi32, #tpu.memory_space<hbm>> -> memref<256xi32, #tpu.memory_space<hbm>>
    tpu.enqueue_dma source(%dma_start3A_15 : memref<256xi32, #tpu.memory_space<hbm>>) target(%arg6 : memref<256xi32, #tpu.memory_space<vmem>>) target_semaphore(%arg16 : memref<!tpu.dma_semaphore, #tpu.memory_space<semaphore_mem>>)
    %dma_wait3A = arith.constant 0 : i32
    %dma_wait3A_16 = tpu.memref_slice %arg3[%dma_wait3A] : memref<1310720xi32, #tpu.memory_space<hbm>> -> memref<256xi32, #tpu.memory_space<hbm>>
    %dma_wait3A_17 = arith.constant 0 : i32
    %dma_wait3A_18 = tpu.memref_slice %arg3[%dma_wait3A_17] : memref<1310720xi32, #tpu.memory_space<hbm>> -> memref<256xi32, #tpu.memory_space<hbm>>
    tpu.wait_dma2 semaphore(%arg16 : memref<!tpu.dma_semaphore, #tpu.memory_space<semaphore_mem>>) src(%dma_wait3A_18 : memref<256xi32, #tpu.memory_space<hbm>>) dst(%arg6 : memref<256xi32, #tpu.memory_space<vmem>>)
    %get3A = arith.constant 0 : index
    %get3A_19 = tpu.vector_load %arg6[%get3A] {strides = array<i32>} : memref<256xi32, #tpu.memory_space<vmem>>, vector<16xi32>,
    %get3A_20 = vector.shape_cast %get3A_19 : vector<16xi32> to vector<16xi32>
    %get3A_21 = arith.constant 64 : index
    %get3A_22 = tpu.vector_load %arg6[%get3A_21] {strides = array<i32>} : memref<256xi32, #tpu.memory_space<vmem>>, vector<16xi32>,
    %get3A_23 = vector.shape_cast %get3A_22 : vector<16xi32> to vector<16xi32>
    %get3A_24 = arith.constant 128 : index
    %get3A_25 = tpu.vector_load %arg6[%get3A_24] {strides = array<i32>} : memref<256xi32, #tpu.memory_space<vmem>>, vector<16xi32>,
    %get3A_26 = vector.shape_cast %get3A_25 : vector<16xi32> to vector<16xi32>
    %mul3A_27 = arith.constant 10000 : i32
    %mul3A_28 = vector.broadcast %mul3A_27 : i32 to vector<16xi32>
    %mul3A_29 = arith.muli %get3A_23, %mul3A_28 : vector<16xi32>
    %add3A_30 = arith.addi %mul3A_29, %get3A_20 : vector<16xi32>
    %swap3A = arith.constant 0 : index
    %swap3A_31 = tpu.vector_load %arg8[%swap3A] {strides = array<i32>} : memref<64xi32, #tpu.memory_space<vmem>>, vector<16xi32>,
    %swap3A_32 = vector.shape_cast %swap3A_31 : vector<16xi32> to vector<16xi32>
    %swap3A_33 = vector.shape_cast %add3A_30 : vector<16xi32> to vector<16xi32>
    tpu.vector_store %arg8[%swap3A], %swap3A_33 {strides = array<i32>} : memref<64xi32, #tpu.memory_space<vmem>>, vector<16xi32>,
    %swap3A_34 = arith.constant 0 : index
    %swap3A_35 = tpu.vector_load %arg10[%swap3A_34] {strides = array<i32>} : memref<64xi32, #tpu.memory_space<vmem>>, vector<16xi32>,
    %swap3A_36 = vector.shape_cast %swap3A_35 : vector<16xi32> to vector<16xi32>
    %swap3A_37 = vector.shape_cast %get3A_26 : vector<16xi32> to vector<16xi32>
    tpu.vector_store %arg10[%swap3A_34], %swap3A_37 {strides = array<i32>} : memref<64xi32, #tpu.memory_space<vmem>>, vector<16xi32>,
    %get3A_38 = arith.constant 16 : index
    %get3A_39 = tpu.vector_load %arg6[%get3A_38] {strides = array<i32>} : memref<256xi32, #tpu.memory_space<vmem>>, vector<16xi32>,
    %get3A_40 = vector.shape_cast %get3A_39 : vector<16xi32> to vector<16xi32>
    %get3A_41 = arith.constant 80 : index
    %get3A_42 = tpu.vector_load %arg6[%get3A_41] {strides = array<i32>} : memref<256xi32, #tpu.memory_space<vmem>>, vector<16xi32>,
    %get3A_43 = vector.shape_cast %get3A_42 : vector<16xi32> to vector<16xi32>
    %get3A_44 = arith.constant 144 : index
    %get3A_45 = tpu.vector_load %arg6[%get3A_44] {strides = array<i32>} : memref<256xi32, #tpu.memory_space<vmem>>, vector<16xi32>,
    %get3A_46 = vector.shape_cast %get3A_45 : vector<16xi32> to vector<16xi32>
    %mul3A_47 = arith.constant 10000 : i32
    %mul3A_48 = vector.broadcast %mul3A_47 : i32 to vector<16xi32>
    %mul3A_49 = arith.muli %get3A_43, %mul3A_48 : vector<16xi32>
    %add3A_50 = arith.addi %mul3A_49, %get3A_40 : vector<16xi32>
    %swap3A_51 = arith.constant 16 : index
    %swap3A_52 = tpu.vector_load %arg8[%swap3A_51] {strides = array<i32>} : memref<64xi32, #tpu.memory_space<vmem>>, vector<16xi32>,
    %swap3A_53 = vector.shape_cast %swap3A_52 : vector<16xi32> to vector<16xi32>
    %swap3A_54 = vector.shape_cast %add3A_50 : vector<16xi32> to vector<16xi32>
    tpu.vector_store %arg8[%swap3A_51], %swap3A_54 {strides = array<i32>} : memref<64xi32, #tpu.memory_space<vmem>>, vector<16xi32>,
    %swap3A_55 = arith.constant 16 : index
    %swap3A_56 = tpu.vector_load %arg10[%swap3A_55] {strides = array<i32>} : memref<64xi32, #tpu.memory_space<vmem>>, vector<16xi32>,
    %swap3A_57 = vector.shape_cast %swap3A_56 : vector<16xi32> to vector<16xi32>
    %swap3A_58 = vector.shape_cast %get3A_46 : vector<16xi32> to vector<16xi32>
    tpu.vector_store %arg10[%swap3A_55], %swap3A_58 {strides = array<i32>} : memref<64xi32, #tpu.memory_space<vmem>>, vector<16xi32>,
    %get3A_59 = arith.constant 32 : index
    %get3A_60 = tpu.vector_load %arg6[%get3A_59] {strides = array<i32>} : memref<256xi32, #tpu.memory_space<vmem>>, vector<16xi32>,
    %get3A_61 = vector.shape_cast %get3A_60 : vector<16xi32> to vector<16xi32>
    %get3A_62 = arith.constant 96 : index
    %get3A_63 = tpu.vector_load %arg6[%get3A_62] {strides = array<i32>} : memref<256xi32, #tpu.memory_space<vmem>>, vector<16xi32>,
    %get3A_64 = vector.shape_cast %get3A_63 : vector<16xi32> to vector<16xi32>
    %get3A_65 = arith.constant 160 : index
    %get3A_66 = tpu.vector_load %arg6[%get3A_65] {strides = array<i32>} : memref<256xi32, #tpu.memory_space<vmem>>, vector<16xi32>,
    %get3A_67 = vector.shape_cast %get3A_66 : vector<16xi32> to vector<16xi32>
    %mul3A_68 = arith.constant 10000 : i32
    %mul3A_69 = vector.broadcast %mul3A_68 : i32 to vector<16xi32>
    %mul3A_70 = arith.muli %get3A_64, %mul3A_69 : vector<16xi32>
    %add3A_71 = arith.addi %mul3A_70, %get3A_61 : vector<16xi32>
    %swap3A_72 = arith.constant 32 : index
    %swap3A_73 = tpu.vector_load %arg8[%swap3A_72] {strides = array<i32>} : memref<64xi32, #tpu.memory_space<vmem>>, vector<16xi32>,
    %swap3A_74 = vector.shape_cast %swap3A_73 : vector<16xi32> to vector<16xi32>
    %swap3A_75 = vector.shape_cast %add3A_71 : vector<16xi32> to vector<16xi32>
    tpu.vector_store %arg8[%swap3A_72], %swap3A_75 {strides = array<i32>} : memref<64xi32, #tpu.memory_space<vmem>>, vector<16xi32>,
    %swap3A_76 = arith.constant 32 : index
    %swap3A_77 = tpu.vector_load %arg10[%swap3A_76] {strides = array<i32>} : memref<64xi32, #tpu.memory_space<vmem>>, vector<16xi32>,
    %swap3A_78 = vector.shape_cast %swap3A_77 : vector<16xi32> to vector<16xi32>
    %swap3A_79 = vector.shape_cast %get3A_67 : vector<16xi32> to vector<16xi32>
    tpu.vector_store %arg10[%swap3A_76], %swap3A_79 {strides = array<i32>} : memref<64xi32, #tpu.memory_space<vmem>>, vector<16xi32>,
    %get3A_80 = arith.constant 48 : index
    %get3A_81 = tpu.vector_load %arg6[%get3A_80] {strides = array<i32>} : memref<256xi32, #tpu.memory_space<vmem>>, vector<16xi32>,
    %get3A_82 = vector.shape_cast %get3A_81 : vector<16xi32> to vector<16xi32>
    %get3A_83 = arith.constant 112 : index
    %get3A_84 = tpu.vector_load %arg6[%get3A_83] {strides = array<i32>} : memref<256xi32, #tpu.memory_space<vmem>>, vector<16xi32>,
    %get3A_85 = vector.shape_cast %get3A_84 : vector<16xi32> to vector<16xi32>
    %get3A_86 = arith.constant 176 : index
    %get3A_87 = tpu.vector_load %arg6[%get3A_86] {strides = array<i32>} : memref<256xi32, #tpu.memory_space<vmem>>, vector<16xi32>,
    %get3A_88 = vector.shape_cast %get3A_87 : vector<16xi32> to vector<16xi32>
    %mul3A_89 = arith.constant 10000 : i32
    %mul3A_90 = vector.broadcast %mul3A_89 : i32 to vector<16xi32>
    %mul3A_91 = arith.muli %get3A_85, %mul3A_90 : vector<16xi32>
    %add3A_92 = arith.addi %mul3A_91, %get3A_82 : vector<16xi32>
    %swap3A_93 = arith.constant 48 : index
    %swap3A_94 = tpu.vector_load %arg8[%swap3A_93] {strides = array<i32>} : memref<64xi32, #tpu.memory_space<vmem>>, vector<16xi32>,
    %swap3A_95 = vector.shape_cast %swap3A_94 : vector<16xi32> to vector<16xi32>
    %swap3A_96 = vector.shape_cast %add3A_92 : vector<16xi32> to vector<16xi32>
    tpu.vector_store %arg8[%swap3A_93], %swap3A_96 {strides = array<i32>} : memref<64xi32, #tpu.memory_space<vmem>>, vector<16xi32>,
    %swap3A_97 = arith.constant 48 : index
    %swap3A_98 = tpu.vector_load %arg10[%swap3A_97] {strides = array<i32>} : memref<64xi32, #tpu.memory_space<vmem>>, vector<16xi32>,
    %swap3A_99 = vector.shape_cast %swap3A_98 : vector<16xi32> to vector<16xi32>
    %swap3A_100 = vector.shape_cast %get3A_88 : vector<16xi32> to vector<16xi32>
    tpu.vector_store %arg10[%swap3A_97], %swap3A_100 {strides = array<i32>} : memref<64xi32, #tpu.memory_space<vmem>>, vector<16xi32>,
    %dma_start3A_101 = arith.constant 0 : i32
    %dma_start3A_102 = arith.constant 0 : i32
    %dma_start3A_103 = tpu.memref_slice %arg2[%dma_start3A_101, %dma_start3A_102] : memref<40000x128xf32, #tpu.memory_space<hbm>> -> memref<40000x128xf32, #tpu.memory_space<hbm>>
    tpu.enqueue_indirect_dma source(%dma_start3A_103 : memref<40000x128xf32, #tpu.memory_space<hbm>>) target(%arg12 : memref<64x128xf32, #tpu.memory_space<vmem>>) offsets(%arg8 : memref<64xi32, #tpu.memory_space<vmem>>) semaphore(%arg18 : memref<!tpu.dma_semaphore, #tpu.memory_space<semaphore_mem>>)
    %add3A_104 = arith.constant 256 : i32
    %add3A_105 = arith.addi %mul3A_4, %add3A_104 : i32
    %multiple_of3A_106 = tpu.assume_multiple %add3A_105, 8 : i32
    %dma_start3A_107 = tpu.memref_slice %arg3[%multiple_of3A_106] : memref<1310720xi32, #tpu.memory_space<hbm>> -> memref<256xi32, #tpu.memory_space<hbm>>
    %dma_start3A_108 = tpu.memref_slice %arg3[%multiple_of3A_106] : memref<1310720xi32, #tpu.memory_space<hbm>> -> memref<256xi32, #tpu.memory_space<hbm>>
    tpu.enqueue_dma source(%dma_start3A_108 : memref<256xi32, #tpu.memory_space<hbm>>) target(%arg7 : memref<256xi32, #tpu.memory_space<vmem>>) target_semaphore(%arg17 : memref<!tpu.dma_semaphore, #tpu.memory_space<semaphore_mem>>)
    %scan3A_109 = arith.constant 0 : i32
    %scan3A_110 = arith.constant 79 : i32
    %scan3A_111 = arith.addi %scan3A_109, %scan3A_110 : i32
    %scan3A_112 = arith.constant 1 : i32
    scf.for %scan3A_217 = %scan3A_109 to %scan3A_111 step %scan3A_112  : i32 {
      %mul3A_218 = arith.constant 1 : i32
      %mul3A_219 = arith.muli %scan3A_217, %mul3A_218 : i32
      %add3A_220 = arith.constant 0 : i32
      %add3A_221 = arith.addi %add3A_220, %mul3A_219 : i32
      %mul3A_222 = arith.constant 2 : i32
      %mul3A_223 = arith.muli %mul3A_222, %add3A_221 : i32
      %dma_wait3A_224 = arith.constant 0 : i32
      %dma_wait3A_225 = tpu.memref_slice %arg3[%dma_wait3A_224] : memref<1310720xi32, #tpu.memory_space<hbm>> -> memref<256xi32, #tpu.memory_space<hbm>>
      %dma_wait3A_226 = arith.constant 0 : i32
      %dma_wait3A_227 = tpu.memref_slice %arg3[%dma_wait3A_226] : memref<1310720xi32, #tpu.memory_space<hbm>> -> memref<256xi32, #tpu.memory_space<hbm>>
      tpu.wait_dma2 semaphore(%arg17 : memref<!tpu.dma_semaphore, #tpu.memory_space<semaphore_mem>>) src(%dma_wait3A_227 : memref<256xi32, #tpu.memory_space<hbm>>) dst(%arg7 : memref<256xi32, #tpu.memory_space<vmem>>)
      %get3A_228 = arith.constant 0 : index
      %get3A_229 = tpu.vector_load %arg7[%get3A_228] {strides = array<i32>} : memref<256xi32, #tpu.memory_space<vmem>>, vector<16xi32>,
      %get3A_230 = vector.shape_cast %get3A_229 : vector<16xi32> to vector<16xi32>
      %get3A_231 = arith.constant 64 : index
      %get3A_232 = tpu.vector_load %arg7[%get3A_231] {strides = array<i32>} : memref<256xi32, #tpu.memory_space<vmem>>, vector<16xi32>,
      %get3A_233 = vector.shape_cast %get3A_232 : vector<16xi32> to vector<16xi32>
      %get3A_234 = arith.constant 128 : index
      %get3A_235 = tpu.vector_load %arg7[%get3A_234] {strides = array<i32>} : memref<256xi32, #tpu.memory_space<vmem>>, vector<16xi32>,
      %get3A_236 = vector.shape_cast %get3A_235 : vector<16xi32> to vector<16xi32>
      %mul3A_237 = arith.constant 10000 : i32
      %mul3A_238 = vector.broadcast %mul3A_237 : i32 to vector<16xi32>
      %mul3A_239 = arith.muli %get3A_233, %mul3A_238 : vector<16xi32>
      %add3A_240 = arith.addi %mul3A_239, %get3A_230 : vector<16xi32>
      %swap3A_241 = arith.constant 0 : index
      %swap3A_242 = tpu.vector_load %arg9[%swap3A_241] {strides = array<i32>} : memref<64xi32, #tpu.memory_space<vmem>>, vector<16xi32>,
      %swap3A_243 = vector.shape_cast %swap3A_242 : vector<16xi32> to vector<16xi32>
      %swap3A_244 = vector.shape_cast %add3A_240 : vector<16xi32> to vector<16xi32>
      tpu.vector_store %arg9[%swap3A_241], %swap3A_244 {strides = array<i32>} : memref<64xi32, #tpu.memory_space<vmem>>, vector<16xi32>,
      %swap3A_245 = arith.constant 0 : index
      %swap3A_246 = tpu.vector_load %arg11[%swap3A_245] {strides = array<i32>} : memref<64xi32, #tpu.memory_space<vmem>>, vector<16xi32>,
      %swap3A_247 = vector.shape_cast %swap3A_246 : vector<16xi32> to vector<16xi32>
      %swap3A_248 = vector.shape_cast %get3A_236 : vector<16xi32> to vector<16xi32>
      tpu.vector_store %arg11[%swap3A_245], %swap3A_248 {strides = array<i32>} : memref<64xi32, #tpu.memory_space<vmem>>, vector<16xi32>,
      %get3A_249 = arith.constant 16 : index
      %get3A_250 = tpu.vector_load %arg7[%get3A_249] {strides = array<i32>} : memref<256xi32, #tpu.memory_space<vmem>>, vector<16xi32>,
      %get3A_251 = vector.shape_cast %get3A_250 : vector<16xi32> to vector<16xi32>
      %get3A_252 = arith.constant 80 : index
      %get3A_253 = tpu.vector_load %arg7[%get3A_252] {strides = array<i32>} : memref<256xi32, #tpu.memory_space<vmem>>, vector<16xi32>,
      %get3A_254 = vector.shape_cast %get3A_253 : vector<16xi32> to vector<16xi32>
      %get3A_255 = arith.constant 144 : index
      %get3A_256 = tpu.vector_load %arg7[%get3A_255] {strides = array<i32>} : memref<256xi32, #tpu.memory_space<vmem>>, vector<16xi32>,
      %get3A_257 = vector.shape_cast %get3A_256 : vector<16xi32> to vector<16xi32>
      %mul3A_258 = arith.constant 10000 : i32
      %mul3A_259 = vector.broadcast %mul3A_258 : i32 to vector<16xi32>
      %mul3A_260 = arith.muli %get3A_254, %mul3A_259 : vector<16xi32>
      %add3A_261 = arith.addi %mul3A_260, %get3A_251 : vector<16xi32>
      %swap3A_262 = arith.constant 16 : index
      %swap3A_263 = tpu.vector_load %arg9[%swap3A_262] {strides = array<i32>} : memref<64xi32, #tpu.memory_space<vmem>>, vector<16xi32>,
      %swap3A_264 = vector.shape_cast %swap3A_263 : vector<16xi32> to vector<16xi32>
      %swap3A_265 = vector.shape_cast %add3A_261 : vector<16xi32> to vector<16xi32>
      tpu.vector_store %arg9[%swap3A_262], %swap3A_265 {strides = array<i32>} : memref<64xi32, #tpu.memory_space<vmem>>, vector<16xi32>,
      %swap3A_266 = arith.constant 16 : index
      %swap3A_267 = tpu.vector_load %arg11[%swap3A_266] {strides = array<i32>} : memref<64xi32, #tpu.memory_space<vmem>>, vector<16xi32>,
      %swap3A_268 = vector.shape_cast %swap3A_267 : vector<16xi32> to vector<16xi32>
      %swap3A_269 = vector.shape_cast %get3A_257 : vector<16xi32> to vector<16xi32>
      tpu.vector_store %arg11[%swap3A_266], %swap3A_269 {strides = array<i32>} : memref<64xi32, #tpu.memory_space<vmem>>, vector<16xi32>,
      %get3A_270 = arith.constant 32 : index
      %get3A_271 = tpu.vector_load %arg7[%get3A_270] {strides = array<i32>} : memref<256xi32, #tpu.memory_space<vmem>>, vector<16xi32>,
      %get3A_272 = vector.shape_cast %get3A_271 : vector<16xi32> to vector<16xi32>
      %get3A_273 = arith.constant 96 : index
      %get3A_274 = tpu.vector_load %arg7[%get3A_273] {strides = array<i32>} : memref<256xi32, #tpu.memory_space<vmem>>, vector<16xi32>,
      %get3A_275 = vector.shape_cast %get3A_274 : vector<16xi32> to vector<16xi32>
      %get3A_276 = arith.constant 160 : index
      %get3A_277 = tpu.vector_load %arg7[%get3A_276] {strides = array<i32>} : memref<256xi32, #tpu.memory_space<vmem>>, vector<16xi32>,
      %get3A_278 = vector.shape_cast %get3A_277 : vector<16xi32> to vector<16xi32>
      %mul3A_279 = arith.constant 10000 : i32
      %mul3A_280 = vector.broadcast %mul3A_279 : i32 to vector<16xi32>
      %mul3A_281 = arith.muli %get3A_275, %mul3A_280 : vector<16xi32>
      %add3A_282 = arith.addi %mul3A_281, %get3A_272 : vector<16xi32>
      %swap3A_283 = arith.constant 32 : index
      %swap3A_284 = tpu.vector_load %arg9[%swap3A_283] {strides = array<i32>} : memref<64xi32, #tpu.memory_space<vmem>>, vector<16xi32>,
      %swap3A_285 = vector.shape_cast %swap3A_284 : vector<16xi32> to vector<16xi32>
      %swap3A_286 = vector.shape_cast %add3A_282 : vector<16xi32> to vector<16xi32>
      tpu.vector_store %arg9[%swap3A_283], %swap3A_286 {strides = array<i32>} : memref<64xi32, #tpu.memory_space<vmem>>, vector<16xi32>,
      %swap3A_287 = arith.constant 32 : index
      %swap3A_288 = tpu.vector_load %arg11[%swap3A_287] {strides = array<i32>} : memref<64xi32, #tpu.memory_space<vmem>>, vector<16xi32>,
      %swap3A_289 = vector.shape_cast %swap3A_288 : vector<16xi32> to vector<16xi32>
      %swap3A_290 = vector.shape_cast %get3A_278 : vector<16xi32> to vector<16xi32>
      tpu.vector_store %arg11[%swap3A_287], %swap3A_290 {strides = array<i32>} : memref<64xi32, #tpu.memory_space<vmem>>, vector<16xi32>,
      %get3A_291 = arith.constant 48 : index
      %get3A_292 = tpu.vector_load %arg7[%get3A_291] {strides = array<i32>} : memref<256xi32, #tpu.memory_space<vmem>>, vector<16xi32>,
      %get3A_293 = vector.shape_cast %get3A_292 : vector<16xi32> to vector<16xi32>
      %get3A_294 = arith.constant 112 : index
      %get3A_295 = tpu.vector_load %arg7[%get3A_294] {strides = array<i32>} : memref<256xi32, #tpu.memory_space<vmem>>, vector<16xi32>,
      %get3A_296 = vector.shape_cast %get3A_295 : vector<16xi32> to vector<16xi32>
      %get3A_297 = arith.constant 176 : index
      %get3A_298 = tpu.vector_load %arg7[%get3A_297] {strides = array<i32>} : memref<256xi32, #tpu.memory_space<vmem>>, vector<16xi32>,
      %get3A_299 = vector.shape_cast %get3A_298 : vector<16xi32> to vector<16xi32>
      %mul3A_300 = arith.constant 10000 : i32
      %mul3A_301 = vector.broadcast %mul3A_300 : i32 to vector<16xi32>
      %mul3A_302 = arith.muli %get3A_296, %mul3A_301 : vector<16xi32>
      %add3A_303 = arith.addi %mul3A_302, %get3A_293 : vector<16xi32>
      %swap3A_304 = arith.constant 48 : index
      %swap3A_305 = tpu.vector_load %arg9[%swap3A_304] {strides = array<i32>} : memref<64xi32, #tpu.memory_space<vmem>>, vector<16xi32>,
      %swap3A_306 = vector.shape_cast %swap3A_305 : vector<16xi32> to vector<16xi32>
      %swap3A_307 = vector.shape_cast %add3A_303 : vector<16xi32> to vector<16xi32>
      tpu.vector_store %arg9[%swap3A_304], %swap3A_307 {strides = array<i32>} : memref<64xi32, #tpu.memory_space<vmem>>, vector<16xi32>,
      %swap3A_308 = arith.constant 48 : index
      %swap3A_309 = tpu.vector_load %arg11[%swap3A_308] {strides = array<i32>} : memref<64xi32, #tpu.memory_space<vmem>>, vector<16xi32>,
      %swap3A_310 = vector.shape_cast %swap3A_309 : vector<16xi32> to vector<16xi32>
      %swap3A_311 = vector.shape_cast %get3A_299 : vector<16xi32> to vector<16xi32>
      tpu.vector_store %arg11[%swap3A_308], %swap3A_311 {strides = array<i32>} : memref<64xi32, #tpu.memory_space<vmem>>, vector<16xi32>,
      %dma_wait3A_312 = arith.constant 0 : i32
      %dma_wait3A_313 = arith.constant 0 : i32
      %dma_wait3A_314 = tpu.memref_slice %arg2[%dma_wait3A_312, %dma_wait3A_313] : memref<40000x128xf32, #tpu.memory_space<hbm>> -> memref<40000x128xf32, #tpu.memory_space<hbm>>
      tpu.wait_indirect_dma semaphore(%arg18 : memref<!tpu.dma_semaphore, #tpu.memory_space<semaphore_mem>>) src(%dma_wait3A_314 : memref<40000x128xf32, #tpu.memory_space<hbm>>) dst(%arg12 : memref<64x128xf32, #tpu.memory_space<vmem>>)
      %dma_start3A_315 = arith.constant 0 : i32
      %dma_start3A_316 = arith.constant 0 : i32
      %dma_start3A_317 = tpu.memref_slice %arg2[%dma_start3A_315, %dma_start3A_316] : memref<40000x128xf32, #tpu.memory_space<hbm>> -> memref<40000x128xf32, #tpu.memory_space<hbm>>
      tpu.enqueue_indirect_dma source(%dma_start3A_317 : memref<40000x128xf32, #tpu.memory_space<hbm>>) target(%arg13 : memref<64x128xf32, #tpu.memory_space<vmem>>) offsets(%arg9 : memref<64xi32, #tpu.memory_space<vmem>>) semaphore(%arg19 : memref<!tpu.dma_semaphore, #tpu.memory_space<semaphore_mem>>)
      %add3A_318 = arith.constant 2 : i32
      %add3A_319 = arith.addi %mul3A_223, %add3A_318 : i32
      %mul3A_320 = arith.constant 256 : i32
      %mul3A_321 = arith.muli %add3A_319, %mul3A_320 : i32
      %add3A_322 = arith.addi %mul3A_4, %mul3A_321 : i32
      %multiple_of3A_323 = tpu.assume_multiple %add3A_322, 8 : i32
      %dma_start3A_324 = tpu.memref_slice %arg3[%multiple_of3A_323] : memref<1310720xi32, #tpu.memory_space<hbm>> -> memref<256xi32, #tpu.memory_space<hbm>>
      %dma_start3A_325 = tpu.memref_slice %arg3[%multiple_of3A_323] : memref<1310720xi32, #tpu.memory_space<hbm>> -> memref<256xi32, #tpu.memory_space<hbm>>
      tpu.enqueue_dma source(%dma_start3A_325 : memref<256xi32, #tpu.memory_space<hbm>>) target(%arg6 : memref<256xi32, #tpu.memory_space<vmem>>) target_semaphore(%arg16 : memref<!tpu.dma_semaphore, #tpu.memory_space<semaphore_mem>>)
      "tpu.region"() ({
        %run_scoped3A = tpu.sem_alloc : memref<!tpu.dma_semaphore, #tpu.memory_space<semaphore_mem>>
        %dma_start3A_432 = arith.constant 0 : i32
        %dma_start3A_433 = arith.constant 0 : i32
        %dma_start3A_434 = tpu.memref_slice %arg15[%dma_start3A_432, %dma_start3A_433] : memref<10240x128xf32, #tpu.memory_space<vmem_shared>> -> memref<10240x128xf32, #tpu.memory_space<vmem_shared>>
        tpu.enqueue_indirect_dma source(%arg12 : memref<64x128xf32, #tpu.memory_space<vmem>>) target(%dma_start3A_434 : memref<10240x128xf32, #tpu.memory_space<vmem_shared>>) offsets(%arg10 : memref<64xi32, #tpu.memory_space<vmem>>) semaphore(%run_scoped3A : memref<!tpu.dma_semaphore, #tpu.memory_space<semaphore_mem>>) {add = true}
        %dma_wait3A_435 = arith.constant 0 : i32
        %dma_wait3A_436 = arith.constant 0 : i32
        %dma_wait3A_437 = tpu.memref_slice %arg15[%dma_wait3A_435, %dma_wait3A_436] : memref<10240x128xf32, #tpu.memory_space<vmem_shared>> -> memref<10240x128xf32, #tpu.memory_space<vmem_shared>>
        tpu.wait_indirect_dma semaphore(%run_scoped3A : memref<!tpu.dma_semaphore, #tpu.memory_space<semaphore_mem>>) src(%arg12 : memref<64x128xf32, #tpu.memory_space<vmem>>) dst(%dma_wait3A_437 : memref<10240x128xf32, #tpu.memory_space<vmem_shared>>)
        tpu.yield
      }) : () -> ()
      %mul3A_326 = arith.constant 2 : i32
      %mul3A_327 = arith.muli %mul3A_326, %add3A_221 : i32
      %add3A_328 = arith.constant 1 : i32
      %add3A_329 = arith.addi %mul3A_327, %add3A_328 : i32
      %dma_wait3A_330 = arith.constant 0 : i32
      %dma_wait3A_331 = tpu.memref_slice %arg3[%dma_wait3A_330] : memref<1310720xi32, #tpu.memory_space<hbm>> -> memref<256xi32, #tpu.memory_space<hbm>>
      %dma_wait3A_332 = arith.constant 0 : i32
      %dma_wait3A_333 = tpu.memref_slice %arg3[%dma_wait3A_332] : memref<1310720xi32, #tpu.memory_space<hbm>> -> memref<256xi32, #tpu.memory_space<hbm>>
      tpu.wait_dma2 semaphore(%arg16 : memref<!tpu.dma_semaphore, #tpu.memory_space<semaphore_mem>>) src(%dma_wait3A_333 : memref<256xi32, #tpu.memory_space<hbm>>) dst(%arg6 : memref<256xi32, #tpu.memory_space<vmem>>)
      %get3A_334 = arith.constant 0 : index
      %get3A_335 = tpu.vector_load %arg6[%get3A_334] {strides = array<i32>} : memref<256xi32, #tpu.memory_space<vmem>>, vector<16xi32>,
      %get3A_336 = vector.shape_cast %get3A_335 : vector<16xi32> to vector<16xi32>
      %get3A_337 = arith.constant 64 : index
      %get3A_338 = tpu.vector_load %arg6[%get3A_337] {strides = array<i32>} : memref<256xi32, #tpu.memory_space<vmem>>, vector<16xi32>,
      %get3A_339 = vector.shape_cast %get3A_338 : vector<16xi32> to vector<16xi32>
      %get3A_340 = arith.constant 128 : index
      %get3A_341 = tpu.vector_load %arg6[%get3A_340] {strides = array<i32>} : memref<256xi32, #tpu.memory_space<vmem>>, vector<16xi32>,
      %get3A_342 = vector.shape_cast %get3A_341 : vector<16xi32> to vector<16xi32>
      %mul3A_343 = arith.constant 10000 : i32
      %mul3A_344 = vector.broadcast %mul3A_343 : i32 to vector<16xi32>
      %mul3A_345 = arith.muli %get3A_339, %mul3A_344 : vector<16xi32>
      %add3A_346 = arith.addi %mul3A_345, %get3A_336 : vector<16xi32>
      %swap3A_347 = arith.constant 0 : index
      %swap3A_348 = tpu.vector_load %arg8[%swap3A_347] {strides = array<i32>} : memref<64xi32, #tpu.memory_space<vmem>>, vector<16xi32>,
      %swap3A_349 = vector.shape_cast %swap3A_348 : vector<16xi32> to vector<16xi32>
      %swap3A_350 = vector.shape_cast %add3A_346 : vector<16xi32> to vector<16xi32>
      tpu.vector_store %arg8[%swap3A_347], %swap3A_350 {strides = array<i32>} : memref<64xi32, #tpu.memory_space<vmem>>, vector<16xi32>,
      %swap3A_351 = arith.constant 0 : index
      %swap3A_352 = tpu.vector_load %arg10[%swap3A_351] {strides = array<i32>} : memref<64xi32, #tpu.memory_space<vmem>>, vector<16xi32>,
      %swap3A_353 = vector.shape_cast %swap3A_352 : vector<16xi32> to vector<16xi32>
      %swap3A_354 = vector.shape_cast %get3A_342 : vector<16xi32> to vector<16xi32>
      tpu.vector_store %arg10[%swap3A_351], %swap3A_354 {strides = array<i32>} : memref<64xi32, #tpu.memory_space<vmem>>, vector<16xi32>,
      %get3A_355 = arith.constant 16 : index
      %get3A_356 = tpu.vector_load %arg6[%get3A_355] {strides = array<i32>} : memref<256xi32, #tpu.memory_space<vmem>>, vector<16xi32>,
      %get3A_357 = vector.shape_cast %get3A_356 : vector<16xi32> to vector<16xi32>
      %get3A_358 = arith.constant 80 : index
      %get3A_359 = tpu.vector_load %arg6[%get3A_358] {strides = array<i32>} : memref<256xi32, #tpu.memory_space<vmem>>, vector<16xi32>,
      %get3A_360 = vector.shape_cast %get3A_359 : vector<16xi32> to vector<16xi32>
      %get3A_361 = arith.constant 144 : index
      %get3A_362 = tpu.vector_load %arg6[%get3A_361] {strides = array<i32>} : memref<256xi32, #tpu.memory_space<vmem>>, vector<16xi32>,
      %get3A_363 = vector.shape_cast %get3A_362 : vector<16xi32> to vector<16xi32>
      %mul3A_364 = arith.constant 10000 : i32
      %mul3A_365 = vector.broadcast %mul3A_364 : i32 to vector<16xi32>
      %mul3A_366 = arith.muli %get3A_360, %mul3A_365 : vector<16xi32>
      %add3A_367 = arith.addi %mul3A_366, %get3A_357 : vector<16xi32>
      %swap3A_368 = arith.constant 16 : index
      %swap3A_369 = tpu.vector_load %arg8[%swap3A_368] {strides = array<i32>} : memref<64xi32, #tpu.memory_space<vmem>>, vector<16xi32>,
      %swap3A_370 = vector.shape_cast %swap3A_369 : vector<16xi32> to vector<16xi32>
      %swap3A_371 = vector.shape_cast %add3A_367 : vector<16xi32> to vector<16xi32>
      tpu.vector_store %arg8[%swap3A_368], %swap3A_371 {strides = array<i32>} : memref<64xi32, #tpu.memory_space<vmem>>, vector<16xi32>,
      %swap3A_372 = arith.constant 16 : index
      %swap3A_373 = tpu.vector_load %arg10[%swap3A_372] {strides = array<i32>} : memref<64xi32, #tpu.memory_space<vmem>>, vector<16xi32>,
      %swap3A_374 = vector.shape_cast %swap3A_373 : vector<16xi32> to vector<16xi32>
      %swap3A_375 = vector.shape_cast %get3A_363 : vector<16xi32> to vector<16xi32>
      tpu.vector_store %arg10[%swap3A_372], %swap3A_375 {strides = array<i32>} : memref<64xi32, #tpu.memory_space<vmem>>, vector<16xi32>,
      %get3A_376 = arith.constant 32 : index
      %get3A_377 = tpu.vector_load %arg6[%get3A_376] {strides = array<i32>} : memref<256xi32, #tpu.memory_space<vmem>>, vector<16xi32>,
      %get3A_378 = vector.shape_cast %get3A_377 : vector<16xi32> to vector<16xi32>
      %get3A_379 = arith.constant 96 : index
      %get3A_380 = tpu.vector_load %arg6[%get3A_379] {strides = array<i32>} : memref<256xi32, #tpu.memory_space<vmem>>, vector<16xi32>,
      %get3A_381 = vector.shape_cast %get3A_380 : vector<16xi32> to vector<16xi32>
      %get3A_382 = arith.constant 160 : index
      %get3A_383 = tpu.vector_load %arg6[%get3A_382] {strides = array<i32>} : memref<256xi32, #tpu.memory_space<vmem>>, vector<16xi32>,
      %get3A_384 = vector.shape_cast %get3A_383 : vector<16xi32> to vector<16xi32>
      %mul3A_385 = arith.constant 10000 : i32
      %mul3A_386 = vector.broadcast %mul3A_385 : i32 to vector<16xi32>
      %mul3A_387 = arith.muli %get3A_381, %mul3A_386 : vector<16xi32>
      %add3A_388 = arith.addi %mul3A_387, %get3A_378 : vector<16xi32>
      %swap3A_389 = arith.constant 32 : index
      %swap3A_390 = tpu.vector_load %arg8[%swap3A_389] {strides = array<i32>} : memref<64xi32, #tpu.memory_space<vmem>>, vector<16xi32>,
      %swap3A_391 = vector.shape_cast %swap3A_390 : vector<16xi32> to vector<16xi32>
      %swap3A_392 = vector.shape_cast %add3A_388 : vector<16xi32> to vector<16xi32>
      tpu.vector_store %arg8[%swap3A_389], %swap3A_392 {strides = array<i32>} : memref<64xi32, #tpu.memory_space<vmem>>, vector<16xi32>,
      %swap3A_393 = arith.constant 32 : index
      %swap3A_394 = tpu.vector_load %arg10[%swap3A_393] {strides = array<i32>} : memref<64xi32, #tpu.memory_space<vmem>>, vector<16xi32>,
      %swap3A_395 = vector.shape_cast %swap3A_394 : vector<16xi32> to vector<16xi32>
      %swap3A_396 = vector.shape_cast %get3A_384 : vector<16xi32> to vector<16xi32>
      tpu.vector_store %arg10[%swap3A_393], %swap3A_396 {strides = array<i32>} : memref<64xi32, #tpu.memory_space<vmem>>, vector<16xi32>,
      %get3A_397 = arith.constant 48 : index
      %get3A_398 = tpu.vector_load %arg6[%get3A_397] {strides = array<i32>} : memref<256xi32, #tpu.memory_space<vmem>>, vector<16xi32>,
      %get3A_399 = vector.shape_cast %get3A_398 : vector<16xi32> to vector<16xi32>
      %get3A_400 = arith.constant 112 : index
      %get3A_401 = tpu.vector_load %arg6[%get3A_400] {strides = array<i32>} : memref<256xi32, #tpu.memory_space<vmem>>, vector<16xi32>,
      %get3A_402 = vector.shape_cast %get3A_401 : vector<16xi32> to vector<16xi32>
      %get3A_403 = arith.constant 176 : index
      %get3A_404 = tpu.vector_load %arg6[%get3A_403] {strides = array<i32>} : memref<256xi32, #tpu.memory_space<vmem>>, vector<16xi32>,
      %get3A_405 = vector.shape_cast %get3A_404 : vector<16xi32> to vector<16xi32>
      %mul3A_406 = arith.constant 10000 : i32
      %mul3A_407 = vector.broadcast %mul3A_406 : i32 to vector<16xi32>
      %mul3A_408 = arith.muli %get3A_402, %mul3A_407 : vector<16xi32>
      %add3A_409 = arith.addi %mul3A_408, %get3A_399 : vector<16xi32>
      %swap3A_410 = arith.constant 48 : index
      %swap3A_411 = tpu.vector_load %arg8[%swap3A_410] {strides = array<i32>} : memref<64xi32, #tpu.memory_space<vmem>>, vector<16xi32>,
      %swap3A_412 = vector.shape_cast %swap3A_411 : vector<16xi32> to vector<16xi32>
      %swap3A_413 = vector.shape_cast %add3A_409 : vector<16xi32> to vector<16xi32>
      tpu.vector_store %arg8[%swap3A_410], %swap3A_413 {strides = array<i32>} : memref<64xi32, #tpu.memory_space<vmem>>, vector<16xi32>,
      %swap3A_414 = arith.constant 48 : index
      %swap3A_415 = tpu.vector_load %arg10[%swap3A_414] {strides = array<i32>} : memref<64xi32, #tpu.memory_space<vmem>>, vector<16xi32>,
      %swap3A_416 = vector.shape_cast %swap3A_415 : vector<16xi32> to vector<16xi32>
      %swap3A_417 = vector.shape_cast %get3A_405 : vector<16xi32> to vector<16xi32>
      tpu.vector_store %arg10[%swap3A_414], %swap3A_417 {strides = array<i32>} : memref<64xi32, #tpu.memory_space<vmem>>, vector<16xi32>,
      %dma_wait3A_418 = arith.constant 0 : i32
      %dma_wait3A_419 = arith.constant 0 : i32
      %dma_wait3A_420 = tpu.memref_slice %arg2[%dma_wait3A_418, %dma_wait3A_419] : memref<40000x128xf32, #tpu.memory_space<hbm>> -> memref<40000x128xf32, #tpu.memory_space<hbm>>
      tpu.wait_indirect_dma semaphore(%arg19 : memref<!tpu.dma_semaphore, #tpu.memory_space<semaphore_mem>>) src(%dma_wait3A_420 : memref<40000x128xf32, #tpu.memory_space<hbm>>) dst(%arg13 : memref<64x128xf32, #tpu.memory_space<vmem>>)
      %dma_start3A_421 = arith.constant 0 : i32
      %dma_start3A_422 = arith.constant 0 : i32
      %dma_start3A_423 = tpu.memref_slice %arg2[%dma_start3A_421, %dma_start3A_422] : memref<40000x128xf32, #tpu.memory_space<hbm>> -> memref<40000x128xf32, #tpu.memory_space<hbm>>
      tpu.enqueue_indirect_dma source(%dma_start3A_423 : memref<40000x128xf32, #tpu.memory_space<hbm>>) target(%arg12 : memref<64x128xf32, #tpu.memory_space<vmem>>) offsets(%arg8 : memref<64xi32, #tpu.memory_space<vmem>>) semaphore(%arg18 : memref<!tpu.dma_semaphore, #tpu.memory_space<semaphore_mem>>)
      %add3A_424 = arith.constant 2 : i32
      %add3A_425 = arith.addi %add3A_329, %add3A_424 : i32
      %mul3A_426 = arith.constant 256 : i32
      %mul3A_427 = arith.muli %add3A_425, %mul3A_426 : i32
      %add3A_428 = arith.addi %mul3A_4, %mul3A_427 : i32
      %multiple_of3A_429 = tpu.assume_multiple %add3A_428, 8 : i32
      %dma_start3A_430 = tpu.memref_slice %arg3[%multiple_of3A_429] : memref<1310720xi32, #tpu.memory_space<hbm>> -> memref<256xi32, #tpu.memory_space<hbm>>
      %dma_start3A_431 = tpu.memref_slice %arg3[%multiple_of3A_429] : memref<1310720xi32, #tpu.memory_space<hbm>> -> memref<256xi32, #tpu.memory_space<hbm>>
      tpu.enqueue_dma source(%dma_start3A_431 : memref<256xi32, #tpu.memory_space<hbm>>) target(%arg7 : memref<256xi32, #tpu.memory_space<vmem>>) target_semaphore(%arg17 : memref<!tpu.dma_semaphore, #tpu.memory_space<semaphore_mem>>)
      "tpu.region"() ({
        %run_scoped3A = tpu.sem_alloc : memref<!tpu.dma_semaphore, #tpu.memory_space<semaphore_mem>>
        %dma_start3A_432 = arith.constant 0 : i32
        %dma_start3A_433 = arith.constant 0 : i32
        %dma_start3A_434 = tpu.memref_slice %arg15[%dma_start3A_432, %dma_start3A_433] : memref<10240x128xf32, #tpu.memory_space<vmem_shared>> -> memref<10240x128xf32, #tpu.memory_space<vmem_shared>>
        tpu.enqueue_indirect_dma source(%arg13 : memref<64x128xf32, #tpu.memory_space<vmem>>) target(%dma_start3A_434 : memref<10240x128xf32, #tpu.memory_space<vmem_shared>>) offsets(%arg11 : memref<64xi32, #tpu.memory_space<vmem>>) semaphore(%run_scoped3A : memref<!tpu.dma_semaphore, #tpu.memory_space<semaphore_mem>>) {add = true}
        %dma_wait3A_435 = arith.constant 0 : i32
        %dma_wait3A_436 = arith.constant 0 : i32
        %dma_wait3A_437 = tpu.memref_slice %arg15[%dma_wait3A_435, %dma_wait3A_436] : memref<10240x128xf32, #tpu.memory_space<vmem_shared>> -> memref<10240x128xf32, #tpu.memory_space<vmem_shared>>
        tpu.wait_indirect_dma semaphore(%run_scoped3A : memref<!tpu.dma_semaphore, #tpu.memory_space<semaphore_mem>>) src(%arg13 : memref<64x128xf32, #tpu.memory_space<vmem>>) dst(%dma_wait3A_437 : memref<10240x128xf32, #tpu.memory_space<vmem_shared>>)
        tpu.yield
      }) : () -> ()
    }
    %scan3A_113 = arith.constant 79 : i32
    %dma_wait3A_114 = arith.constant 0 : i32
    %dma_wait3A_115 = tpu.memref_slice %arg3[%dma_wait3A_114] : memref<1310720xi32, #tpu.memory_space<hbm>> -> memref<256xi32, #tpu.memory_space<hbm>>
    %dma_wait3A_116 = arith.constant 0 : i32
    %dma_wait3A_117 = tpu.memref_slice %arg3[%dma_wait3A_116] : memref<1310720xi32, #tpu.memory_space<hbm>> -> memref<256xi32, #tpu.memory_space<hbm>>
    tpu.wait_dma2 semaphore(%arg17 : memref<!tpu.dma_semaphore, #tpu.memory_space<semaphore_mem>>) src(%dma_wait3A_117 : memref<256xi32, #tpu.memory_space<hbm>>) dst(%arg7 : memref<256xi32, #tpu.memory_space<vmem>>)
    %get3A_118 = arith.constant 0 : index
    %get3A_119 = tpu.vector_load %arg7[%get3A_118] {strides = array<i32>} : memref<256xi32, #tpu.memory_space<vmem>>, vector<16xi32>,
    %get3A_120 = vector.shape_cast %get3A_119 : vector<16xi32> to vector<16xi32>
    %get3A_121 = arith.constant 64 : index
    %get3A_122 = tpu.vector_load %arg7[%get3A_121] {strides = array<i32>} : memref<256xi32, #tpu.memory_space<vmem>>, vector<16xi32>,
    %get3A_123 = vector.shape_cast %get3A_122 : vector<16xi32> to vector<16xi32>
    %get3A_124 = arith.constant 128 : index
    %get3A_125 = tpu.vector_load %arg7[%get3A_124] {strides = array<i32>} : memref<256xi32, #tpu.memory_space<vmem>>, vector<16xi32>,
    %get3A_126 = vector.shape_cast %get3A_125 : vector<16xi32> to vector<16xi32>
    %mul3A_127 = arith.constant 10000 : i32
    %mul3A_128 = vector.broadcast %mul3A_127 : i32 to vector<16xi32>
    %mul3A_129 = arith.muli %get3A_123, %mul3A_128 : vector<16xi32>
    %add3A_130 = arith.addi %mul3A_129, %get3A_120 : vector<16xi32>
    %swap3A_131 = arith.constant 0 : index
    %swap3A_132 = tpu.vector_load %arg9[%swap3A_131] {strides = array<i32>} : memref<64xi32, #tpu.memory_space<vmem>>, vector<16xi32>,
    %swap3A_133 = vector.shape_cast %swap3A_132 : vector<16xi32> to vector<16xi32>
    %swap3A_134 = vector.shape_cast %add3A_130 : vector<16xi32> to vector<16xi32>
    tpu.vector_store %arg9[%swap3A_131], %swap3A_134 {strides = array<i32>} : memref<64xi32, #tpu.memory_space<vmem>>, vector<16xi32>,
    %swap3A_135 = arith.constant 0 : index
    %swap3A_136 = tpu.vector_load %arg11[%swap3A_135] {strides = array<i32>} : memref<64xi32, #tpu.memory_space<vmem>>, vector<16xi32>,
    %swap3A_137 = vector.shape_cast %swap3A_136 : vector<16xi32> to vector<16xi32>
    %swap3A_138 = vector.shape_cast %get3A_126 : vector<16xi32> to vector<16xi32>
    tpu.vector_store %arg11[%swap3A_135], %swap3A_138 {strides = array<i32>} : memref<64xi32, #tpu.memory_space<vmem>>, vector<16xi32>,
    %get3A_139 = arith.constant 16 : index
    %get3A_140 = tpu.vector_load %arg7[%get3A_139] {strides = array<i32>} : memref<256xi32, #tpu.memory_space<vmem>>, vector<16xi32>,
    %get3A_141 = vector.shape_cast %get3A_140 : vector<16xi32> to vector<16xi32>
    %get3A_142 = arith.constant 80 : index
    %get3A_143 = tpu.vector_load %arg7[%get3A_142] {strides = array<i32>} : memref<256xi32, #tpu.memory_space<vmem>>, vector<16xi32>,
    %get3A_144 = vector.shape_cast %get3A_143 : vector<16xi32> to vector<16xi32>
    %get3A_145 = arith.constant 144 : index
    %get3A_146 = tpu.vector_load %arg7[%get3A_145] {strides = array<i32>} : memref<256xi32, #tpu.memory_space<vmem>>, vector<16xi32>,
    %get3A_147 = vector.shape_cast %get3A_146 : vector<16xi32> to vector<16xi32>
    %mul3A_148 = arith.constant 10000 : i32
    %mul3A_149 = vector.broadcast %mul3A_148 : i32 to vector<16xi32>
    %mul3A_150 = arith.muli %get3A_144, %mul3A_149 : vector<16xi32>
    %add3A_151 = arith.addi %mul3A_150, %get3A_141 : vector<16xi32>
    %swap3A_152 = arith.constant 16 : index
    %swap3A_153 = tpu.vector_load %arg9[%swap3A_152] {strides = array<i32>} : memref<64xi32, #tpu.memory_space<vmem>>, vector<16xi32>,
    %swap3A_154 = vector.shape_cast %swap3A_153 : vector<16xi32> to vector<16xi32>
    %swap3A_155 = vector.shape_cast %add3A_151 : vector<16xi32> to vector<16xi32>
    tpu.vector_store %arg9[%swap3A_152], %swap3A_155 {strides = array<i32>} : memref<64xi32, #tpu.memory_space<vmem>>, vector<16xi32>,
    %swap3A_156 = arith.constant 16 : index
    %swap3A_157 = tpu.vector_load %arg11[%swap3A_156] {strides = array<i32>} : memref<64xi32, #tpu.memory_space<vmem>>, vector<16xi32>,
    %swap3A_158 = vector.shape_cast %swap3A_157 : vector<16xi32> to vector<16xi32>
    %swap3A_159 = vector.shape_cast %get3A_147 : vector<16xi32> to vector<16xi32>
    tpu.vector_store %arg11[%swap3A_156], %swap3A_159 {strides = array<i32>} : memref<64xi32, #tpu.memory_space<vmem>>, vector<16xi32>,
    %get3A_160 = arith.constant 32 : index
    %get3A_161 = tpu.vector_load %arg7[%get3A_160] {strides = array<i32>} : memref<256xi32, #tpu.memory_space<vmem>>, vector<16xi32>,
    %get3A_162 = vector.shape_cast %get3A_161 : vector<16xi32> to vector<16xi32>
    %get3A_163 = arith.constant 96 : index
    %get3A_164 = tpu.vector_load %arg7[%get3A_163] {strides = array<i32>} : memref<256xi32, #tpu.memory_space<vmem>>, vector<16xi32>,
    %get3A_165 = vector.shape_cast %get3A_164 : vector<16xi32> to vector<16xi32>
    %get3A_166 = arith.constant 160 : index
    %get3A_167 = tpu.vector_load %arg7[%get3A_166] {strides = array<i32>} : memref<256xi32, #tpu.memory_space<vmem>>, vector<16xi32>,
    %get3A_168 = vector.shape_cast %get3A_167 : vector<16xi32> to vector<16xi32>
    %mul3A_169 = arith.constant 10000 : i32
    %mul3A_170 = vector.broadcast %mul3A_169 : i32 to vector<16xi32>
    %mul3A_171 = arith.muli %get3A_165, %mul3A_170 : vector<16xi32>
    %add3A_172 = arith.addi %mul3A_171, %get3A_162 : vector<16xi32>
    %swap3A_173 = arith.constant 32 : index
    %swap3A_174 = tpu.vector_load %arg9[%swap3A_173] {strides = array<i32>} : memref<64xi32, #tpu.memory_space<vmem>>, vector<16xi32>,
    %swap3A_175 = vector.shape_cast %swap3A_174 : vector<16xi32> to vector<16xi32>
    %swap3A_176 = vector.shape_cast %add3A_172 : vector<16xi32> to vector<16xi32>
    tpu.vector_store %arg9[%swap3A_173], %swap3A_176 {strides = array<i32>} : memref<64xi32, #tpu.memory_space<vmem>>, vector<16xi32>,
    %swap3A_177 = arith.constant 32 : index
    %swap3A_178 = tpu.vector_load %arg11[%swap3A_177] {strides = array<i32>} : memref<64xi32, #tpu.memory_space<vmem>>, vector<16xi32>,
    %swap3A_179 = vector.shape_cast %swap3A_178 : vector<16xi32> to vector<16xi32>
    %swap3A_180 = vector.shape_cast %get3A_168 : vector<16xi32> to vector<16xi32>
    tpu.vector_store %arg11[%swap3A_177], %swap3A_180 {strides = array<i32>} : memref<64xi32, #tpu.memory_space<vmem>>, vector<16xi32>,
    %get3A_181 = arith.constant 48 : index
    %get3A_182 = tpu.vector_load %arg7[%get3A_181] {strides = array<i32>} : memref<256xi32, #tpu.memory_space<vmem>>, vector<16xi32>,
    %get3A_183 = vector.shape_cast %get3A_182 : vector<16xi32> to vector<16xi32>
    %get3A_184 = arith.constant 112 : index
    %get3A_185 = tpu.vector_load %arg7[%get3A_184] {strides = array<i32>} : memref<256xi32, #tpu.memory_space<vmem>>, vector<16xi32>,
    %get3A_186 = vector.shape_cast %get3A_185 : vector<16xi32> to vector<16xi32>
    %get3A_187 = arith.constant 176 : index
    %get3A_188 = tpu.vector_load %arg7[%get3A_187] {strides = array<i32>} : memref<256xi32, #tpu.memory_space<vmem>>, vector<16xi32>,
    %get3A_189 = vector.shape_cast %get3A_188 : vector<16xi32> to vector<16xi32>
    %mul3A_190 = arith.constant 10000 : i32
    %mul3A_191 = vector.broadcast %mul3A_190 : i32 to vector<16xi32>
    %mul3A_192 = arith.muli %get3A_186, %mul3A_191 : vector<16xi32>
    %add3A_193 = arith.addi %mul3A_192, %get3A_183 : vector<16xi32>
    %swap3A_194 = arith.constant 48 : index
    %swap3A_195 = tpu.vector_load %arg9[%swap3A_194] {strides = array<i32>} : memref<64xi32, #tpu.memory_space<vmem>>, vector<16xi32>,
    %swap3A_196 = vector.shape_cast %swap3A_195 : vector<16xi32> to vector<16xi32>
    %swap3A_197 = vector.shape_cast %add3A_193 : vector<16xi32> to vector<16xi32>
    tpu.vector_store %arg9[%swap3A_194], %swap3A_197 {strides = array<i32>} : memref<64xi32, #tpu.memory_space<vmem>>, vector<16xi32>,
    %swap3A_198 = arith.constant 48 : index
    %swap3A_199 = tpu.vector_load %arg11[%swap3A_198] {strides = array<i32>} : memref<64xi32, #tpu.memory_space<vmem>>, vector<16xi32>,
    %swap3A_200 = vector.shape_cast %swap3A_199 : vector<16xi32> to vector<16xi32>
    %swap3A_201 = vector.shape_cast %get3A_189 : vector<16xi32> to vector<16xi32>
    tpu.vector_store %arg11[%swap3A_198], %swap3A_201 {strides = array<i32>} : memref<64xi32, #tpu.memory_space<vmem>>, vector<16xi32>,
    %dma_wait3A_202 = arith.constant 0 : i32
    %dma_wait3A_203 = arith.constant 0 : i32
    %dma_wait3A_204 = tpu.memref_slice %arg2[%dma_wait3A_202, %dma_wait3A_203] : memref<40000x128xf32, #tpu.memory_space<hbm>> -> memref<40000x128xf32, #tpu.memory_space<hbm>>
    tpu.wait_indirect_dma semaphore(%arg18 : memref<!tpu.dma_semaphore, #tpu.memory_space<semaphore_mem>>) src(%dma_wait3A_204 : memref<40000x128xf32, #tpu.memory_space<hbm>>) dst(%arg12 : memref<64x128xf32, #tpu.memory_space<vmem>>)
    %dma_start3A_205 = arith.constant 0 : i32
    %dma_start3A_206 = arith.constant 0 : i32
    %dma_start3A_207 = tpu.memref_slice %arg2[%dma_start3A_205, %dma_start3A_206] : memref<40000x128xf32, #tpu.memory_space<hbm>> -> memref<40000x128xf32, #tpu.memory_space<hbm>>
    tpu.enqueue_indirect_dma source(%dma_start3A_207 : memref<40000x128xf32, #tpu.memory_space<hbm>>) target(%arg13 : memref<64x128xf32, #tpu.memory_space<vmem>>) offsets(%arg9 : memref<64xi32, #tpu.memory_space<vmem>>) semaphore(%arg19 : memref<!tpu.dma_semaphore, #tpu.memory_space<semaphore_mem>>)
    "tpu.region"() ({
      %run_scoped3A = tpu.sem_alloc : memref<!tpu.dma_semaphore, #tpu.memory_space<semaphore_mem>>
      %dma_start3A_217 = arith.constant 0 : i32
      %dma_start3A_218 = arith.constant 0 : i32
      %dma_start3A_219 = tpu.memref_slice %arg15[%dma_start3A_217, %dma_start3A_218] : memref<10240x128xf32, #tpu.memory_space<vmem_shared>> -> memref<10240x128xf32, #tpu.memory_space<vmem_shared>>
      tpu.enqueue_indirect_dma source(%arg12 : memref<64x128xf32, #tpu.memory_space<vmem>>) target(%dma_start3A_219 : memref<10240x128xf32, #tpu.memory_space<vmem_shared>>) offsets(%arg10 : memref<64xi32, #tpu.memory_space<vmem>>) semaphore(%run_scoped3A : memref<!tpu.dma_semaphore, #tpu.memory_space<semaphore_mem>>) {add = true}
      %dma_wait3A_220 = arith.constant 0 : i32
      %dma_wait3A_221 = arith.constant 0 : i32
      %dma_wait3A_222 = tpu.memref_slice %arg15[%dma_wait3A_220, %dma_wait3A_221] : memref<10240x128xf32, #tpu.memory_space<vmem_shared>> -> memref<10240x128xf32, #tpu.memory_space<vmem_shared>>
      tpu.wait_indirect_dma semaphore(%run_scoped3A : memref<!tpu.dma_semaphore, #tpu.memory_space<semaphore_mem>>) src(%arg12 : memref<64x128xf32, #tpu.memory_space<vmem>>) dst(%dma_wait3A_222 : memref<10240x128xf32, #tpu.memory_space<vmem_shared>>)
      tpu.yield
    }) : () -> ()
    %dma_wait3A_208 = arith.constant 0 : i32
    %dma_wait3A_209 = arith.constant 0 : i32
    %dma_wait3A_210 = tpu.memref_slice %arg2[%dma_wait3A_208, %dma_wait3A_209] : memref<40000x128xf32, #tpu.memory_space<hbm>> -> memref<40000x128xf32, #tpu.memory_space<hbm>>
    tpu.wait_indirect_dma semaphore(%arg19 : memref<!tpu.dma_semaphore, #tpu.memory_space<semaphore_mem>>) src(%dma_wait3A_210 : memref<40000x128xf32, #tpu.memory_space<hbm>>) dst(%arg13 : memref<64x128xf32, #tpu.memory_space<vmem>>)
    "tpu.region"() ({
      %run_scoped3A = tpu.sem_alloc : memref<!tpu.dma_semaphore, #tpu.memory_space<semaphore_mem>>
      %dma_start3A_217 = arith.constant 0 : i32
      %dma_start3A_218 = arith.constant 0 : i32
      %dma_start3A_219 = tpu.memref_slice %arg15[%dma_start3A_217, %dma_start3A_218] : memref<10240x128xf32, #tpu.memory_space<vmem_shared>> -> memref<10240x128xf32, #tpu.memory_space<vmem_shared>>
      tpu.enqueue_indirect_dma source(%arg13 : memref<64x128xf32, #tpu.memory_space<vmem>>) target(%dma_start3A_219 : memref<10240x128xf32, #tpu.memory_space<vmem_shared>>) offsets(%arg11 : memref<64xi32, #tpu.memory_space<vmem>>) semaphore(%run_scoped3A : memref<!tpu.dma_semaphore, #tpu.memory_space<semaphore_mem>>) {add = true}
      %dma_wait3A_220 = arith.constant 0 : i32
      %dma_wait3A_221 = arith.constant 0 : i32
      %dma_wait3A_222 = tpu.memref_slice %arg15[%dma_wait3A_220, %dma_wait3A_221] : memref<10240x128xf32, #tpu.memory_space<vmem_shared>> -> memref<10240x128xf32, #tpu.memory_space<vmem_shared>>
      tpu.wait_indirect_dma semaphore(%run_scoped3A : memref<!tpu.dma_semaphore, #tpu.memory_space<semaphore_mem>>) src(%arg13 : memref<64x128xf32, #tpu.memory_space<vmem>>) dst(%dma_wait3A_222 : memref<10240x128xf32, #tpu.memory_space<vmem_shared>>)
      tpu.yield
    }) : () -> ()
    %barrier3A_211 = arith.constant 0 : index
    tpu.barrier barrier_id(%barrier3A_211)
    %scan3A_212 = arith.constant 0 : i32
    %scan3A_213 = arith.constant 16 : i32
    %scan3A_214 = arith.addi %scan3A_212, %scan3A_213 : i32
    %scan3A_215 = arith.constant 1 : i32
    scf.for %scan3A_217 = %scan3A_212 to %scan3A_214 step %scan3A_215  : i32 {
      %mul3A_218 = arith.constant 1 : i32
      %mul3A_219 = arith.muli %scan3A_217, %mul3A_218 : i32
      %add3A_220 = arith.constant 0 : i32
      %add3A_221 = arith.addi %add3A_220, %mul3A_219 : i32
      %mul3A_222 = arith.constant 640 : i32
      %mul3A_223 = arith.muli %arg1, %mul3A_222 : i32
      %mul3A_224 = arith.constant 40 : i32
      %mul3A_225 = arith.muli %add3A_221, %mul3A_224 : i32
      %add3A_226 = arith.addi %mul3A_223, %mul3A_225 : i32
      "tpu.region"() ({
        %run_scoped3A = tpu.sem_alloc : memref<!tpu.dma_semaphore, #tpu.memory_space<semaphore_mem>>
        %dma_start3A_230 = arith.constant 0 : i32
        %dma_start3A_231 = tpu.memref_slice %arg15[%add3A_226, %dma_start3A_230] : memref<10240x128xf32, #tpu.memory_space<vmem_shared>> -> memref<40x128xf32, #tpu.memory_space<vmem_shared>>
        %dma_start3A_232 = arith.constant 0 : i32
        %dma_start3A_233 = tpu.memref_slice %arg15[%add3A_226, %dma_start3A_232] : memref<10240x128xf32, #tpu.memory_space<vmem_shared>> -> memref<40x128xf32, #tpu.memory_space<vmem_shared>>
        tpu.enqueue_dma source(%dma_start3A_233 : memref<40x128xf32, #tpu.memory_space<vmem_shared>>) target(%arg14 : memref<40x128xf32, #tpu.memory_space<vmem>>) target_semaphore(%run_scoped3A : memref<!tpu.dma_semaphore, #tpu.memory_space<semaphore_mem>>)
        %dma_wait3A_234 = arith.constant 0 : i32
        %dma_wait3A_235 = tpu.memref_slice %arg15[%add3A_226, %dma_wait3A_234] : memref<10240x128xf32, #tpu.memory_space<vmem_shared>> -> memref<40x128xf32, #tpu.memory_space<vmem_shared>>
        %dma_wait3A_236 = arith.constant 0 : i32
        %dma_wait3A_237 = tpu.memref_slice %arg15[%add3A_226, %dma_wait3A_236] : memref<10240x128xf32, #tpu.memory_space<vmem_shared>> -> memref<40x128xf32, #tpu.memory_space<vmem_shared>>
        tpu.wait_dma2 semaphore(%run_scoped3A : memref<!tpu.dma_semaphore, #tpu.memory_space<semaphore_mem>>) src(%dma_wait3A_237 : memref<40x128xf32, #tpu.memory_space<vmem_shared>>) dst(%arg14 : memref<40x128xf32, #tpu.memory_space<vmem>>)
        tpu.yield
      }) : () -> ()
      %mul3A_227 = arith.constant 10240 : i32
      %mul3A_228 = arith.muli %arg0, %mul3A_227 : i32
      %add3A_229 = arith.addi %mul3A_228, %add3A_226 : i32
      "tpu.region"() ({
        %run_scoped3A = tpu.sem_alloc : memref<!tpu.dma_semaphore, #tpu.memory_space<semaphore_mem>>
        %dma_start3A_230 = arith.constant 0 : i32
        %dma_start3A_231 = tpu.memref_slice %arg5[%add3A_229, %dma_start3A_230] : memref<20480x128xf32, #tpu.memory_space<hbm>> -> memref<40x128xf32, #tpu.memory_space<hbm>>
        %dma_start3A_232 = arith.constant 0 : i32
        %dma_start3A_233 = tpu.memref_slice %arg5[%add3A_229, %dma_start3A_232] : memref<20480x128xf32, #tpu.memory_space<hbm>> -> memref<40x128xf32, #tpu.memory_space<hbm>>
        tpu.enqueue_dma source(%arg14 : memref<40x128xf32, #tpu.memory_space<vmem>>) target(%dma_start3A_233 : memref<40x128xf32, #tpu.memory_space<hbm>>) target_semaphore(%run_scoped3A : memref<!tpu.dma_semaphore, #tpu.memory_space<semaphore_mem>>)
        %dma_wait3A_234 = arith.constant 0 : i32
        %dma_wait3A_235 = tpu.memref_slice %arg5[%add3A_229, %dma_wait3A_234] : memref<20480x128xf32, #tpu.memory_space<hbm>> -> memref<40x128xf32, #tpu.memory_space<hbm>>
        %dma_wait3A_236 = arith.constant 0 : i32
        %dma_wait3A_237 = tpu.memref_slice %arg5[%add3A_229, %dma_wait3A_236] : memref<20480x128xf32, #tpu.memory_space<hbm>> -> memref<40x128xf32, #tpu.memory_space<hbm>>
        tpu.wait_dma2 semaphore(%run_scoped3A : memref<!tpu.dma_semaphore, #tpu.memory_space<semaphore_mem>>) src(%arg14 : memref<40x128xf32, #tpu.memory_space<vmem>>) dst(%dma_wait3A_237 : memref<40x128xf32, #tpu.memory_space<hbm>>)
        tpu.yield
      }) : () -> ()
    }
    %scan3A_216 = arith.constant 16 : i32
    return
  }
}

#map = affine_map<(d0, d1) -> (0, 0)>
#map1 = affine_map<(d0, d1) -> (0)>
module attributes {stable_mosaic.version = 14 : i64} {
  func.func @body(%arg0: i32, %arg1: i32, %arg2: memref<40000x128xf32, #tpu.memory_space<hbm>>, %arg3: memref<1310720xi32, #tpu.memory_space<hbm>>, %arg4: memref<40x128xf32, #tpu.memory_space<hbm>>, %arg5: memref<20480x128xf32, #tpu.memory_space<hbm>>, %arg6: memref<256xi32, #tpu.memory_space<vmem>>, %arg7: memref<256xi32, #tpu.memory_space<vmem>>, %arg8: memref<128xi32, #tpu.memory_space<vmem>>, %arg9: memref<128xi32, #tpu.memory_space<vmem>>, %arg10: memref<128xi32, #tpu.memory_space<vmem>>, %arg11: memref<128xi32, #tpu.memory_space<vmem>>, %arg12: memref<128x128xf32, #tpu.memory_space<vmem>>, %arg13: memref<128x128xf32, #tpu.memory_space<vmem>>, %arg14: memref<40x128xf32, #tpu.memory_space<vmem>>, %arg15: memref<10240x128xf32, #tpu.memory_space<vmem_shared>>, %arg16: memref<!tpu.dma_semaphore, #tpu.memory_space<semaphore_mem>>, %arg17: memref<!tpu.dma_semaphore, #tpu.memory_space<semaphore_mem>>, %arg18: memref<!tpu.dma_semaphore, #tpu.memory_space<semaphore_mem>>, %arg19: memref<!tpu.dma_semaphore, #tpu.memory_space<semaphore_mem>>, %arg20: memref<!tpu.dma_semaphore, #tpu.memory_space<semaphore_mem>>, %arg21: memref<!tpu.dma_semaphore, #tpu.memory_space<semaphore_mem>>) attributes {dimension_semantics = [#tpu.dimension_semantics<core_parallel>, #tpu.dimension_semantics<subcore_parallel>], iteration_bounds = array<i64: 2, 16>, scalar_prefetch = 0 : i64, scratch_operands = 16 : i64, tpu.core_type = #tpu.core_type<sc_vector_subcore>, window_params = [{transform_indices = #map}, {transform_indices = #map1}, {transform_indices = #map}, {transform_indices = #map}]} {
    %mul3A = arith.constant 16 : i32
    %mul3A_0 = arith.muli %arg0, %mul3A : i32
    %add3A = arith.addi %mul3A_0, %arg1 : i32
    %mul3A_1 = arith.constant 160 : i32
    %mul3A_2 = arith.muli %add3A, %mul3A_1 : i32
    %mul3A_3 = arith.constant 256 : i32
    %mul3A_4 = arith.muli %mul3A_2, %mul3A_3 : i32
    %mul3A_5 = arith.constant 8 : i32
    %mul3A_6 = arith.muli %arg1, %mul3A_5 : i32
    %add3A_7 = arith.constant 10112 : i32
    %add3A_8 = arith.addi %add3A_7, %mul3A_6 : i32
    "tpu.region"() ({
      %run_scoped3A = tpu.sem_alloc : memref<!tpu.dma_semaphore, #tpu.memory_space<semaphore_mem>>
      tpu.enqueue_dma source(%arg4 : memref<40x128xf32, #tpu.memory_space<hbm>>) target(%arg14 : memref<40x128xf32, #tpu.memory_space<vmem>>) target_semaphore(%run_scoped3A : memref<!tpu.dma_semaphore, #tpu.memory_space<semaphore_mem>>)
      tpu.wait_dma2 semaphore(%run_scoped3A : memref<!tpu.dma_semaphore, #tpu.memory_space<semaphore_mem>>) src(%arg4 : memref<40x128xf32, #tpu.memory_space<hbm>>) dst(%arg14 : memref<40x128xf32, #tpu.memory_space<vmem>>)
      tpu.yield
    }) : () -> ()
    %scan3A = arith.constant 0 : i32
    %scan3A_9 = arith.constant 16 : i32
    %scan3A_10 = arith.addi %scan3A, %scan3A_9 : i32
    %scan3A_11 = arith.constant 1 : i32
    scf.for %scan3A_366 = %scan3A to %scan3A_10 step %scan3A_11  : i32 {
      %mul3A_367 = arith.constant 1 : i32
      %mul3A_368 = arith.muli %scan3A_366, %mul3A_367 : i32
      %add3A_369 = arith.constant 0 : i32
      %add3A_370 = arith.addi %add3A_369, %mul3A_368 : i32
      %mul3A_371 = arith.constant 640 : i32
      %mul3A_372 = arith.muli %arg1, %mul3A_371 : i32
      %mul3A_373 = arith.constant 40 : i32
      %mul3A_374 = arith.muli %add3A_370, %mul3A_373 : i32
      %add3A_375 = arith.addi %mul3A_372, %mul3A_374 : i32
      "tpu.region"() ({
        %run_scoped3A = tpu.sem_alloc : memref<!tpu.dma_semaphore, #tpu.memory_space<semaphore_mem>>
        %dma_start3A_376 = arith.constant 0 : i32
        %dma_start3A_377 = tpu.memref_slice %arg15[%add3A_375, %dma_start3A_376] : memref<10240x128xf32, #tpu.memory_space<vmem_shared>> -> memref<40x128xf32, #tpu.memory_space<vmem_shared>>
        %dma_start3A_378 = arith.constant 0 : i32
        %dma_start3A_379 = tpu.memref_slice %arg15[%add3A_375, %dma_start3A_378] : memref<10240x128xf32, #tpu.memory_space<vmem_shared>> -> memref<40x128xf32, #tpu.memory_space<vmem_shared>>
        tpu.enqueue_dma source(%arg14 : memref<40x128xf32, #tpu.memory_space<vmem>>) target(%dma_start3A_379 : memref<40x128xf32, #tpu.memory_space<vmem_shared>>) target_semaphore(%run_scoped3A : memref<!tpu.dma_semaphore, #tpu.memory_space<semaphore_mem>>)
        %dma_wait3A_380 = arith.constant 0 : i32
        %dma_wait3A_381 = tpu.memref_slice %arg15[%add3A_375, %dma_wait3A_380] : memref<10240x128xf32, #tpu.memory_space<vmem_shared>> -> memref<40x128xf32, #tpu.memory_space<vmem_shared>>
        %dma_wait3A_382 = arith.constant 0 : i32
        %dma_wait3A_383 = tpu.memref_slice %arg15[%add3A_375, %dma_wait3A_382] : memref<10240x128xf32, #tpu.memory_space<vmem_shared>> -> memref<40x128xf32, #tpu.memory_space<vmem_shared>>
        tpu.wait_dma2 semaphore(%run_scoped3A : memref<!tpu.dma_semaphore, #tpu.memory_space<semaphore_mem>>) src(%arg14 : memref<40x128xf32, #tpu.memory_space<vmem>>) dst(%dma_wait3A_383 : memref<40x128xf32, #tpu.memory_space<vmem_shared>>)
        tpu.yield
      }) : () -> ()
    }
    %scan3A_12 = arith.constant 16 : i32
    %barrier3A = arith.constant 0 : index
    tpu.barrier barrier_id(%barrier3A)
    %add3A_13 = arith.constant 0 : i32
    %add3A_14 = arith.addi %mul3A_4, %add3A_13 : i32
    %multiple_of3A = tpu.assume_multiple %add3A_14, 8 : i32
    %dma_start3A = tpu.memref_slice %arg3[%multiple_of3A] : memref<1310720xi32, #tpu.memory_space<hbm>> -> memref<256xi32, #tpu.memory_space<hbm>>
    %dma_start3A_15 = tpu.memref_slice %arg3[%multiple_of3A] : memref<1310720xi32, #tpu.memory_space<hbm>> -> memref<256xi32, #tpu.memory_space<hbm>>
    tpu.enqueue_dma source(%dma_start3A_15 : memref<256xi32, #tpu.memory_space<hbm>>) target(%arg6 : memref<256xi32, #tpu.memory_space<vmem>>) target_semaphore(%arg16 : memref<!tpu.dma_semaphore, #tpu.memory_space<semaphore_mem>>)
    %dma_wait3A = arith.constant 0 : i32
    %dma_wait3A_16 = tpu.memref_slice %arg3[%dma_wait3A] : memref<1310720xi32, #tpu.memory_space<hbm>> -> memref<256xi32, #tpu.memory_space<hbm>>
    %dma_wait3A_17 = arith.constant 0 : i32
    %dma_wait3A_18 = tpu.memref_slice %arg3[%dma_wait3A_17] : memref<1310720xi32, #tpu.memory_space<hbm>> -> memref<256xi32, #tpu.memory_space<hbm>>
    tpu.wait_dma2 semaphore(%arg16 : memref<!tpu.dma_semaphore, #tpu.memory_space<semaphore_mem>>) src(%dma_wait3A_18 : memref<256xi32, #tpu.memory_space<hbm>>) dst(%arg6 : memref<256xi32, #tpu.memory_space<vmem>>)
    %get3A = arith.constant 0 : index
    %get3A_19 = tpu.vector_load %arg6[%get3A] {strides = array<i32>} : memref<256xi32, #tpu.memory_space<vmem>>, vector<16xi32>,
    %get3A_20 = vector.shape_cast %get3A_19 : vector<16xi32> to vector<16xi32>
    %get3A_21 = arith.constant 64 : index
    %get3A_22 = tpu.vector_load %arg6[%get3A_21] {strides = array<i32>} : memref<256xi32, #tpu.memory_space<vmem>>, vector<16xi32>,
    %get3A_23 = vector.shape_cast %get3A_22 : vector<16xi32> to vector<16xi32>
    %get3A_24 = arith.constant 128 : index
    %get3A_25 = tpu.vector_load %arg6[%get3A_24] {strides = array<i32>} : memref<256xi32, #tpu.memory_space<vmem>>, vector<16xi32>,
    %get3A_26 = vector.shape_cast %get3A_25 : vector<16xi32> to vector<16xi32>
    %mul3A_27 = arith.constant 10000 : i32
    %mul3A_28 = vector.broadcast %mul3A_27 : i32 to vector<16xi32>
    %mul3A_29 = arith.muli %get3A_23, %mul3A_28 : vector<16xi32>
    %add3A_30 = arith.addi %mul3A_29, %get3A_20 : vector<16xi32>
    %swap3A = arith.constant 0 : index
    %swap3A_31 = tpu.vector_load %arg8[%swap3A] {strides = array<i32>} : memref<128xi32, #tpu.memory_space<vmem>>, vector<16xi32>,
    %swap3A_32 = vector.shape_cast %swap3A_31 : vector<16xi32> to vector<16xi32>
    %swap3A_33 = vector.shape_cast %add3A_30 : vector<16xi32> to vector<16xi32>
    tpu.vector_store %arg8[%swap3A], %swap3A_33 {strides = array<i32>} : memref<128xi32, #tpu.memory_space<vmem>>, vector<16xi32>,
    %swap3A_34 = arith.constant 0 : index
    %swap3A_35 = tpu.vector_load %arg10[%swap3A_34] {strides = array<i32>} : memref<128xi32, #tpu.memory_space<vmem>>, vector<16xi32>,
    %swap3A_36 = vector.shape_cast %swap3A_35 : vector<16xi32> to vector<16xi32>
    %swap3A_37 = vector.shape_cast %get3A_26 : vector<16xi32> to vector<16xi32>
    tpu.vector_store %arg10[%swap3A_34], %swap3A_37 {strides = array<i32>} : memref<128xi32, #tpu.memory_space<vmem>>, vector<16xi32>,
    %get3A_38 = arith.constant 192 : index
    %get3A_39 = tpu.vector_load %arg6[%get3A_38] {strides = array<i32>} : memref<256xi32, #tpu.memory_space<vmem>>, vector<16xi32>,
    %get3A_40 = vector.shape_cast %get3A_39 : vector<16xi32> to vector<16xi32>
    %add3A_41 = arith.constant 30000 : i32
    %add3A_42 = vector.broadcast %add3A_41 : i32 to vector<16xi32>
    %add3A_43 = arith.addi %get3A_20, %add3A_42 : vector<16xi32>
    %swap3A_44 = arith.constant 64 : index
    %swap3A_45 = tpu.vector_load %arg8[%swap3A_44] {strides = array<i32>} : memref<128xi32, #tpu.memory_space<vmem>>, vector<16xi32>,
    %swap3A_46 = vector.shape_cast %swap3A_45 : vector<16xi32> to vector<16xi32>
    %swap3A_47 = vector.shape_cast %add3A_43 : vector<16xi32> to vector<16xi32>
    tpu.vector_store %arg8[%swap3A_44], %swap3A_47 {strides = array<i32>} : memref<128xi32, #tpu.memory_space<vmem>>, vector<16xi32>,
    %eq3A = arith.constant 2 : i32
    %eq3A_48 = vector.broadcast %eq3A : i32 to vector<16xi32>
    %eq3A_49 = arith.cmpi eq, %get3A_40, %eq3A_48 : vector<16xi32>
    %broadcast_in_dim3A = vector.broadcast %add3A_8 : i32 to vector<16xi32>
    %select_n3A = arith.select %eq3A_49, %get3A_26, %broadcast_in_dim3A : vector<16xi1>, vector<16xi32>
    %swap3A_50 = arith.constant 64 : index
    %swap3A_51 = tpu.vector_load %arg10[%swap3A_50] {strides = array<i32>} : memref<128xi32, #tpu.memory_space<vmem>>, vector<16xi32>,
    %swap3A_52 = vector.shape_cast %swap3A_51 : vector<16xi32> to vector<16xi32>
    %swap3A_53 = vector.shape_cast %select_n3A : vector<16xi32> to vector<16xi32>
    tpu.vector_store %arg10[%swap3A_50], %swap3A_53 {strides = array<i32>} : memref<128xi32, #tpu.memory_space<vmem>>, vector<16xi32>,
    %get3A_54 = arith.constant 16 : index
    %get3A_55 = tpu.vector_load %arg6[%get3A_54] {strides = array<i32>} : memref<256xi32, #tpu.memory_space<vmem>>, vector<16xi32>,
    %get3A_56 = vector.shape_cast %get3A_55 : vector<16xi32> to vector<16xi32>
    %get3A_57 = arith.constant 80 : index
    %get3A_58 = tpu.vector_load %arg6[%get3A_57] {strides = array<i32>} : memref<256xi32, #tpu.memory_space<vmem>>, vector<16xi32>,
    %get3A_59 = vector.shape_cast %get3A_58 : vector<16xi32> to vector<16xi32>
    %get3A_60 = arith.constant 144 : index
    %get3A_61 = tpu.vector_load %arg6[%get3A_60] {strides = array<i32>} : memref<256xi32, #tpu.memory_space<vmem>>, vector<16xi32>,
    %get3A_62 = vector.shape_cast %get3A_61 : vector<16xi32> to vector<16xi32>
    %mul3A_63 = arith.constant 10000 : i32
    %mul3A_64 = vector.broadcast %mul3A_63 : i32 to vector<16xi32>
    %mul3A_65 = arith.muli %get3A_59, %mul3A_64 : vector<16xi32>
    %add3A_66 = arith.addi %mul3A_65, %get3A_56 : vector<16xi32>
    %swap3A_67 = arith.constant 16 : index
    %swap3A_68 = tpu.vector_load %arg8[%swap3A_67] {strides = array<i32>} : memref<128xi32, #tpu.memory_space<vmem>>, vector<16xi32>,
    %swap3A_69 = vector.shape_cast %swap3A_68 : vector<16xi32> to vector<16xi32>
    %swap3A_70 = vector.shape_cast %add3A_66 : vector<16xi32> to vector<16xi32>
    tpu.vector_store %arg8[%swap3A_67], %swap3A_70 {strides = array<i32>} : memref<128xi32, #tpu.memory_space<vmem>>, vector<16xi32>,
    %swap3A_71 = arith.constant 16 : index
    %swap3A_72 = tpu.vector_load %arg10[%swap3A_71] {strides = array<i32>} : memref<128xi32, #tpu.memory_space<vmem>>, vector<16xi32>,
    %swap3A_73 = vector.shape_cast %swap3A_72 : vector<16xi32> to vector<16xi32>
    %swap3A_74 = vector.shape_cast %get3A_62 : vector<16xi32> to vector<16xi32>
    tpu.vector_store %arg10[%swap3A_71], %swap3A_74 {strides = array<i32>} : memref<128xi32, #tpu.memory_space<vmem>>, vector<16xi32>,
    %get3A_75 = arith.constant 208 : index
    %get3A_76 = tpu.vector_load %arg6[%get3A_75] {strides = array<i32>} : memref<256xi32, #tpu.memory_space<vmem>>, vector<16xi32>,
    %get3A_77 = vector.shape_cast %get3A_76 : vector<16xi32> to vector<16xi32>
    %add3A_78 = arith.constant 30000 : i32
    %add3A_79 = vector.broadcast %add3A_78 : i32 to vector<16xi32>
    %add3A_80 = arith.addi %get3A_56, %add3A_79 : vector<16xi32>
    %swap3A_81 = arith.constant 80 : index
    %swap3A_82 = tpu.vector_load %arg8[%swap3A_81] {strides = array<i32>} : memref<128xi32, #tpu.memory_space<vmem>>, vector<16xi32>,
    %swap3A_83 = vector.shape_cast %swap3A_82 : vector<16xi32> to vector<16xi32>
    %swap3A_84 = vector.shape_cast %add3A_80 : vector<16xi32> to vector<16xi32>
    tpu.vector_store %arg8[%swap3A_81], %swap3A_84 {strides = array<i32>} : memref<128xi32, #tpu.memory_space<vmem>>, vector<16xi32>,
    %eq3A_85 = arith.constant 2 : i32
    %eq3A_86 = vector.broadcast %eq3A_85 : i32 to vector<16xi32>
    %eq3A_87 = arith.cmpi eq, %get3A_77, %eq3A_86 : vector<16xi32>
    %broadcast_in_dim3A_88 = vector.broadcast %add3A_8 : i32 to vector<16xi32>
    %select_n3A_89 = arith.select %eq3A_87, %get3A_62, %broadcast_in_dim3A_88 : vector<16xi1>, vector<16xi32>
    %swap3A_90 = arith.constant 80 : index
    %swap3A_91 = tpu.vector_load %arg10[%swap3A_90] {strides = array<i32>} : memref<128xi32, #tpu.memory_space<vmem>>, vector<16xi32>,
    %swap3A_92 = vector.shape_cast %swap3A_91 : vector<16xi32> to vector<16xi32>
    %swap3A_93 = vector.shape_cast %select_n3A_89 : vector<16xi32> to vector<16xi32>
    tpu.vector_store %arg10[%swap3A_90], %swap3A_93 {strides = array<i32>} : memref<128xi32, #tpu.memory_space<vmem>>, vector<16xi32>,
    %get3A_94 = arith.constant 32 : index
    %get3A_95 = tpu.vector_load %arg6[%get3A_94] {strides = array<i32>} : memref<256xi32, #tpu.memory_space<vmem>>, vector<16xi32>,
    %get3A_96 = vector.shape_cast %get3A_95 : vector<16xi32> to vector<16xi32>
    %get3A_97 = arith.constant 96 : index
    %get3A_98 = tpu.vector_load %arg6[%get3A_97] {strides = array<i32>} : memref<256xi32, #tpu.memory_space<vmem>>, vector<16xi32>,
    %get3A_99 = vector.shape_cast %get3A_98 : vector<16xi32> to vector<16xi32>
    %get3A_100 = arith.constant 160 : index
    %get3A_101 = tpu.vector_load %arg6[%get3A_100] {strides = array<i32>} : memref<256xi32, #tpu.memory_space<vmem>>, vector<16xi32>,
    %get3A_102 = vector.shape_cast %get3A_101 : vector<16xi32> to vector<16xi32>
    %mul3A_103 = arith.constant 10000 : i32
    %mul3A_104 = vector.broadcast %mul3A_103 : i32 to vector<16xi32>
    %mul3A_105 = arith.muli %get3A_99, %mul3A_104 : vector<16xi32>
    %add3A_106 = arith.addi %mul3A_105, %get3A_96 : vector<16xi32>
    %swap3A_107 = arith.constant 32 : index
    %swap3A_108 = tpu.vector_load %arg8[%swap3A_107] {strides = array<i32>} : memref<128xi32, #tpu.memory_space<vmem>>, vector<16xi32>,
    %swap3A_109 = vector.shape_cast %swap3A_108 : vector<16xi32> to vector<16xi32>
    %swap3A_110 = vector.shape_cast %add3A_106 : vector<16xi32> to vector<16xi32>
    tpu.vector_store %arg8[%swap3A_107], %swap3A_110 {strides = array<i32>} : memref<128xi32, #tpu.memory_space<vmem>>, vector<16xi32>,
    %swap3A_111 = arith.constant 32 : index
    %swap3A_112 = tpu.vector_load %arg10[%swap3A_111] {strides = array<i32>} : memref<128xi32, #tpu.memory_space<vmem>>, vector<16xi32>,
    %swap3A_113 = vector.shape_cast %swap3A_112 : vector<16xi32> to vector<16xi32>
    %swap3A_114 = vector.shape_cast %get3A_102 : vector<16xi32> to vector<16xi32>
    tpu.vector_store %arg10[%swap3A_111], %swap3A_114 {strides = array<i32>} : memref<128xi32, #tpu.memory_space<vmem>>, vector<16xi32>,
    %get3A_115 = arith.constant 224 : index
    %get3A_116 = tpu.vector_load %arg6[%get3A_115] {strides = array<i32>} : memref<256xi32, #tpu.memory_space<vmem>>, vector<16xi32>,
    %get3A_117 = vector.shape_cast %get3A_116 : vector<16xi32> to vector<16xi32>
    %add3A_118 = arith.constant 30000 : i32
    %add3A_119 = vector.broadcast %add3A_118 : i32 to vector<16xi32>
    %add3A_120 = arith.addi %get3A_96, %add3A_119 : vector<16xi32>
    %swap3A_121 = arith.constant 96 : index
    %swap3A_122 = tpu.vector_load %arg8[%swap3A_121] {strides = array<i32>} : memref<128xi32, #tpu.memory_space<vmem>>, vector<16xi32>,
    %swap3A_123 = vector.shape_cast %swap3A_122 : vector<16xi32> to vector<16xi32>
    %swap3A_124 = vector.shape_cast %add3A_120 : vector<16xi32> to vector<16xi32>
    tpu.vector_store %arg8[%swap3A_121], %swap3A_124 {strides = array<i32>} : memref<128xi32, #tpu.memory_space<vmem>>, vector<16xi32>,
    %eq3A_125 = arith.constant 2 : i32
    %eq3A_126 = vector.broadcast %eq3A_125 : i32 to vector<16xi32>
    %eq3A_127 = arith.cmpi eq, %get3A_117, %eq3A_126 : vector<16xi32>
    %broadcast_in_dim3A_128 = vector.broadcast %add3A_8 : i32 to vector<16xi32>
    %select_n3A_129 = arith.select %eq3A_127, %get3A_102, %broadcast_in_dim3A_128 : vector<16xi1>, vector<16xi32>
    %swap3A_130 = arith.constant 96 : index
    %swap3A_131 = tpu.vector_load %arg10[%swap3A_130] {strides = array<i32>} : memref<128xi32, #tpu.memory_space<vmem>>, vector<16xi32>,
    %swap3A_132 = vector.shape_cast %swap3A_131 : vector<16xi32> to vector<16xi32>
    %swap3A_133 = vector.shape_cast %select_n3A_129 : vector<16xi32> to vector<16xi32>
    tpu.vector_store %arg10[%swap3A_130], %swap3A_133 {strides = array<i32>} : memref<128xi32, #tpu.memory_space<vmem>>, vector<16xi32>,
    %get3A_134 = arith.constant 48 : index
    %get3A_135 = tpu.vector_load %arg6[%get3A_134] {strides = array<i32>} : memref<256xi32, #tpu.memory_space<vmem>>, vector<16xi32>,
    %get3A_136 = vector.shape_cast %get3A_135 : vector<16xi32> to vector<16xi32>
    %get3A_137 = arith.constant 112 : index
    %get3A_138 = tpu.vector_load %arg6[%get3A_137] {strides = array<i32>} : memref<256xi32, #tpu.memory_space<vmem>>, vector<16xi32>,
    %get3A_139 = vector.shape_cast %get3A_138 : vector<16xi32> to vector<16xi32>
    %get3A_140 = arith.constant 176 : index
    %get3A_141 = tpu.vector_load %arg6[%get3A_140] {strides = array<i32>} : memref<256xi32, #tpu.memory_space<vmem>>, vector<16xi32>,
    %get3A_142 = vector.shape_cast %get3A_141 : vector<16xi32> to vector<16xi32>
    %mul3A_143 = arith.constant 10000 : i32
    %mul3A_144 = vector.broadcast %mul3A_143 : i32 to vector<16xi32>
    %mul3A_145 = arith.muli %get3A_139, %mul3A_144 : vector<16xi32>
    %add3A_146 = arith.addi %mul3A_145, %get3A_136 : vector<16xi32>
    %swap3A_147 = arith.constant 48 : index
    %swap3A_148 = tpu.vector_load %arg8[%swap3A_147] {strides = array<i32>} : memref<128xi32, #tpu.memory_space<vmem>>, vector<16xi32>,
    %swap3A_149 = vector.shape_cast %swap3A_148 : vector<16xi32> to vector<16xi32>
    %swap3A_150 = vector.shape_cast %add3A_146 : vector<16xi32> to vector<16xi32>
    tpu.vector_store %arg8[%swap3A_147], %swap3A_150 {strides = array<i32>} : memref<128xi32, #tpu.memory_space<vmem>>, vector<16xi32>,
    %swap3A_151 = arith.constant 48 : index
    %swap3A_152 = tpu.vector_load %arg10[%swap3A_151] {strides = array<i32>} : memref<128xi32, #tpu.memory_space<vmem>>, vector<16xi32>,
    %swap3A_153 = vector.shape_cast %swap3A_152 : vector<16xi32> to vector<16xi32>
    %swap3A_154 = vector.shape_cast %get3A_142 : vector<16xi32> to vector<16xi32>
    tpu.vector_store %arg10[%swap3A_151], %swap3A_154 {strides = array<i32>} : memref<128xi32, #tpu.memory_space<vmem>>, vector<16xi32>,
    %get3A_155 = arith.constant 240 : index
    %get3A_156 = tpu.vector_load %arg6[%get3A_155] {strides = array<i32>} : memref<256xi32, #tpu.memory_space<vmem>>, vector<16xi32>,
    %get3A_157 = vector.shape_cast %get3A_156 : vector<16xi32> to vector<16xi32>
    %add3A_158 = arith.constant 30000 : i32
    %add3A_159 = vector.broadcast %add3A_158 : i32 to vector<16xi32>
    %add3A_160 = arith.addi %get3A_136, %add3A_159 : vector<16xi32>
    %swap3A_161 = arith.constant 112 : index
    %swap3A_162 = tpu.vector_load %arg8[%swap3A_161] {strides = array<i32>} : memref<128xi32, #tpu.memory_space<vmem>>, vector<16xi32>,
    %swap3A_163 = vector.shape_cast %swap3A_162 : vector<16xi32> to vector<16xi32>
    %swap3A_164 = vector.shape_cast %add3A_160 : vector<16xi32> to vector<16xi32>
    tpu.vector_store %arg8[%swap3A_161], %swap3A_164 {strides = array<i32>} : memref<128xi32, #tpu.memory_space<vmem>>, vector<16xi32>,
    %eq3A_165 = arith.constant 2 : i32
    %eq3A_166 = vector.broadcast %eq3A_165 : i32 to vector<16xi32>
    %eq3A_167 = arith.cmpi eq, %get3A_157, %eq3A_166 : vector<16xi32>
    %broadcast_in_dim3A_168 = vector.broadcast %add3A_8 : i32 to vector<16xi32>
    %select_n3A_169 = arith.select %eq3A_167, %get3A_142, %broadcast_in_dim3A_168 : vector<16xi1>, vector<16xi32>
    %swap3A_170 = arith.constant 112 : index
    %swap3A_171 = tpu.vector_load %arg10[%swap3A_170] {strides = array<i32>} : memref<128xi32, #tpu.memory_space<vmem>>, vector<16xi32>,
    %swap3A_172 = vector.shape_cast %swap3A_171 : vector<16xi32> to vector<16xi32>
    %swap3A_173 = vector.shape_cast %select_n3A_169 : vector<16xi32> to vector<16xi32>
    tpu.vector_store %arg10[%swap3A_170], %swap3A_173 {strides = array<i32>} : memref<128xi32, #tpu.memory_space<vmem>>, vector<16xi32>,
    %dma_start3A_174 = arith.constant 0 : i32
    %dma_start3A_175 = arith.constant 0 : i32
    %dma_start3A_176 = tpu.memref_slice %arg2[%dma_start3A_174, %dma_start3A_175] : memref<40000x128xf32, #tpu.memory_space<hbm>> -> memref<40000x128xf32, #tpu.memory_space<hbm>>
    tpu.enqueue_indirect_dma source(%dma_start3A_176 : memref<40000x128xf32, #tpu.memory_space<hbm>>) target(%arg12 : memref<128x128xf32, #tpu.memory_space<vmem>>) offsets(%arg8 : memref<128xi32, #tpu.memory_space<vmem>>) semaphore(%arg18 : memref<!tpu.dma_semaphore, #tpu.memory_space<semaphore_mem>>)
    %add3A_177 = arith.constant 256 : i32
    %add3A_178 = arith.addi %mul3A_4, %add3A_177 : i32
    %multiple_of3A_179 = tpu.assume_multiple %add3A_178, 8 : i32
    %dma_start3A_180 = tpu.memref_slice %arg3[%multiple_of3A_179] : memref<1310720xi32, #tpu.memory_space<hbm>> -> memref<256xi32, #tpu.memory_space<hbm>>
    %dma_start3A_181 = tpu.memref_slice %arg3[%multiple_of3A_179] : memref<1310720xi32, #tpu.memory_space<hbm>> -> memref<256xi32, #tpu.memory_space<hbm>>
    tpu.enqueue_dma source(%dma_start3A_181 : memref<256xi32, #tpu.memory_space<hbm>>) target(%arg7 : memref<256xi32, #tpu.memory_space<vmem>>) target_semaphore(%arg17 : memref<!tpu.dma_semaphore, #tpu.memory_space<semaphore_mem>>)
    %scan3A_182 = arith.constant 0 : i32
    %scan3A_183 = arith.constant 79 : i32
    %scan3A_184 = arith.addi %scan3A_182, %scan3A_183 : i32
    %scan3A_185 = arith.constant 1 : i32
    scf.for %scan3A_366 = %scan3A_182 to %scan3A_184 step %scan3A_185  : i32 {
      %mul3A_367 = arith.constant 1 : i32
      %mul3A_368 = arith.muli %scan3A_366, %mul3A_367 : i32
      %add3A_369 = arith.constant 0 : i32
      %add3A_370 = arith.addi %add3A_369, %mul3A_368 : i32
      %mul3A_371 = arith.constant 2 : i32
      %mul3A_372 = arith.muli %mul3A_371, %add3A_370 : i32
      %dma_wait3A_373 = arith.constant 0 : i32
      %dma_wait3A_374 = tpu.memref_slice %arg3[%dma_wait3A_373] : memref<1310720xi32, #tpu.memory_space<hbm>> -> memref<256xi32, #tpu.memory_space<hbm>>
      %dma_wait3A_375 = arith.constant 0 : i32
      %dma_wait3A_376 = tpu.memref_slice %arg3[%dma_wait3A_375] : memref<1310720xi32, #tpu.memory_space<hbm>> -> memref<256xi32, #tpu.memory_space<hbm>>
      tpu.wait_dma2 semaphore(%arg17 : memref<!tpu.dma_semaphore, #tpu.memory_space<semaphore_mem>>) src(%dma_wait3A_376 : memref<256xi32, #tpu.memory_space<hbm>>) dst(%arg7 : memref<256xi32, #tpu.memory_space<vmem>>)
      %get3A_377 = arith.constant 0 : index
      %get3A_378 = tpu.vector_load %arg7[%get3A_377] {strides = array<i32>} : memref<256xi32, #tpu.memory_space<vmem>>, vector<16xi32>,
      %get3A_379 = vector.shape_cast %get3A_378 : vector<16xi32> to vector<16xi32>
      %get3A_380 = arith.constant 64 : index
      %get3A_381 = tpu.vector_load %arg7[%get3A_380] {strides = array<i32>} : memref<256xi32, #tpu.memory_space<vmem>>, vector<16xi32>,
      %get3A_382 = vector.shape_cast %get3A_381 : vector<16xi32> to vector<16xi32>
      %get3A_383 = arith.constant 128 : index
      %get3A_384 = tpu.vector_load %arg7[%get3A_383] {strides = array<i32>} : memref<256xi32, #tpu.memory_space<vmem>>, vector<16xi32>,
      %get3A_385 = vector.shape_cast %get3A_384 : vector<16xi32> to vector<16xi32>
      %mul3A_386 = arith.constant 10000 : i32
      %mul3A_387 = vector.broadcast %mul3A_386 : i32 to vector<16xi32>
      %mul3A_388 = arith.muli %get3A_382, %mul3A_387 : vector<16xi32>
      %add3A_389 = arith.addi %mul3A_388, %get3A_379 : vector<16xi32>
      %swap3A_390 = arith.constant 0 : index
      %swap3A_391 = tpu.vector_load %arg9[%swap3A_390] {strides = array<i32>} : memref<128xi32, #tpu.memory_space<vmem>>, vector<16xi32>,
      %swap3A_392 = vector.shape_cast %swap3A_391 : vector<16xi32> to vector<16xi32>
      %swap3A_393 = vector.shape_cast %add3A_389 : vector<16xi32> to vector<16xi32>
      tpu.vector_store %arg9[%swap3A_390], %swap3A_393 {strides = array<i32>} : memref<128xi32, #tpu.memory_space<vmem>>, vector<16xi32>,
      %swap3A_394 = arith.constant 0 : index
      %swap3A_395 = tpu.vector_load %arg11[%swap3A_394] {strides = array<i32>} : memref<128xi32, #tpu.memory_space<vmem>>, vector<16xi32>,
      %swap3A_396 = vector.shape_cast %swap3A_395 : vector<16xi32> to vector<16xi32>
      %swap3A_397 = vector.shape_cast %get3A_385 : vector<16xi32> to vector<16xi32>
      tpu.vector_store %arg11[%swap3A_394], %swap3A_397 {strides = array<i32>} : memref<128xi32, #tpu.memory_space<vmem>>, vector<16xi32>,
      %get3A_398 = arith.constant 192 : index
      %get3A_399 = tpu.vector_load %arg7[%get3A_398] {strides = array<i32>} : memref<256xi32, #tpu.memory_space<vmem>>, vector<16xi32>,
      %get3A_400 = vector.shape_cast %get3A_399 : vector<16xi32> to vector<16xi32>
      %add3A_401 = arith.constant 30000 : i32
      %add3A_402 = vector.broadcast %add3A_401 : i32 to vector<16xi32>
      %add3A_403 = arith.addi %get3A_379, %add3A_402 : vector<16xi32>
      %swap3A_404 = arith.constant 64 : index
      %swap3A_405 = tpu.vector_load %arg9[%swap3A_404] {strides = array<i32>} : memref<128xi32, #tpu.memory_space<vmem>>, vector<16xi32>,
      %swap3A_406 = vector.shape_cast %swap3A_405 : vector<16xi32> to vector<16xi32>
      %swap3A_407 = vector.shape_cast %add3A_403 : vector<16xi32> to vector<16xi32>
      tpu.vector_store %arg9[%swap3A_404], %swap3A_407 {strides = array<i32>} : memref<128xi32, #tpu.memory_space<vmem>>, vector<16xi32>,
      %eq3A_408 = arith.constant 2 : i32
      %eq3A_409 = vector.broadcast %eq3A_408 : i32 to vector<16xi32>
      %eq3A_410 = arith.cmpi eq, %get3A_400, %eq3A_409 : vector<16xi32>
      %broadcast_in_dim3A_411 = vector.broadcast %add3A_8 : i32 to vector<16xi32>
      %select_n3A_412 = arith.select %eq3A_410, %get3A_385, %broadcast_in_dim3A_411 : vector<16xi1>, vector<16xi32>
      %swap3A_413 = arith.constant 64 : index
      %swap3A_414 = tpu.vector_load %arg11[%swap3A_413] {strides = array<i32>} : memref<128xi32, #tpu.memory_space<vmem>>, vector<16xi32>,
      %swap3A_415 = vector.shape_cast %swap3A_414 : vector<16xi32> to vector<16xi32>
      %swap3A_416 = vector.shape_cast %select_n3A_412 : vector<16xi32> to vector<16xi32>
      tpu.vector_store %arg11[%swap3A_413], %swap3A_416 {strides = array<i32>} : memref<128xi32, #tpu.memory_space<vmem>>, vector<16xi32>,
      %get3A_417 = arith.constant 16 : index
      %get3A_418 = tpu.vector_load %arg7[%get3A_417] {strides = array<i32>} : memref<256xi32, #tpu.memory_space<vmem>>, vector<16xi32>,
      %get3A_419 = vector.shape_cast %get3A_418 : vector<16xi32> to vector<16xi32>
      %get3A_420 = arith.constant 80 : index
      %get3A_421 = tpu.vector_load %arg7[%get3A_420] {strides = array<i32>} : memref<256xi32, #tpu.memory_space<vmem>>, vector<16xi32>,
      %get3A_422 = vector.shape_cast %get3A_421 : vector<16xi32> to vector<16xi32>
      %get3A_423 = arith.constant 144 : index
      %get3A_424 = tpu.vector_load %arg7[%get3A_423] {strides = array<i32>} : memref<256xi32, #tpu.memory_space<vmem>>, vector<16xi32>,
      %get3A_425 = vector.shape_cast %get3A_424 : vector<16xi32> to vector<16xi32>
      %mul3A_426 = arith.constant 10000 : i32
      %mul3A_427 = vector.broadcast %mul3A_426 : i32 to vector<16xi32>
      %mul3A_428 = arith.muli %get3A_422, %mul3A_427 : vector<16xi32>
      %add3A_429 = arith.addi %mul3A_428, %get3A_419 : vector<16xi32>
      %swap3A_430 = arith.constant 16 : index
      %swap3A_431 = tpu.vector_load %arg9[%swap3A_430] {strides = array<i32>} : memref<128xi32, #tpu.memory_space<vmem>>, vector<16xi32>,
      %swap3A_432 = vector.shape_cast %swap3A_431 : vector<16xi32> to vector<16xi32>
      %swap3A_433 = vector.shape_cast %add3A_429 : vector<16xi32> to vector<16xi32>
      tpu.vector_store %arg9[%swap3A_430], %swap3A_433 {strides = array<i32>} : memref<128xi32, #tpu.memory_space<vmem>>, vector<16xi32>,
      %swap3A_434 = arith.constant 16 : index
      %swap3A_435 = tpu.vector_load %arg11[%swap3A_434] {strides = array<i32>} : memref<128xi32, #tpu.memory_space<vmem>>, vector<16xi32>,
      %swap3A_436 = vector.shape_cast %swap3A_435 : vector<16xi32> to vector<16xi32>
      %swap3A_437 = vector.shape_cast %get3A_425 : vector<16xi32> to vector<16xi32>
      tpu.vector_store %arg11[%swap3A_434], %swap3A_437 {strides = array<i32>} : memref<128xi32, #tpu.memory_space<vmem>>, vector<16xi32>,
      %get3A_438 = arith.constant 208 : index
      %get3A_439 = tpu.vector_load %arg7[%get3A_438] {strides = array<i32>} : memref<256xi32, #tpu.memory_space<vmem>>, vector<16xi32>,
      %get3A_440 = vector.shape_cast %get3A_439 : vector<16xi32> to vector<16xi32>
      %add3A_441 = arith.constant 30000 : i32
      %add3A_442 = vector.broadcast %add3A_441 : i32 to vector<16xi32>
      %add3A_443 = arith.addi %get3A_419, %add3A_442 : vector<16xi32>
      %swap3A_444 = arith.constant 80 : index
      %swap3A_445 = tpu.vector_load %arg9[%swap3A_444] {strides = array<i32>} : memref<128xi32, #tpu.memory_space<vmem>>, vector<16xi32>,
      %swap3A_446 = vector.shape_cast %swap3A_445 : vector<16xi32> to vector<16xi32>
      %swap3A_447 = vector.shape_cast %add3A_443 : vector<16xi32> to vector<16xi32>
      tpu.vector_store %arg9[%swap3A_444], %swap3A_447 {strides = array<i32>} : memref<128xi32, #tpu.memory_space<vmem>>, vector<16xi32>,
      %eq3A_448 = arith.constant 2 : i32
      %eq3A_449 = vector.broadcast %eq3A_448 : i32 to vector<16xi32>
      %eq3A_450 = arith.cmpi eq, %get3A_440, %eq3A_449 : vector<16xi32>
      %broadcast_in_dim3A_451 = vector.broadcast %add3A_8 : i32 to vector<16xi32>
      %select_n3A_452 = arith.select %eq3A_450, %get3A_425, %broadcast_in_dim3A_451 : vector<16xi1>, vector<16xi32>
      %swap3A_453 = arith.constant 80 : index
      %swap3A_454 = tpu.vector_load %arg11[%swap3A_453] {strides = array<i32>} : memref<128xi32, #tpu.memory_space<vmem>>, vector<16xi32>,
      %swap3A_455 = vector.shape_cast %swap3A_454 : vector<16xi32> to vector<16xi32>
      %swap3A_456 = vector.shape_cast %select_n3A_452 : vector<16xi32> to vector<16xi32>
      tpu.vector_store %arg11[%swap3A_453], %swap3A_456 {strides = array<i32>} : memref<128xi32, #tpu.memory_space<vmem>>, vector<16xi32>,
      %get3A_457 = arith.constant 32 : index
      %get3A_458 = tpu.vector_load %arg7[%get3A_457] {strides = array<i32>} : memref<256xi32, #tpu.memory_space<vmem>>, vector<16xi32>,
      %get3A_459 = vector.shape_cast %get3A_458 : vector<16xi32> to vector<16xi32>
      %get3A_460 = arith.constant 96 : index
      %get3A_461 = tpu.vector_load %arg7[%get3A_460] {strides = array<i32>} : memref<256xi32, #tpu.memory_space<vmem>>, vector<16xi32>,
      %get3A_462 = vector.shape_cast %get3A_461 : vector<16xi32> to vector<16xi32>
      %get3A_463 = arith.constant 160 : index
      %get3A_464 = tpu.vector_load %arg7[%get3A_463] {strides = array<i32>} : memref<256xi32, #tpu.memory_space<vmem>>, vector<16xi32>,
      %get3A_465 = vector.shape_cast %get3A_464 : vector<16xi32> to vector<16xi32>
      %mul3A_466 = arith.constant 10000 : i32
      %mul3A_467 = vector.broadcast %mul3A_466 : i32 to vector<16xi32>
      %mul3A_468 = arith.muli %get3A_462, %mul3A_467 : vector<16xi32>
      %add3A_469 = arith.addi %mul3A_468, %get3A_459 : vector<16xi32>
      %swap3A_470 = arith.constant 32 : index
      %swap3A_471 = tpu.vector_load %arg9[%swap3A_470] {strides = array<i32>} : memref<128xi32, #tpu.memory_space<vmem>>, vector<16xi32>,
      %swap3A_472 = vector.shape_cast %swap3A_471 : vector<16xi32> to vector<16xi32>
      %swap3A_473 = vector.shape_cast %add3A_469 : vector<16xi32> to vector<16xi32>
      tpu.vector_store %arg9[%swap3A_470], %swap3A_473 {strides = array<i32>} : memref<128xi32, #tpu.memory_space<vmem>>, vector<16xi32>,
      %swap3A_474 = arith.constant 32 : index
      %swap3A_475 = tpu.vector_load %arg11[%swap3A_474] {strides = array<i32>} : memref<128xi32, #tpu.memory_space<vmem>>, vector<16xi32>,
      %swap3A_476 = vector.shape_cast %swap3A_475 : vector<16xi32> to vector<16xi32>
      %swap3A_477 = vector.shape_cast %get3A_465 : vector<16xi32> to vector<16xi32>
      tpu.vector_store %arg11[%swap3A_474], %swap3A_477 {strides = array<i32>} : memref<128xi32, #tpu.memory_space<vmem>>, vector<16xi32>,
      %get3A_478 = arith.constant 224 : index
      %get3A_479 = tpu.vector_load %arg7[%get3A_478] {strides = array<i32>} : memref<256xi32, #tpu.memory_space<vmem>>, vector<16xi32>,
      %get3A_480 = vector.shape_cast %get3A_479 : vector<16xi32> to vector<16xi32>
      %add3A_481 = arith.constant 30000 : i32
      %add3A_482 = vector.broadcast %add3A_481 : i32 to vector<16xi32>
      %add3A_483 = arith.addi %get3A_459, %add3A_482 : vector<16xi32>
      %swap3A_484 = arith.constant 96 : index
      %swap3A_485 = tpu.vector_load %arg9[%swap3A_484] {strides = array<i32>} : memref<128xi32, #tpu.memory_space<vmem>>, vector<16xi32>,
      %swap3A_486 = vector.shape_cast %swap3A_485 : vector<16xi32> to vector<16xi32>
      %swap3A_487 = vector.shape_cast %add3A_483 : vector<16xi32> to vector<16xi32>
      tpu.vector_store %arg9[%swap3A_484], %swap3A_487 {strides = array<i32>} : memref<128xi32, #tpu.memory_space<vmem>>, vector<16xi32>,
      %eq3A_488 = arith.constant 2 : i32
      %eq3A_489 = vector.broadcast %eq3A_488 : i32 to vector<16xi32>
      %eq3A_490 = arith.cmpi eq, %get3A_480, %eq3A_489 : vector<16xi32>
      %broadcast_in_dim3A_491 = vector.broadcast %add3A_8 : i32 to vector<16xi32>
      %select_n3A_492 = arith.select %eq3A_490, %get3A_465, %broadcast_in_dim3A_491 : vector<16xi1>, vector<16xi32>
      %swap3A_493 = arith.constant 96 : index
      %swap3A_494 = tpu.vector_load %arg11[%swap3A_493] {strides = array<i32>} : memref<128xi32, #tpu.memory_space<vmem>>, vector<16xi32>,
      %swap3A_495 = vector.shape_cast %swap3A_494 : vector<16xi32> to vector<16xi32>
      %swap3A_496 = vector.shape_cast %select_n3A_492 : vector<16xi32> to vector<16xi32>
      tpu.vector_store %arg11[%swap3A_493], %swap3A_496 {strides = array<i32>} : memref<128xi32, #tpu.memory_space<vmem>>, vector<16xi32>,
      %get3A_497 = arith.constant 48 : index
      %get3A_498 = tpu.vector_load %arg7[%get3A_497] {strides = array<i32>} : memref<256xi32, #tpu.memory_space<vmem>>, vector<16xi32>,
      %get3A_499 = vector.shape_cast %get3A_498 : vector<16xi32> to vector<16xi32>
      %get3A_500 = arith.constant 112 : index
      %get3A_501 = tpu.vector_load %arg7[%get3A_500] {strides = array<i32>} : memref<256xi32, #tpu.memory_space<vmem>>, vector<16xi32>,
      %get3A_502 = vector.shape_cast %get3A_501 : vector<16xi32> to vector<16xi32>
      %get3A_503 = arith.constant 176 : index
      %get3A_504 = tpu.vector_load %arg7[%get3A_503] {strides = array<i32>} : memref<256xi32, #tpu.memory_space<vmem>>, vector<16xi32>,
      %get3A_505 = vector.shape_cast %get3A_504 : vector<16xi32> to vector<16xi32>
      %mul3A_506 = arith.constant 10000 : i32
      %mul3A_507 = vector.broadcast %mul3A_506 : i32 to vector<16xi32>
      %mul3A_508 = arith.muli %get3A_502, %mul3A_507 : vector<16xi32>
      %add3A_509 = arith.addi %mul3A_508, %get3A_499 : vector<16xi32>
      %swap3A_510 = arith.constant 48 : index
      %swap3A_511 = tpu.vector_load %arg9[%swap3A_510] {strides = array<i32>} : memref<128xi32, #tpu.memory_space<vmem>>, vector<16xi32>,
      %swap3A_512 = vector.shape_cast %swap3A_511 : vector<16xi32> to vector<16xi32>
      %swap3A_513 = vector.shape_cast %add3A_509 : vector<16xi32> to vector<16xi32>
      tpu.vector_store %arg9[%swap3A_510], %swap3A_513 {strides = array<i32>} : memref<128xi32, #tpu.memory_space<vmem>>, vector<16xi32>,
      %swap3A_514 = arith.constant 48 : index
      %swap3A_515 = tpu.vector_load %arg11[%swap3A_514] {strides = array<i32>} : memref<128xi32, #tpu.memory_space<vmem>>, vector<16xi32>,
      %swap3A_516 = vector.shape_cast %swap3A_515 : vector<16xi32> to vector<16xi32>
      %swap3A_517 = vector.shape_cast %get3A_505 : vector<16xi32> to vector<16xi32>
      tpu.vector_store %arg11[%swap3A_514], %swap3A_517 {strides = array<i32>} : memref<128xi32, #tpu.memory_space<vmem>>, vector<16xi32>,
      %get3A_518 = arith.constant 240 : index
      %get3A_519 = tpu.vector_load %arg7[%get3A_518] {strides = array<i32>} : memref<256xi32, #tpu.memory_space<vmem>>, vector<16xi32>,
      %get3A_520 = vector.shape_cast %get3A_519 : vector<16xi32> to vector<16xi32>
      %add3A_521 = arith.constant 30000 : i32
      %add3A_522 = vector.broadcast %add3A_521 : i32 to vector<16xi32>
      %add3A_523 = arith.addi %get3A_499, %add3A_522 : vector<16xi32>
      %swap3A_524 = arith.constant 112 : index
      %swap3A_525 = tpu.vector_load %arg9[%swap3A_524] {strides = array<i32>} : memref<128xi32, #tpu.memory_space<vmem>>, vector<16xi32>,
      %swap3A_526 = vector.shape_cast %swap3A_525 : vector<16xi32> to vector<16xi32>
      %swap3A_527 = vector.shape_cast %add3A_523 : vector<16xi32> to vector<16xi32>
      tpu.vector_store %arg9[%swap3A_524], %swap3A_527 {strides = array<i32>} : memref<128xi32, #tpu.memory_space<vmem>>, vector<16xi32>,
      %eq3A_528 = arith.constant 2 : i32
      %eq3A_529 = vector.broadcast %eq3A_528 : i32 to vector<16xi32>
      %eq3A_530 = arith.cmpi eq, %get3A_520, %eq3A_529 : vector<16xi32>
      %broadcast_in_dim3A_531 = vector.broadcast %add3A_8 : i32 to vector<16xi32>
      %select_n3A_532 = arith.select %eq3A_530, %get3A_505, %broadcast_in_dim3A_531 : vector<16xi1>, vector<16xi32>
      %swap3A_533 = arith.constant 112 : index
      %swap3A_534 = tpu.vector_load %arg11[%swap3A_533] {strides = array<i32>} : memref<128xi32, #tpu.memory_space<vmem>>, vector<16xi32>,
      %swap3A_535 = vector.shape_cast %swap3A_534 : vector<16xi32> to vector<16xi32>
      %swap3A_536 = vector.shape_cast %select_n3A_532 : vector<16xi32> to vector<16xi32>
      tpu.vector_store %arg11[%swap3A_533], %swap3A_536 {strides = array<i32>} : memref<128xi32, #tpu.memory_space<vmem>>, vector<16xi32>,
      %dma_wait3A_537 = arith.constant 0 : i32
      %dma_wait3A_538 = arith.constant 0 : i32
      %dma_wait3A_539 = tpu.memref_slice %arg2[%dma_wait3A_537, %dma_wait3A_538] : memref<40000x128xf32, #tpu.memory_space<hbm>> -> memref<40000x128xf32, #tpu.memory_space<hbm>>
      tpu.wait_indirect_dma semaphore(%arg18 : memref<!tpu.dma_semaphore, #tpu.memory_space<semaphore_mem>>) src(%dma_wait3A_539 : memref<40000x128xf32, #tpu.memory_space<hbm>>) dst(%arg12 : memref<128x128xf32, #tpu.memory_space<vmem>>)
      %dma_start3A_540 = arith.constant 0 : i32
      %dma_start3A_541 = arith.constant 0 : i32
      %dma_start3A_542 = tpu.memref_slice %arg2[%dma_start3A_540, %dma_start3A_541] : memref<40000x128xf32, #tpu.memory_space<hbm>> -> memref<40000x128xf32, #tpu.memory_space<hbm>>
      tpu.enqueue_indirect_dma source(%dma_start3A_542 : memref<40000x128xf32, #tpu.memory_space<hbm>>) target(%arg13 : memref<128x128xf32, #tpu.memory_space<vmem>>) offsets(%arg9 : memref<128xi32, #tpu.memory_space<vmem>>) semaphore(%arg19 : memref<!tpu.dma_semaphore, #tpu.memory_space<semaphore_mem>>)
      %add3A_543 = arith.constant 2 : i32
      %add3A_544 = arith.addi %mul3A_372, %add3A_543 : i32
      %mul3A_545 = arith.constant 256 : i32
      %mul3A_546 = arith.muli %add3A_544, %mul3A_545 : i32
      %add3A_547 = arith.addi %mul3A_4, %mul3A_546 : i32
      %multiple_of3A_548 = tpu.assume_multiple %add3A_547, 8 : i32
      %dma_start3A_549 = tpu.memref_slice %arg3[%multiple_of3A_548] : memref<1310720xi32, #tpu.memory_space<hbm>> -> memref<256xi32, #tpu.memory_space<hbm>>
      %dma_start3A_550 = tpu.memref_slice %arg3[%multiple_of3A_548] : memref<1310720xi32, #tpu.memory_space<hbm>> -> memref<256xi32, #tpu.memory_space<hbm>>
      tpu.enqueue_dma source(%dma_start3A_550 : memref<256xi32, #tpu.memory_space<hbm>>) target(%arg6 : memref<256xi32, #tpu.memory_space<vmem>>) target_semaphore(%arg16 : memref<!tpu.dma_semaphore, #tpu.memory_space<semaphore_mem>>)
      "tpu.region"() ({
        %run_scoped3A = tpu.sem_alloc : memref<!tpu.dma_semaphore, #tpu.memory_space<semaphore_mem>>
        %dma_start3A_733 = arith.constant 0 : i32
        %dma_start3A_734 = arith.constant 0 : i32
        %dma_start3A_735 = tpu.memref_slice %arg15[%dma_start3A_733, %dma_start3A_734] : memref<10240x128xf32, #tpu.memory_space<vmem_shared>> -> memref<10240x128xf32, #tpu.memory_space<vmem_shared>>
        tpu.enqueue_indirect_dma source(%arg12 : memref<128x128xf32, #tpu.memory_space<vmem>>) target(%dma_start3A_735 : memref<10240x128xf32, #tpu.memory_space<vmem_shared>>) offsets(%arg10 : memref<128xi32, #tpu.memory_space<vmem>>) semaphore(%run_scoped3A : memref<!tpu.dma_semaphore, #tpu.memory_space<semaphore_mem>>) {add = true}
        %dma_wait3A_736 = arith.constant 0 : i32
        %dma_wait3A_737 = arith.constant 0 : i32
        %dma_wait3A_738 = tpu.memref_slice %arg15[%dma_wait3A_736, %dma_wait3A_737] : memref<10240x128xf32, #tpu.memory_space<vmem_shared>> -> memref<10240x128xf32, #tpu.memory_space<vmem_shared>>
        tpu.wait_indirect_dma semaphore(%run_scoped3A : memref<!tpu.dma_semaphore, #tpu.memory_space<semaphore_mem>>) src(%arg12 : memref<128x128xf32, #tpu.memory_space<vmem>>) dst(%dma_wait3A_738 : memref<10240x128xf32, #tpu.memory_space<vmem_shared>>)
        tpu.yield
      }) : () -> ()
      %mul3A_551 = arith.constant 2 : i32
      %mul3A_552 = arith.muli %mul3A_551, %add3A_370 : i32
      %add3A_553 = arith.constant 1 : i32
      %add3A_554 = arith.addi %mul3A_552, %add3A_553 : i32
      %dma_wait3A_555 = arith.constant 0 : i32
      %dma_wait3A_556 = tpu.memref_slice %arg3[%dma_wait3A_555] : memref<1310720xi32, #tpu.memory_space<hbm>> -> memref<256xi32, #tpu.memory_space<hbm>>
      %dma_wait3A_557 = arith.constant 0 : i32
      %dma_wait3A_558 = tpu.memref_slice %arg3[%dma_wait3A_557] : memref<1310720xi32, #tpu.memory_space<hbm>> -> memref<256xi32, #tpu.memory_space<hbm>>
      tpu.wait_dma2 semaphore(%arg16 : memref<!tpu.dma_semaphore, #tpu.memory_space<semaphore_mem>>) src(%dma_wait3A_558 : memref<256xi32, #tpu.memory_space<hbm>>) dst(%arg6 : memref<256xi32, #tpu.memory_space<vmem>>)
      %get3A_559 = arith.constant 0 : index
      %get3A_560 = tpu.vector_load %arg6[%get3A_559] {strides = array<i32>} : memref<256xi32, #tpu.memory_space<vmem>>, vector<16xi32>,
      %get3A_561 = vector.shape_cast %get3A_560 : vector<16xi32> to vector<16xi32>
      %get3A_562 = arith.constant 64 : index
      %get3A_563 = tpu.vector_load %arg6[%get3A_562] {strides = array<i32>} : memref<256xi32, #tpu.memory_space<vmem>>, vector<16xi32>,
      %get3A_564 = vector.shape_cast %get3A_563 : vector<16xi32> to vector<16xi32>
      %get3A_565 = arith.constant 128 : index
      %get3A_566 = tpu.vector_load %arg6[%get3A_565] {strides = array<i32>} : memref<256xi32, #tpu.memory_space<vmem>>, vector<16xi32>,
      %get3A_567 = vector.shape_cast %get3A_566 : vector<16xi32> to vector<16xi32>
      %mul3A_568 = arith.constant 10000 : i32
      %mul3A_569 = vector.broadcast %mul3A_568 : i32 to vector<16xi32>
      %mul3A_570 = arith.muli %get3A_564, %mul3A_569 : vector<16xi32>
      %add3A_571 = arith.addi %mul3A_570, %get3A_561 : vector<16xi32>
      %swap3A_572 = arith.constant 0 : index
      %swap3A_573 = tpu.vector_load %arg8[%swap3A_572] {strides = array<i32>} : memref<128xi32, #tpu.memory_space<vmem>>, vector<16xi32>,
      %swap3A_574 = vector.shape_cast %swap3A_573 : vector<16xi32> to vector<16xi32>
      %swap3A_575 = vector.shape_cast %add3A_571 : vector<16xi32> to vector<16xi32>
      tpu.vector_store %arg8[%swap3A_572], %swap3A_575 {strides = array<i32>} : memref<128xi32, #tpu.memory_space<vmem>>, vector<16xi32>,
      %swap3A_576 = arith.constant 0 : index
      %swap3A_577 = tpu.vector_load %arg10[%swap3A_576] {strides = array<i32>} : memref<128xi32, #tpu.memory_space<vmem>>, vector<16xi32>,
      %swap3A_578 = vector.shape_cast %swap3A_577 : vector<16xi32> to vector<16xi32>
      %swap3A_579 = vector.shape_cast %get3A_567 : vector<16xi32> to vector<16xi32>
      tpu.vector_store %arg10[%swap3A_576], %swap3A_579 {strides = array<i32>} : memref<128xi32, #tpu.memory_space<vmem>>, vector<16xi32>,
      %get3A_580 = arith.constant 192 : index
      %get3A_581 = tpu.vector_load %arg6[%get3A_580] {strides = array<i32>} : memref<256xi32, #tpu.memory_space<vmem>>, vector<16xi32>,
      %get3A_582 = vector.shape_cast %get3A_581 : vector<16xi32> to vector<16xi32>
      %add3A_583 = arith.constant 30000 : i32
      %add3A_584 = vector.broadcast %add3A_583 : i32 to vector<16xi32>
      %add3A_585 = arith.addi %get3A_561, %add3A_584 : vector<16xi32>
      %swap3A_586 = arith.constant 64 : index
      %swap3A_587 = tpu.vector_load %arg8[%swap3A_586] {strides = array<i32>} : memref<128xi32, #tpu.memory_space<vmem>>, vector<16xi32>,
      %swap3A_588 = vector.shape_cast %swap3A_587 : vector<16xi32> to vector<16xi32>
      %swap3A_589 = vector.shape_cast %add3A_585 : vector<16xi32> to vector<16xi32>
      tpu.vector_store %arg8[%swap3A_586], %swap3A_589 {strides = array<i32>} : memref<128xi32, #tpu.memory_space<vmem>>, vector<16xi32>,
      %eq3A_590 = arith.constant 2 : i32
      %eq3A_591 = vector.broadcast %eq3A_590 : i32 to vector<16xi32>
      %eq3A_592 = arith.cmpi eq, %get3A_582, %eq3A_591 : vector<16xi32>
      %broadcast_in_dim3A_593 = vector.broadcast %add3A_8 : i32 to vector<16xi32>
      %select_n3A_594 = arith.select %eq3A_592, %get3A_567, %broadcast_in_dim3A_593 : vector<16xi1>, vector<16xi32>
      %swap3A_595 = arith.constant 64 : index
      %swap3A_596 = tpu.vector_load %arg10[%swap3A_595] {strides = array<i32>} : memref<128xi32, #tpu.memory_space<vmem>>, vector<16xi32>,
      %swap3A_597 = vector.shape_cast %swap3A_596 : vector<16xi32> to vector<16xi32>
      %swap3A_598 = vector.shape_cast %select_n3A_594 : vector<16xi32> to vector<16xi32>
      tpu.vector_store %arg10[%swap3A_595], %swap3A_598 {strides = array<i32>} : memref<128xi32, #tpu.memory_space<vmem>>, vector<16xi32>,
      %get3A_599 = arith.constant 16 : index
      %get3A_600 = tpu.vector_load %arg6[%get3A_599] {strides = array<i32>} : memref<256xi32, #tpu.memory_space<vmem>>, vector<16xi32>,
      %get3A_601 = vector.shape_cast %get3A_600 : vector<16xi32> to vector<16xi32>
      %get3A_602 = arith.constant 80 : index
      %get3A_603 = tpu.vector_load %arg6[%get3A_602] {strides = array<i32>} : memref<256xi32, #tpu.memory_space<vmem>>, vector<16xi32>,
      %get3A_604 = vector.shape_cast %get3A_603 : vector<16xi32> to vector<16xi32>
      %get3A_605 = arith.constant 144 : index
      %get3A_606 = tpu.vector_load %arg6[%get3A_605] {strides = array<i32>} : memref<256xi32, #tpu.memory_space<vmem>>, vector<16xi32>,
      %get3A_607 = vector.shape_cast %get3A_606 : vector<16xi32> to vector<16xi32>
      %mul3A_608 = arith.constant 10000 : i32
      %mul3A_609 = vector.broadcast %mul3A_608 : i32 to vector<16xi32>
      %mul3A_610 = arith.muli %get3A_604, %mul3A_609 : vector<16xi32>
      %add3A_611 = arith.addi %mul3A_610, %get3A_601 : vector<16xi32>
      %swap3A_612 = arith.constant 16 : index
      %swap3A_613 = tpu.vector_load %arg8[%swap3A_612] {strides = array<i32>} : memref<128xi32, #tpu.memory_space<vmem>>, vector<16xi32>,
      %swap3A_614 = vector.shape_cast %swap3A_613 : vector<16xi32> to vector<16xi32>
      %swap3A_615 = vector.shape_cast %add3A_611 : vector<16xi32> to vector<16xi32>
      tpu.vector_store %arg8[%swap3A_612], %swap3A_615 {strides = array<i32>} : memref<128xi32, #tpu.memory_space<vmem>>, vector<16xi32>,
      %swap3A_616 = arith.constant 16 : index
      %swap3A_617 = tpu.vector_load %arg10[%swap3A_616] {strides = array<i32>} : memref<128xi32, #tpu.memory_space<vmem>>, vector<16xi32>,
      %swap3A_618 = vector.shape_cast %swap3A_617 : vector<16xi32> to vector<16xi32>
      %swap3A_619 = vector.shape_cast %get3A_607 : vector<16xi32> to vector<16xi32>
      tpu.vector_store %arg10[%swap3A_616], %swap3A_619 {strides = array<i32>} : memref<128xi32, #tpu.memory_space<vmem>>, vector<16xi32>,
      %get3A_620 = arith.constant 208 : index
      %get3A_621 = tpu.vector_load %arg6[%get3A_620] {strides = array<i32>} : memref<256xi32, #tpu.memory_space<vmem>>, vector<16xi32>,
      %get3A_622 = vector.shape_cast %get3A_621 : vector<16xi32> to vector<16xi32>
      %add3A_623 = arith.constant 30000 : i32
      %add3A_624 = vector.broadcast %add3A_623 : i32 to vector<16xi32>
      %add3A_625 = arith.addi %get3A_601, %add3A_624 : vector<16xi32>
      %swap3A_626 = arith.constant 80 : index
      %swap3A_627 = tpu.vector_load %arg8[%swap3A_626] {strides = array<i32>} : memref<128xi32, #tpu.memory_space<vmem>>, vector<16xi32>,
      %swap3A_628 = vector.shape_cast %swap3A_627 : vector<16xi32> to vector<16xi32>
      %swap3A_629 = vector.shape_cast %add3A_625 : vector<16xi32> to vector<16xi32>
      tpu.vector_store %arg8[%swap3A_626], %swap3A_629 {strides = array<i32>} : memref<128xi32, #tpu.memory_space<vmem>>, vector<16xi32>,
      %eq3A_630 = arith.constant 2 : i32
      %eq3A_631 = vector.broadcast %eq3A_630 : i32 to vector<16xi32>
      %eq3A_632 = arith.cmpi eq, %get3A_622, %eq3A_631 : vector<16xi32>
      %broadcast_in_dim3A_633 = vector.broadcast %add3A_8 : i32 to vector<16xi32>
      %select_n3A_634 = arith.select %eq3A_632, %get3A_607, %broadcast_in_dim3A_633 : vector<16xi1>, vector<16xi32>
      %swap3A_635 = arith.constant 80 : index
      %swap3A_636 = tpu.vector_load %arg10[%swap3A_635] {strides = array<i32>} : memref<128xi32, #tpu.memory_space<vmem>>, vector<16xi32>,
      %swap3A_637 = vector.shape_cast %swap3A_636 : vector<16xi32> to vector<16xi32>
      %swap3A_638 = vector.shape_cast %select_n3A_634 : vector<16xi32> to vector<16xi32>
      tpu.vector_store %arg10[%swap3A_635], %swap3A_638 {strides = array<i32>} : memref<128xi32, #tpu.memory_space<vmem>>, vector<16xi32>,
      %get3A_639 = arith.constant 32 : index
      %get3A_640 = tpu.vector_load %arg6[%get3A_639] {strides = array<i32>} : memref<256xi32, #tpu.memory_space<vmem>>, vector<16xi32>,
      %get3A_641 = vector.shape_cast %get3A_640 : vector<16xi32> to vector<16xi32>
      %get3A_642 = arith.constant 96 : index
      %get3A_643 = tpu.vector_load %arg6[%get3A_642] {strides = array<i32>} : memref<256xi32, #tpu.memory_space<vmem>>, vector<16xi32>,
      %get3A_644 = vector.shape_cast %get3A_643 : vector<16xi32> to vector<16xi32>
      %get3A_645 = arith.constant 160 : index
      %get3A_646 = tpu.vector_load %arg6[%get3A_645] {strides = array<i32>} : memref<256xi32, #tpu.memory_space<vmem>>, vector<16xi32>,
      %get3A_647 = vector.shape_cast %get3A_646 : vector<16xi32> to vector<16xi32>
      %mul3A_648 = arith.constant 10000 : i32
      %mul3A_649 = vector.broadcast %mul3A_648 : i32 to vector<16xi32>
      %mul3A_650 = arith.muli %get3A_644, %mul3A_649 : vector<16xi32>
      %add3A_651 = arith.addi %mul3A_650, %get3A_641 : vector<16xi32>
      %swap3A_652 = arith.constant 32 : index
      %swap3A_653 = tpu.vector_load %arg8[%swap3A_652] {strides = array<i32>} : memref<128xi32, #tpu.memory_space<vmem>>, vector<16xi32>,
      %swap3A_654 = vector.shape_cast %swap3A_653 : vector<16xi32> to vector<16xi32>
      %swap3A_655 = vector.shape_cast %add3A_651 : vector<16xi32> to vector<16xi32>
      tpu.vector_store %arg8[%swap3A_652], %swap3A_655 {strides = array<i32>} : memref<128xi32, #tpu.memory_space<vmem>>, vector<16xi32>,
      %swap3A_656 = arith.constant 32 : index
      %swap3A_657 = tpu.vector_load %arg10[%swap3A_656] {strides = array<i32>} : memref<128xi32, #tpu.memory_space<vmem>>, vector<16xi32>,
      %swap3A_658 = vector.shape_cast %swap3A_657 : vector<16xi32> to vector<16xi32>
      %swap3A_659 = vector.shape_cast %get3A_647 : vector<16xi32> to vector<16xi32>
      tpu.vector_store %arg10[%swap3A_656], %swap3A_659 {strides = array<i32>} : memref<128xi32, #tpu.memory_space<vmem>>, vector<16xi32>,
      %get3A_660 = arith.constant 224 : index
      %get3A_661 = tpu.vector_load %arg6[%get3A_660] {strides = array<i32>} : memref<256xi32, #tpu.memory_space<vmem>>, vector<16xi32>,
      %get3A_662 = vector.shape_cast %get3A_661 : vector<16xi32> to vector<16xi32>
      %add3A_663 = arith.constant 30000 : i32
      %add3A_664 = vector.broadcast %add3A_663 : i32 to vector<16xi32>
      %add3A_665 = arith.addi %get3A_641, %add3A_664 : vector<16xi32>
      %swap3A_666 = arith.constant 96 : index
      %swap3A_667 = tpu.vector_load %arg8[%swap3A_666] {strides = array<i32>} : memref<128xi32, #tpu.memory_space<vmem>>, vector<16xi32>,
      %swap3A_668 = vector.shape_cast %swap3A_667 : vector<16xi32> to vector<16xi32>
      %swap3A_669 = vector.shape_cast %add3A_665 : vector<16xi32> to vector<16xi32>
      tpu.vector_store %arg8[%swap3A_666], %swap3A_669 {strides = array<i32>} : memref<128xi32, #tpu.memory_space<vmem>>, vector<16xi32>,
      %eq3A_670 = arith.constant 2 : i32
      %eq3A_671 = vector.broadcast %eq3A_670 : i32 to vector<16xi32>
      %eq3A_672 = arith.cmpi eq, %get3A_662, %eq3A_671 : vector<16xi32>
      %broadcast_in_dim3A_673 = vector.broadcast %add3A_8 : i32 to vector<16xi32>
      %select_n3A_674 = arith.select %eq3A_672, %get3A_647, %broadcast_in_dim3A_673 : vector<16xi1>, vector<16xi32>
      %swap3A_675 = arith.constant 96 : index
      %swap3A_676 = tpu.vector_load %arg10[%swap3A_675] {strides = array<i32>} : memref<128xi32, #tpu.memory_space<vmem>>, vector<16xi32>,
      %swap3A_677 = vector.shape_cast %swap3A_676 : vector<16xi32> to vector<16xi32>
      %swap3A_678 = vector.shape_cast %select_n3A_674 : vector<16xi32> to vector<16xi32>
      tpu.vector_store %arg10[%swap3A_675], %swap3A_678 {strides = array<i32>} : memref<128xi32, #tpu.memory_space<vmem>>, vector<16xi32>,
      %get3A_679 = arith.constant 48 : index
      %get3A_680 = tpu.vector_load %arg6[%get3A_679] {strides = array<i32>} : memref<256xi32, #tpu.memory_space<vmem>>, vector<16xi32>,
      %get3A_681 = vector.shape_cast %get3A_680 : vector<16xi32> to vector<16xi32>
      %get3A_682 = arith.constant 112 : index
      %get3A_683 = tpu.vector_load %arg6[%get3A_682] {strides = array<i32>} : memref<256xi32, #tpu.memory_space<vmem>>, vector<16xi32>,
      %get3A_684 = vector.shape_cast %get3A_683 : vector<16xi32> to vector<16xi32>
      %get3A_685 = arith.constant 176 : index
      %get3A_686 = tpu.vector_load %arg6[%get3A_685] {strides = array<i32>} : memref<256xi32, #tpu.memory_space<vmem>>, vector<16xi32>,
      %get3A_687 = vector.shape_cast %get3A_686 : vector<16xi32> to vector<16xi32>
      %mul3A_688 = arith.constant 10000 : i32
      %mul3A_689 = vector.broadcast %mul3A_688 : i32 to vector<16xi32>
      %mul3A_690 = arith.muli %get3A_684, %mul3A_689 : vector<16xi32>
      %add3A_691 = arith.addi %mul3A_690, %get3A_681 : vector<16xi32>
      %swap3A_692 = arith.constant 48 : index
      %swap3A_693 = tpu.vector_load %arg8[%swap3A_692] {strides = array<i32>} : memref<128xi32, #tpu.memory_space<vmem>>, vector<16xi32>,
      %swap3A_694 = vector.shape_cast %swap3A_693 : vector<16xi32> to vector<16xi32>
      %swap3A_695 = vector.shape_cast %add3A_691 : vector<16xi32> to vector<16xi32>
      tpu.vector_store %arg8[%swap3A_692], %swap3A_695 {strides = array<i32>} : memref<128xi32, #tpu.memory_space<vmem>>, vector<16xi32>,
      %swap3A_696 = arith.constant 48 : index
      %swap3A_697 = tpu.vector_load %arg10[%swap3A_696] {strides = array<i32>} : memref<128xi32, #tpu.memory_space<vmem>>, vector<16xi32>,
      %swap3A_698 = vector.shape_cast %swap3A_697 : vector<16xi32> to vector<16xi32>
      %swap3A_699 = vector.shape_cast %get3A_687 : vector<16xi32> to vector<16xi32>
      tpu.vector_store %arg10[%swap3A_696], %swap3A_699 {strides = array<i32>} : memref<128xi32, #tpu.memory_space<vmem>>, vector<16xi32>,
      %get3A_700 = arith.constant 240 : index
      %get3A_701 = tpu.vector_load %arg6[%get3A_700] {strides = array<i32>} : memref<256xi32, #tpu.memory_space<vmem>>, vector<16xi32>,
      %get3A_702 = vector.shape_cast %get3A_701 : vector<16xi32> to vector<16xi32>
      %add3A_703 = arith.constant 30000 : i32
      %add3A_704 = vector.broadcast %add3A_703 : i32 to vector<16xi32>
      %add3A_705 = arith.addi %get3A_681, %add3A_704 : vector<16xi32>
      %swap3A_706 = arith.constant 112 : index
      %swap3A_707 = tpu.vector_load %arg8[%swap3A_706] {strides = array<i32>} : memref<128xi32, #tpu.memory_space<vmem>>, vector<16xi32>,
      %swap3A_708 = vector.shape_cast %swap3A_707 : vector<16xi32> to vector<16xi32>
      %swap3A_709 = vector.shape_cast %add3A_705 : vector<16xi32> to vector<16xi32>
      tpu.vector_store %arg8[%swap3A_706], %swap3A_709 {strides = array<i32>} : memref<128xi32, #tpu.memory_space<vmem>>, vector<16xi32>,
      %eq3A_710 = arith.constant 2 : i32
      %eq3A_711 = vector.broadcast %eq3A_710 : i32 to vector<16xi32>
      %eq3A_712 = arith.cmpi eq, %get3A_702, %eq3A_711 : vector<16xi32>
      %broadcast_in_dim3A_713 = vector.broadcast %add3A_8 : i32 to vector<16xi32>
      %select_n3A_714 = arith.select %eq3A_712, %get3A_687, %broadcast_in_dim3A_713 : vector<16xi1>, vector<16xi32>
      %swap3A_715 = arith.constant 112 : index
      %swap3A_716 = tpu.vector_load %arg10[%swap3A_715] {strides = array<i32>} : memref<128xi32, #tpu.memory_space<vmem>>, vector<16xi32>,
      %swap3A_717 = vector.shape_cast %swap3A_716 : vector<16xi32> to vector<16xi32>
      %swap3A_718 = vector.shape_cast %select_n3A_714 : vector<16xi32> to vector<16xi32>
      tpu.vector_store %arg10[%swap3A_715], %swap3A_718 {strides = array<i32>} : memref<128xi32, #tpu.memory_space<vmem>>, vector<16xi32>,
      %dma_wait3A_719 = arith.constant 0 : i32
      %dma_wait3A_720 = arith.constant 0 : i32
      %dma_wait3A_721 = tpu.memref_slice %arg2[%dma_wait3A_719, %dma_wait3A_720] : memref<40000x128xf32, #tpu.memory_space<hbm>> -> memref<40000x128xf32, #tpu.memory_space<hbm>>
      tpu.wait_indirect_dma semaphore(%arg19 : memref<!tpu.dma_semaphore, #tpu.memory_space<semaphore_mem>>) src(%dma_wait3A_721 : memref<40000x128xf32, #tpu.memory_space<hbm>>) dst(%arg13 : memref<128x128xf32, #tpu.memory_space<vmem>>)
      %dma_start3A_722 = arith.constant 0 : i32
      %dma_start3A_723 = arith.constant 0 : i32
      %dma_start3A_724 = tpu.memref_slice %arg2[%dma_start3A_722, %dma_start3A_723] : memref<40000x128xf32, #tpu.memory_space<hbm>> -> memref<40000x128xf32, #tpu.memory_space<hbm>>
      tpu.enqueue_indirect_dma source(%dma_start3A_724 : memref<40000x128xf32, #tpu.memory_space<hbm>>) target(%arg12 : memref<128x128xf32, #tpu.memory_space<vmem>>) offsets(%arg8 : memref<128xi32, #tpu.memory_space<vmem>>) semaphore(%arg18 : memref<!tpu.dma_semaphore, #tpu.memory_space<semaphore_mem>>)
      %add3A_725 = arith.constant 2 : i32
      %add3A_726 = arith.addi %add3A_554, %add3A_725 : i32
      %mul3A_727 = arith.constant 256 : i32
      %mul3A_728 = arith.muli %add3A_726, %mul3A_727 : i32
      %add3A_729 = arith.addi %mul3A_4, %mul3A_728 : i32
      %multiple_of3A_730 = tpu.assume_multiple %add3A_729, 8 : i32
      %dma_start3A_731 = tpu.memref_slice %arg3[%multiple_of3A_730] : memref<1310720xi32, #tpu.memory_space<hbm>> -> memref<256xi32, #tpu.memory_space<hbm>>
      %dma_start3A_732 = tpu.memref_slice %arg3[%multiple_of3A_730] : memref<1310720xi32, #tpu.memory_space<hbm>> -> memref<256xi32, #tpu.memory_space<hbm>>
      tpu.enqueue_dma source(%dma_start3A_732 : memref<256xi32, #tpu.memory_space<hbm>>) target(%arg7 : memref<256xi32, #tpu.memory_space<vmem>>) target_semaphore(%arg17 : memref<!tpu.dma_semaphore, #tpu.memory_space<semaphore_mem>>)
      "tpu.region"() ({
        %run_scoped3A = tpu.sem_alloc : memref<!tpu.dma_semaphore, #tpu.memory_space<semaphore_mem>>
        %dma_start3A_733 = arith.constant 0 : i32
        %dma_start3A_734 = arith.constant 0 : i32
        %dma_start3A_735 = tpu.memref_slice %arg15[%dma_start3A_733, %dma_start3A_734] : memref<10240x128xf32, #tpu.memory_space<vmem_shared>> -> memref<10240x128xf32, #tpu.memory_space<vmem_shared>>
        tpu.enqueue_indirect_dma source(%arg13 : memref<128x128xf32, #tpu.memory_space<vmem>>) target(%dma_start3A_735 : memref<10240x128xf32, #tpu.memory_space<vmem_shared>>) offsets(%arg11 : memref<128xi32, #tpu.memory_space<vmem>>) semaphore(%run_scoped3A : memref<!tpu.dma_semaphore, #tpu.memory_space<semaphore_mem>>) {add = true}
        %dma_wait3A_736 = arith.constant 0 : i32
        %dma_wait3A_737 = arith.constant 0 : i32
        %dma_wait3A_738 = tpu.memref_slice %arg15[%dma_wait3A_736, %dma_wait3A_737] : memref<10240x128xf32, #tpu.memory_space<vmem_shared>> -> memref<10240x128xf32, #tpu.memory_space<vmem_shared>>
        tpu.wait_indirect_dma semaphore(%run_scoped3A : memref<!tpu.dma_semaphore, #tpu.memory_space<semaphore_mem>>) src(%arg13 : memref<128x128xf32, #tpu.memory_space<vmem>>) dst(%dma_wait3A_738 : memref<10240x128xf32, #tpu.memory_space<vmem_shared>>)
        tpu.yield
      }) : () -> ()
    }
    %scan3A_186 = arith.constant 79 : i32
    %dma_wait3A_187 = arith.constant 0 : i32
    %dma_wait3A_188 = tpu.memref_slice %arg3[%dma_wait3A_187] : memref<1310720xi32, #tpu.memory_space<hbm>> -> memref<256xi32, #tpu.memory_space<hbm>>
    %dma_wait3A_189 = arith.constant 0 : i32
    %dma_wait3A_190 = tpu.memref_slice %arg3[%dma_wait3A_189] : memref<1310720xi32, #tpu.memory_space<hbm>> -> memref<256xi32, #tpu.memory_space<hbm>>
    tpu.wait_dma2 semaphore(%arg17 : memref<!tpu.dma_semaphore, #tpu.memory_space<semaphore_mem>>) src(%dma_wait3A_190 : memref<256xi32, #tpu.memory_space<hbm>>) dst(%arg7 : memref<256xi32, #tpu.memory_space<vmem>>)
    %get3A_191 = arith.constant 0 : index
    %get3A_192 = tpu.vector_load %arg7[%get3A_191] {strides = array<i32>} : memref<256xi32, #tpu.memory_space<vmem>>, vector<16xi32>,
    %get3A_193 = vector.shape_cast %get3A_192 : vector<16xi32> to vector<16xi32>
    %get3A_194 = arith.constant 64 : index
    %get3A_195 = tpu.vector_load %arg7[%get3A_194] {strides = array<i32>} : memref<256xi32, #tpu.memory_space<vmem>>, vector<16xi32>,
    %get3A_196 = vector.shape_cast %get3A_195 : vector<16xi32> to vector<16xi32>
    %get3A_197 = arith.constant 128 : index
    %get3A_198 = tpu.vector_load %arg7[%get3A_197] {strides = array<i32>} : memref<256xi32, #tpu.memory_space<vmem>>, vector<16xi32>,
    %get3A_199 = vector.shape_cast %get3A_198 : vector<16xi32> to vector<16xi32>
    %mul3A_200 = arith.constant 10000 : i32
    %mul3A_201 = vector.broadcast %mul3A_200 : i32 to vector<16xi32>
    %mul3A_202 = arith.muli %get3A_196, %mul3A_201 : vector<16xi32>
    %add3A_203 = arith.addi %mul3A_202, %get3A_193 : vector<16xi32>
    %swap3A_204 = arith.constant 0 : index
    %swap3A_205 = tpu.vector_load %arg9[%swap3A_204] {strides = array<i32>} : memref<128xi32, #tpu.memory_space<vmem>>, vector<16xi32>,
    %swap3A_206 = vector.shape_cast %swap3A_205 : vector<16xi32> to vector<16xi32>
    %swap3A_207 = vector.shape_cast %add3A_203 : vector<16xi32> to vector<16xi32>
    tpu.vector_store %arg9[%swap3A_204], %swap3A_207 {strides = array<i32>} : memref<128xi32, #tpu.memory_space<vmem>>, vector<16xi32>,
    %swap3A_208 = arith.constant 0 : index
    %swap3A_209 = tpu.vector_load %arg11[%swap3A_208] {strides = array<i32>} : memref<128xi32, #tpu.memory_space<vmem>>, vector<16xi32>,
    %swap3A_210 = vector.shape_cast %swap3A_209 : vector<16xi32> to vector<16xi32>
    %swap3A_211 = vector.shape_cast %get3A_199 : vector<16xi32> to vector<16xi32>
    tpu.vector_store %arg11[%swap3A_208], %swap3A_211 {strides = array<i32>} : memref<128xi32, #tpu.memory_space<vmem>>, vector<16xi32>,
    %get3A_212 = arith.constant 192 : index
    %get3A_213 = tpu.vector_load %arg7[%get3A_212] {strides = array<i32>} : memref<256xi32, #tpu.memory_space<vmem>>, vector<16xi32>,
    %get3A_214 = vector.shape_cast %get3A_213 : vector<16xi32> to vector<16xi32>
    %add3A_215 = arith.constant 30000 : i32
    %add3A_216 = vector.broadcast %add3A_215 : i32 to vector<16xi32>
    %add3A_217 = arith.addi %get3A_193, %add3A_216 : vector<16xi32>
    %swap3A_218 = arith.constant 64 : index
    %swap3A_219 = tpu.vector_load %arg9[%swap3A_218] {strides = array<i32>} : memref<128xi32, #tpu.memory_space<vmem>>, vector<16xi32>,
    %swap3A_220 = vector.shape_cast %swap3A_219 : vector<16xi32> to vector<16xi32>
    %swap3A_221 = vector.shape_cast %add3A_217 : vector<16xi32> to vector<16xi32>
    tpu.vector_store %arg9[%swap3A_218], %swap3A_221 {strides = array<i32>} : memref<128xi32, #tpu.memory_space<vmem>>, vector<16xi32>,
    %eq3A_222 = arith.constant 2 : i32
    %eq3A_223 = vector.broadcast %eq3A_222 : i32 to vector<16xi32>
    %eq3A_224 = arith.cmpi eq, %get3A_214, %eq3A_223 : vector<16xi32>
    %broadcast_in_dim3A_225 = vector.broadcast %add3A_8 : i32 to vector<16xi32>
    %select_n3A_226 = arith.select %eq3A_224, %get3A_199, %broadcast_in_dim3A_225 : vector<16xi1>, vector<16xi32>
    %swap3A_227 = arith.constant 64 : index
    %swap3A_228 = tpu.vector_load %arg11[%swap3A_227] {strides = array<i32>} : memref<128xi32, #tpu.memory_space<vmem>>, vector<16xi32>,
    %swap3A_229 = vector.shape_cast %swap3A_228 : vector<16xi32> to vector<16xi32>
    %swap3A_230 = vector.shape_cast %select_n3A_226 : vector<16xi32> to vector<16xi32>
    tpu.vector_store %arg11[%swap3A_227], %swap3A_230 {strides = array<i32>} : memref<128xi32, #tpu.memory_space<vmem>>, vector<16xi32>,
    %get3A_231 = arith.constant 16 : index
    %get3A_232 = tpu.vector_load %arg7[%get3A_231] {strides = array<i32>} : memref<256xi32, #tpu.memory_space<vmem>>, vector<16xi32>,
    %get3A_233 = vector.shape_cast %get3A_232 : vector<16xi32> to vector<16xi32>
    %get3A_234 = arith.constant 80 : index
    %get3A_235 = tpu.vector_load %arg7[%get3A_234] {strides = array<i32>} : memref<256xi32, #tpu.memory_space<vmem>>, vector<16xi32>,
    %get3A_236 = vector.shape_cast %get3A_235 : vector<16xi32> to vector<16xi32>
    %get3A_237 = arith.constant 144 : index
    %get3A_238 = tpu.vector_load %arg7[%get3A_237] {strides = array<i32>} : memref<256xi32, #tpu.memory_space<vmem>>, vector<16xi32>,
    %get3A_239 = vector.shape_cast %get3A_238 : vector<16xi32> to vector<16xi32>
    %mul3A_240 = arith.constant 10000 : i32
    %mul3A_241 = vector.broadcast %mul3A_240 : i32 to vector<16xi32>
    %mul3A_242 = arith.muli %get3A_236, %mul3A_241 : vector<16xi32>
    %add3A_243 = arith.addi %mul3A_242, %get3A_233 : vector<16xi32>
    %swap3A_244 = arith.constant 16 : index
    %swap3A_245 = tpu.vector_load %arg9[%swap3A_244] {strides = array<i32>} : memref<128xi32, #tpu.memory_space<vmem>>, vector<16xi32>,
    %swap3A_246 = vector.shape_cast %swap3A_245 : vector<16xi32> to vector<16xi32>
    %swap3A_247 = vector.shape_cast %add3A_243 : vector<16xi32> to vector<16xi32>
    tpu.vector_store %arg9[%swap3A_244], %swap3A_247 {strides = array<i32>} : memref<128xi32, #tpu.memory_space<vmem>>, vector<16xi32>,
    %swap3A_248 = arith.constant 16 : index
    %swap3A_249 = tpu.vector_load %arg11[%swap3A_248] {strides = array<i32>} : memref<128xi32, #tpu.memory_space<vmem>>, vector<16xi32>,
    %swap3A_250 = vector.shape_cast %swap3A_249 : vector<16xi32> to vector<16xi32>
    %swap3A_251 = vector.shape_cast %get3A_239 : vector<16xi32> to vector<16xi32>
    tpu.vector_store %arg11[%swap3A_248], %swap3A_251 {strides = array<i32>} : memref<128xi32, #tpu.memory_space<vmem>>, vector<16xi32>,
    %get3A_252 = arith.constant 208 : index
    %get3A_253 = tpu.vector_load %arg7[%get3A_252] {strides = array<i32>} : memref<256xi32, #tpu.memory_space<vmem>>, vector<16xi32>,
    %get3A_254 = vector.shape_cast %get3A_253 : vector<16xi32> to vector<16xi32>
    %add3A_255 = arith.constant 30000 : i32
    %add3A_256 = vector.broadcast %add3A_255 : i32 to vector<16xi32>
    %add3A_257 = arith.addi %get3A_233, %add3A_256 : vector<16xi32>
    %swap3A_258 = arith.constant 80 : index
    %swap3A_259 = tpu.vector_load %arg9[%swap3A_258] {strides = array<i32>} : memref<128xi32, #tpu.memory_space<vmem>>, vector<16xi32>,
    %swap3A_260 = vector.shape_cast %swap3A_259 : vector<16xi32> to vector<16xi32>
    %swap3A_261 = vector.shape_cast %add3A_257 : vector<16xi32> to vector<16xi32>
    tpu.vector_store %arg9[%swap3A_258], %swap3A_261 {strides = array<i32>} : memref<128xi32, #tpu.memory_space<vmem>>, vector<16xi32>,
    %eq3A_262 = arith.constant 2 : i32
    %eq3A_263 = vector.broadcast %eq3A_262 : i32 to vector<16xi32>
    %eq3A_264 = arith.cmpi eq, %get3A_254, %eq3A_263 : vector<16xi32>
    %broadcast_in_dim3A_265 = vector.broadcast %add3A_8 : i32 to vector<16xi32>
    %select_n3A_266 = arith.select %eq3A_264, %get3A_239, %broadcast_in_dim3A_265 : vector<16xi1>, vector<16xi32>
    %swap3A_267 = arith.constant 80 : index
    %swap3A_268 = tpu.vector_load %arg11[%swap3A_267] {strides = array<i32>} : memref<128xi32, #tpu.memory_space<vmem>>, vector<16xi32>,
    %swap3A_269 = vector.shape_cast %swap3A_268 : vector<16xi32> to vector<16xi32>
    %swap3A_270 = vector.shape_cast %select_n3A_266 : vector<16xi32> to vector<16xi32>
    tpu.vector_store %arg11[%swap3A_267], %swap3A_270 {strides = array<i32>} : memref<128xi32, #tpu.memory_space<vmem>>, vector<16xi32>,
    %get3A_271 = arith.constant 32 : index
    %get3A_272 = tpu.vector_load %arg7[%get3A_271] {strides = array<i32>} : memref<256xi32, #tpu.memory_space<vmem>>, vector<16xi32>,
    %get3A_273 = vector.shape_cast %get3A_272 : vector<16xi32> to vector<16xi32>
    %get3A_274 = arith.constant 96 : index
    %get3A_275 = tpu.vector_load %arg7[%get3A_274] {strides = array<i32>} : memref<256xi32, #tpu.memory_space<vmem>>, vector<16xi32>,
    %get3A_276 = vector.shape_cast %get3A_275 : vector<16xi32> to vector<16xi32>
    %get3A_277 = arith.constant 160 : index
    %get3A_278 = tpu.vector_load %arg7[%get3A_277] {strides = array<i32>} : memref<256xi32, #tpu.memory_space<vmem>>, vector<16xi32>,
    %get3A_279 = vector.shape_cast %get3A_278 : vector<16xi32> to vector<16xi32>
    %mul3A_280 = arith.constant 10000 : i32
    %mul3A_281 = vector.broadcast %mul3A_280 : i32 to vector<16xi32>
    %mul3A_282 = arith.muli %get3A_276, %mul3A_281 : vector<16xi32>
    %add3A_283 = arith.addi %mul3A_282, %get3A_273 : vector<16xi32>
    %swap3A_284 = arith.constant 32 : index
    %swap3A_285 = tpu.vector_load %arg9[%swap3A_284] {strides = array<i32>} : memref<128xi32, #tpu.memory_space<vmem>>, vector<16xi32>,
    %swap3A_286 = vector.shape_cast %swap3A_285 : vector<16xi32> to vector<16xi32>
    %swap3A_287 = vector.shape_cast %add3A_283 : vector<16xi32> to vector<16xi32>
    tpu.vector_store %arg9[%swap3A_284], %swap3A_287 {strides = array<i32>} : memref<128xi32, #tpu.memory_space<vmem>>, vector<16xi32>,
    %swap3A_288 = arith.constant 32 : index
    %swap3A_289 = tpu.vector_load %arg11[%swap3A_288] {strides = array<i32>} : memref<128xi32, #tpu.memory_space<vmem>>, vector<16xi32>,
    %swap3A_290 = vector.shape_cast %swap3A_289 : vector<16xi32> to vector<16xi32>
    %swap3A_291 = vector.shape_cast %get3A_279 : vector<16xi32> to vector<16xi32>
    tpu.vector_store %arg11[%swap3A_288], %swap3A_291 {strides = array<i32>} : memref<128xi32, #tpu.memory_space<vmem>>, vector<16xi32>,
    %get3A_292 = arith.constant 224 : index
    %get3A_293 = tpu.vector_load %arg7[%get3A_292] {strides = array<i32>} : memref<256xi32, #tpu.memory_space<vmem>>, vector<16xi32>,
    %get3A_294 = vector.shape_cast %get3A_293 : vector<16xi32> to vector<16xi32>
    %add3A_295 = arith.constant 30000 : i32
    %add3A_296 = vector.broadcast %add3A_295 : i32 to vector<16xi32>
    %add3A_297 = arith.addi %get3A_273, %add3A_296 : vector<16xi32>
    %swap3A_298 = arith.constant 96 : index
    %swap3A_299 = tpu.vector_load %arg9[%swap3A_298] {strides = array<i32>} : memref<128xi32, #tpu.memory_space<vmem>>, vector<16xi32>,
    %swap3A_300 = vector.shape_cast %swap3A_299 : vector<16xi32> to vector<16xi32>
    %swap3A_301 = vector.shape_cast %add3A_297 : vector<16xi32> to vector<16xi32>
    tpu.vector_store %arg9[%swap3A_298], %swap3A_301 {strides = array<i32>} : memref<128xi32, #tpu.memory_space<vmem>>, vector<16xi32>,
    %eq3A_302 = arith.constant 2 : i32
    %eq3A_303 = vector.broadcast %eq3A_302 : i32 to vector<16xi32>
    %eq3A_304 = arith.cmpi eq, %get3A_294, %eq3A_303 : vector<16xi32>
    %broadcast_in_dim3A_305 = vector.broadcast %add3A_8 : i32 to vector<16xi32>
    %select_n3A_306 = arith.select %eq3A_304, %get3A_279, %broadcast_in_dim3A_305 : vector<16xi1>, vector<16xi32>
    %swap3A_307 = arith.constant 96 : index
    %swap3A_308 = tpu.vector_load %arg11[%swap3A_307] {strides = array<i32>} : memref<128xi32, #tpu.memory_space<vmem>>, vector<16xi32>,
    %swap3A_309 = vector.shape_cast %swap3A_308 : vector<16xi32> to vector<16xi32>
    %swap3A_310 = vector.shape_cast %select_n3A_306 : vector<16xi32> to vector<16xi32>
    tpu.vector_store %arg11[%swap3A_307], %swap3A_310 {strides = array<i32>} : memref<128xi32, #tpu.memory_space<vmem>>, vector<16xi32>,
    %get3A_311 = arith.constant 48 : index
    %get3A_312 = tpu.vector_load %arg7[%get3A_311] {strides = array<i32>} : memref<256xi32, #tpu.memory_space<vmem>>, vector<16xi32>,
    %get3A_313 = vector.shape_cast %get3A_312 : vector<16xi32> to vector<16xi32>
    %get3A_314 = arith.constant 112 : index
    %get3A_315 = tpu.vector_load %arg7[%get3A_314] {strides = array<i32>} : memref<256xi32, #tpu.memory_space<vmem>>, vector<16xi32>,
    %get3A_316 = vector.shape_cast %get3A_315 : vector<16xi32> to vector<16xi32>
    %get3A_317 = arith.constant 176 : index
    %get3A_318 = tpu.vector_load %arg7[%get3A_317] {strides = array<i32>} : memref<256xi32, #tpu.memory_space<vmem>>, vector<16xi32>,
    %get3A_319 = vector.shape_cast %get3A_318 : vector<16xi32> to vector<16xi32>
    %mul3A_320 = arith.constant 10000 : i32
    %mul3A_321 = vector.broadcast %mul3A_320 : i32 to vector<16xi32>
    %mul3A_322 = arith.muli %get3A_316, %mul3A_321 : vector<16xi32>
    %add3A_323 = arith.addi %mul3A_322, %get3A_313 : vector<16xi32>
    %swap3A_324 = arith.constant 48 : index
    %swap3A_325 = tpu.vector_load %arg9[%swap3A_324] {strides = array<i32>} : memref<128xi32, #tpu.memory_space<vmem>>, vector<16xi32>,
    %swap3A_326 = vector.shape_cast %swap3A_325 : vector<16xi32> to vector<16xi32>
    %swap3A_327 = vector.shape_cast %add3A_323 : vector<16xi32> to vector<16xi32>
    tpu.vector_store %arg9[%swap3A_324], %swap3A_327 {strides = array<i32>} : memref<128xi32, #tpu.memory_space<vmem>>, vector<16xi32>,
    %swap3A_328 = arith.constant 48 : index
    %swap3A_329 = tpu.vector_load %arg11[%swap3A_328] {strides = array<i32>} : memref<128xi32, #tpu.memory_space<vmem>>, vector<16xi32>,
    %swap3A_330 = vector.shape_cast %swap3A_329 : vector<16xi32> to vector<16xi32>
    %swap3A_331 = vector.shape_cast %get3A_319 : vector<16xi32> to vector<16xi32>
    tpu.vector_store %arg11[%swap3A_328], %swap3A_331 {strides = array<i32>} : memref<128xi32, #tpu.memory_space<vmem>>, vector<16xi32>,
    %get3A_332 = arith.constant 240 : index
    %get3A_333 = tpu.vector_load %arg7[%get3A_332] {strides = array<i32>} : memref<256xi32, #tpu.memory_space<vmem>>, vector<16xi32>,
    %get3A_334 = vector.shape_cast %get3A_333 : vector<16xi32> to vector<16xi32>
    %add3A_335 = arith.constant 30000 : i32
    %add3A_336 = vector.broadcast %add3A_335 : i32 to vector<16xi32>
    %add3A_337 = arith.addi %get3A_313, %add3A_336 : vector<16xi32>
    %swap3A_338 = arith.constant 112 : index
    %swap3A_339 = tpu.vector_load %arg9[%swap3A_338] {strides = array<i32>} : memref<128xi32, #tpu.memory_space<vmem>>, vector<16xi32>,
    %swap3A_340 = vector.shape_cast %swap3A_339 : vector<16xi32> to vector<16xi32>
    %swap3A_341 = vector.shape_cast %add3A_337 : vector<16xi32> to vector<16xi32>
    tpu.vector_store %arg9[%swap3A_338], %swap3A_341 {strides = array<i32>} : memref<128xi32, #tpu.memory_space<vmem>>, vector<16xi32>,
    %eq3A_342 = arith.constant 2 : i32
    %eq3A_343 = vector.broadcast %eq3A_342 : i32 to vector<16xi32>
    %eq3A_344 = arith.cmpi eq, %get3A_334, %eq3A_343 : vector<16xi32>
    %broadcast_in_dim3A_345 = vector.broadcast %add3A_8 : i32 to vector<16xi32>
    %select_n3A_346 = arith.select %eq3A_344, %get3A_319, %broadcast_in_dim3A_345 : vector<16xi1>, vector<16xi32>
    %swap3A_347 = arith.constant 112 : index
    %swap3A_348 = tpu.vector_load %arg11[%swap3A_347] {strides = array<i32>} : memref<128xi32, #tpu.memory_space<vmem>>, vector<16xi32>,
    %swap3A_349 = vector.shape_cast %swap3A_348 : vector<16xi32> to vector<16xi32>
    %swap3A_350 = vector.shape_cast %select_n3A_346 : vector<16xi32> to vector<16xi32>
    tpu.vector_store %arg11[%swap3A_347], %swap3A_350 {strides = array<i32>} : memref<128xi32, #tpu.memory_space<vmem>>, vector<16xi32>,
    %dma_wait3A_351 = arith.constant 0 : i32
    %dma_wait3A_352 = arith.constant 0 : i32
    %dma_wait3A_353 = tpu.memref_slice %arg2[%dma_wait3A_351, %dma_wait3A_352] : memref<40000x128xf32, #tpu.memory_space<hbm>> -> memref<40000x128xf32, #tpu.memory_space<hbm>>
    tpu.wait_indirect_dma semaphore(%arg18 : memref<!tpu.dma_semaphore, #tpu.memory_space<semaphore_mem>>) src(%dma_wait3A_353 : memref<40000x128xf32, #tpu.memory_space<hbm>>) dst(%arg12 : memref<128x128xf32, #tpu.memory_space<vmem>>)
    %dma_start3A_354 = arith.constant 0 : i32
    %dma_start3A_355 = arith.constant 0 : i32
    %dma_start3A_356 = tpu.memref_slice %arg2[%dma_start3A_354, %dma_start3A_355] : memref<40000x128xf32, #tpu.memory_space<hbm>> -> memref<40000x128xf32, #tpu.memory_space<hbm>>
    tpu.enqueue_indirect_dma source(%dma_start3A_356 : memref<40000x128xf32, #tpu.memory_space<hbm>>) target(%arg13 : memref<128x128xf32, #tpu.memory_space<vmem>>) offsets(%arg9 : memref<128xi32, #tpu.memory_space<vmem>>) semaphore(%arg19 : memref<!tpu.dma_semaphore, #tpu.memory_space<semaphore_mem>>)
    "tpu.region"() ({
      %run_scoped3A = tpu.sem_alloc : memref<!tpu.dma_semaphore, #tpu.memory_space<semaphore_mem>>
      %dma_start3A_366 = arith.constant 0 : i32
      %dma_start3A_367 = arith.constant 0 : i32
      %dma_start3A_368 = tpu.memref_slice %arg15[%dma_start3A_366, %dma_start3A_367] : memref<10240x128xf32, #tpu.memory_space<vmem_shared>> -> memref<10240x128xf32, #tpu.memory_space<vmem_shared>>
      tpu.enqueue_indirect_dma source(%arg12 : memref<128x128xf32, #tpu.memory_space<vmem>>) target(%dma_start3A_368 : memref<10240x128xf32, #tpu.memory_space<vmem_shared>>) offsets(%arg10 : memref<128xi32, #tpu.memory_space<vmem>>) semaphore(%run_scoped3A : memref<!tpu.dma_semaphore, #tpu.memory_space<semaphore_mem>>) {add = true}
      %dma_wait3A_369 = arith.constant 0 : i32
      %dma_wait3A_370 = arith.constant 0 : i32
      %dma_wait3A_371 = tpu.memref_slice %arg15[%dma_wait3A_369, %dma_wait3A_370] : memref<10240x128xf32, #tpu.memory_space<vmem_shared>> -> memref<10240x128xf32, #tpu.memory_space<vmem_shared>>
      tpu.wait_indirect_dma semaphore(%run_scoped3A : memref<!tpu.dma_semaphore, #tpu.memory_space<semaphore_mem>>) src(%arg12 : memref<128x128xf32, #tpu.memory_space<vmem>>) dst(%dma_wait3A_371 : memref<10240x128xf32, #tpu.memory_space<vmem_shared>>)
      tpu.yield
    }) : () -> ()
    %dma_wait3A_357 = arith.constant 0 : i32
    %dma_wait3A_358 = arith.constant 0 : i32
    %dma_wait3A_359 = tpu.memref_slice %arg2[%dma_wait3A_357, %dma_wait3A_358] : memref<40000x128xf32, #tpu.memory_space<hbm>> -> memref<40000x128xf32, #tpu.memory_space<hbm>>
    tpu.wait_indirect_dma semaphore(%arg19 : memref<!tpu.dma_semaphore, #tpu.memory_space<semaphore_mem>>) src(%dma_wait3A_359 : memref<40000x128xf32, #tpu.memory_space<hbm>>) dst(%arg13 : memref<128x128xf32, #tpu.memory_space<vmem>>)
    "tpu.region"() ({
      %run_scoped3A = tpu.sem_alloc : memref<!tpu.dma_semaphore, #tpu.memory_space<semaphore_mem>>
      %dma_start3A_366 = arith.constant 0 : i32
      %dma_start3A_367 = arith.constant 0 : i32
      %dma_start3A_368 = tpu.memref_slice %arg15[%dma_start3A_366, %dma_start3A_367] : memref<10240x128xf32, #tpu.memory_space<vmem_shared>> -> memref<10240x128xf32, #tpu.memory_space<vmem_shared>>
      tpu.enqueue_indirect_dma source(%arg13 : memref<128x128xf32, #tpu.memory_space<vmem>>) target(%dma_start3A_368 : memref<10240x128xf32, #tpu.memory_space<vmem_shared>>) offsets(%arg11 : memref<128xi32, #tpu.memory_space<vmem>>) semaphore(%run_scoped3A : memref<!tpu.dma_semaphore, #tpu.memory_space<semaphore_mem>>) {add = true}
      %dma_wait3A_369 = arith.constant 0 : i32
      %dma_wait3A_370 = arith.constant 0 : i32
      %dma_wait3A_371 = tpu.memref_slice %arg15[%dma_wait3A_369, %dma_wait3A_370] : memref<10240x128xf32, #tpu.memory_space<vmem_shared>> -> memref<10240x128xf32, #tpu.memory_space<vmem_shared>>
      tpu.wait_indirect_dma semaphore(%run_scoped3A : memref<!tpu.dma_semaphore, #tpu.memory_space<semaphore_mem>>) src(%arg13 : memref<128x128xf32, #tpu.memory_space<vmem>>) dst(%dma_wait3A_371 : memref<10240x128xf32, #tpu.memory_space<vmem_shared>>)
      tpu.yield
    }) : () -> ()
    %barrier3A_360 = arith.constant 0 : index
    tpu.barrier barrier_id(%barrier3A_360)
    %scan3A_361 = arith.constant 0 : i32
    %scan3A_362 = arith.constant 16 : i32
    %scan3A_363 = arith.addi %scan3A_361, %scan3A_362 : i32
    %scan3A_364 = arith.constant 1 : i32
    scf.for %scan3A_366 = %scan3A_361 to %scan3A_363 step %scan3A_364  : i32 {
      %mul3A_367 = arith.constant 1 : i32
      %mul3A_368 = arith.muli %scan3A_366, %mul3A_367 : i32
      %add3A_369 = arith.constant 0 : i32
      %add3A_370 = arith.addi %add3A_369, %mul3A_368 : i32
      %mul3A_371 = arith.constant 640 : i32
      %mul3A_372 = arith.muli %arg1, %mul3A_371 : i32
      %mul3A_373 = arith.constant 40 : i32
      %mul3A_374 = arith.muli %add3A_370, %mul3A_373 : i32
      %add3A_375 = arith.addi %mul3A_372, %mul3A_374 : i32
      "tpu.region"() ({
        %run_scoped3A = tpu.sem_alloc : memref<!tpu.dma_semaphore, #tpu.memory_space<semaphore_mem>>
        %dma_start3A_379 = arith.constant 0 : i32
        %dma_start3A_380 = tpu.memref_slice %arg15[%add3A_375, %dma_start3A_379] : memref<10240x128xf32, #tpu.memory_space<vmem_shared>> -> memref<40x128xf32, #tpu.memory_space<vmem_shared>>
        %dma_start3A_381 = arith.constant 0 : i32
        %dma_start3A_382 = tpu.memref_slice %arg15[%add3A_375, %dma_start3A_381] : memref<10240x128xf32, #tpu.memory_space<vmem_shared>> -> memref<40x128xf32, #tpu.memory_space<vmem_shared>>
        tpu.enqueue_dma source(%dma_start3A_382 : memref<40x128xf32, #tpu.memory_space<vmem_shared>>) target(%arg14 : memref<40x128xf32, #tpu.memory_space<vmem>>) target_semaphore(%run_scoped3A : memref<!tpu.dma_semaphore, #tpu.memory_space<semaphore_mem>>)
        %dma_wait3A_383 = arith.constant 0 : i32
        %dma_wait3A_384 = tpu.memref_slice %arg15[%add3A_375, %dma_wait3A_383] : memref<10240x128xf32, #tpu.memory_space<vmem_shared>> -> memref<40x128xf32, #tpu.memory_space<vmem_shared>>
        %dma_wait3A_385 = arith.constant 0 : i32
        %dma_wait3A_386 = tpu.memref_slice %arg15[%add3A_375, %dma_wait3A_385] : memref<10240x128xf32, #tpu.memory_space<vmem_shared>> -> memref<40x128xf32, #tpu.memory_space<vmem_shared>>
        tpu.wait_dma2 semaphore(%run_scoped3A : memref<!tpu.dma_semaphore, #tpu.memory_space<semaphore_mem>>) src(%dma_wait3A_386 : memref<40x128xf32, #tpu.memory_space<vmem_shared>>) dst(%arg14 : memref<40x128xf32, #tpu.memory_space<vmem>>)
        tpu.yield
      }) : () -> ()
      %mul3A_376 = arith.constant 10240 : i32
      %mul3A_377 = arith.muli %arg0, %mul3A_376 : i32
      %add3A_378 = arith.addi %mul3A_377, %add3A_375 : i32
      "tpu.region"() ({
        %run_scoped3A = tpu.sem_alloc : memref<!tpu.dma_semaphore, #tpu.memory_space<semaphore_mem>>
        %dma_start3A_379 = arith.constant 0 : i32
        %dma_start3A_380 = tpu.memref_slice %arg5[%add3A_378, %dma_start3A_379] : memref<20480x128xf32, #tpu.memory_space<hbm>> -> memref<40x128xf32, #tpu.memory_space<hbm>>
        %dma_start3A_381 = arith.constant 0 : i32
        %dma_start3A_382 = tpu.memref_slice %arg5[%add3A_378, %dma_start3A_381] : memref<20480x128xf32, #tpu.memory_space<hbm>> -> memref<40x128xf32, #tpu.memory_space<hbm>>
        tpu.enqueue_dma source(%arg14 : memref<40x128xf32, #tpu.memory_space<vmem>>) target(%dma_start3A_382 : memref<40x128xf32, #tpu.memory_space<hbm>>) target_semaphore(%run_scoped3A : memref<!tpu.dma_semaphore, #tpu.memory_space<semaphore_mem>>)
        %dma_wait3A_383 = arith.constant 0 : i32
        %dma_wait3A_384 = tpu.memref_slice %arg5[%add3A_378, %dma_wait3A_383] : memref<20480x128xf32, #tpu.memory_space<hbm>> -> memref<40x128xf32, #tpu.memory_space<hbm>>
        %dma_wait3A_385 = arith.constant 0 : i32
        %dma_wait3A_386 = tpu.memref_slice %arg5[%add3A_378, %dma_wait3A_385] : memref<20480x128xf32, #tpu.memory_space<hbm>> -> memref<40x128xf32, #tpu.memory_space<hbm>>
        tpu.wait_dma2 semaphore(%run_scoped3A : memref<!tpu.dma_semaphore, #tpu.memory_space<semaphore_mem>>) src(%arg14 : memref<40x128xf32, #tpu.memory_space<vmem>>) dst(%dma_wait3A_386 : memref<40x128xf32, #tpu.memory_space<hbm>>)
        tpu.yield
      }) : () -> ()
    }
    %scan3A_365 = arith.constant 16 : i32
    return
  }
}

module attributes {stable_mosaic.version = 14 : i64} {
  func.func @_table0_kernel(%arg0: i32, %arg1: memref<1000x128xf32, #tpu.memory_space<vmem>>, %arg2: memref<4x128x128xf32, #tpu.memory_space<vmem>>, %arg3: memref<4x1000x128xf32, #tpu.memory_space<vmem>>) attributes {dimension_semantics = [#tpu.dimension_semantics<arbitrary>], iteration_bounds = array<i64: 10>, scalar_prefetch = 0 : i64, scratch_operands = 0 : i64, tpu.core_type = #tpu.core_type<tc>, window_params = [{transform_indices = @transform_0, window_bounds = array<i64: 1000, 128>}, {pipeline_mode = #tpu.pipeline_mode<synchronous>, transform_indices = @transform_1, window_bounds = array<i64: 4, 128, 128>}, {transform_indices = @transform_2, window_bounds = array<i64: 4, 1000, 128>}]} {
    %get3A = arith.constant 0 : index
    %get3A_0 = arith.constant 0 : index
    %get3A_1 = vector.load %arg1[%get3A, %get3A_0] : memref<1000x128xf32, #tpu.memory_space<vmem>>, vector<1000x128xf32>
    %get3A_2 = arith.constant 0 : index
    %get3A_3 = arith.constant 0 : index
    %get3A_4 = arith.constant 0 : index
    %get3A_5 = vector.load %arg2[%get3A_2, %get3A_3, %get3A_4] : memref<4x128x128xf32, #tpu.memory_space<vmem>>, vector<1x128x128xf32>
    %get3A_6 = vector.shape_cast %get3A_5 : vector<1x128x128xf32> to vector<128x128xf32>
    %dot_general3A = arith.constant dense<0.000000e+00> : vector<1000x128xf32>
    %dot_general3A_7 = tpu.matmul %get3A_1, %get3A_6, %dot_general3A {dimension_numbers = #tpu.dot_dimension_numbers<[1], [0], [0], [1], [0, 0, 1, 1], [], []>, transpose_lhs_hint = false} : vector<1000x128xf32>, vector<128x128xf32>, vector<1000x128xf32> -> vector<1000x128xf32>
    %swap3A = arith.constant 0 : index
    %swap3A_8 = arith.constant 0 : index
    %swap3A_9 = arith.constant 0 : index
    %swap3A_10 = vector.load %arg3[%swap3A, %swap3A_8, %swap3A_9] : memref<4x1000x128xf32, #tpu.memory_space<vmem>>, vector<1x1000x128xf32>
    %swap3A_11 = vector.shape_cast %swap3A_10 : vector<1x1000x128xf32> to vector<1000x128xf32>
    %swap3A_12 = vector.shape_cast %dot_general3A_7 : vector<1000x128xf32> to vector<1x1000x128xf32>
    tpu.vector_store %arg3[%swap3A, %swap3A_8, %swap3A_9], %swap3A_12 {strides = array<i32>} : memref<4x1000x128xf32, #tpu.memory_space<vmem>>, vector<1x1000x128xf32>,
    %get3A_13 = arith.constant 0 : index
    %get3A_14 = arith.constant 0 : index
    %get3A_15 = vector.load %arg1[%get3A_13, %get3A_14] : memref<1000x128xf32, #tpu.memory_space<vmem>>, vector<1000x128xf32>
    %get3A_16 = arith.constant 1 : index
    %get3A_17 = arith.constant 0 : index
    %get3A_18 = arith.constant 0 : index
    %get3A_19 = vector.load %arg2[%get3A_16, %get3A_17, %get3A_18] : memref<4x128x128xf32, #tpu.memory_space<vmem>>, vector<1x128x128xf32>
    %get3A_20 = vector.shape_cast %get3A_19 : vector<1x128x128xf32> to vector<128x128xf32>
    %dot_general3A_21 = arith.constant dense<0.000000e+00> : vector<1000x128xf32>
    %dot_general3A_22 = tpu.matmul %get3A_15, %get3A_20, %dot_general3A_21 {dimension_numbers = #tpu.dot_dimension_numbers<[1], [0], [0], [1], [0, 0, 1, 1], [], []>, transpose_lhs_hint = false} : vector<1000x128xf32>, vector<128x128xf32>, vector<1000x128xf32> -> vector<1000x128xf32>
    %swap3A_23 = arith.constant 1 : index
    %swap3A_24 = arith.constant 0 : index
    %swap3A_25 = arith.constant 0 : index
    %swap3A_26 = vector.load %arg3[%swap3A_23, %swap3A_24, %swap3A_25] : memref<4x1000x128xf32, #tpu.memory_space<vmem>>, vector<1x1000x128xf32>
    %swap3A_27 = vector.shape_cast %swap3A_26 : vector<1x1000x128xf32> to vector<1000x128xf32>
    %swap3A_28 = vector.shape_cast %dot_general3A_22 : vector<1000x128xf32> to vector<1x1000x128xf32>
    tpu.vector_store %arg3[%swap3A_23, %swap3A_24, %swap3A_25], %swap3A_28 {strides = array<i32>} : memref<4x1000x128xf32, #tpu.memory_space<vmem>>, vector<1x1000x128xf32>,
    %get3A_29 = arith.constant 0 : index
    %get3A_30 = arith.constant 0 : index
    %get3A_31 = vector.load %arg1[%get3A_29, %get3A_30] : memref<1000x128xf32, #tpu.memory_space<vmem>>, vector<1000x128xf32>
    %get3A_32 = arith.constant 2 : index
    %get3A_33 = arith.constant 0 : index
    %get3A_34 = arith.constant 0 : index
    %get3A_35 = vector.load %arg2[%get3A_32, %get3A_33, %get3A_34] : memref<4x128x128xf32, #tpu.memory_space<vmem>>, vector<1x128x128xf32>
    %get3A_36 = vector.shape_cast %get3A_35 : vector<1x128x128xf32> to vector<128x128xf32>
    %dot_general3A_37 = arith.constant dense<0.000000e+00> : vector<1000x128xf32>
    %dot_general3A_38 = tpu.matmul %get3A_31, %get3A_36, %dot_general3A_37 {dimension_numbers = #tpu.dot_dimension_numbers<[1], [0], [0], [1], [0, 0, 1, 1], [], []>, transpose_lhs_hint = false} : vector<1000x128xf32>, vector<128x128xf32>, vector<1000x128xf32> -> vector<1000x128xf32>
    %swap3A_39 = arith.constant 2 : index
    %swap3A_40 = arith.constant 0 : index
    %swap3A_41 = arith.constant 0 : index
    %swap3A_42 = vector.load %arg3[%swap3A_39, %swap3A_40, %swap3A_41] : memref<4x1000x128xf32, #tpu.memory_space<vmem>>, vector<1x1000x128xf32>
    %swap3A_43 = vector.shape_cast %swap3A_42 : vector<1x1000x128xf32> to vector<1000x128xf32>
    %swap3A_44 = vector.shape_cast %dot_general3A_38 : vector<1000x128xf32> to vector<1x1000x128xf32>
    tpu.vector_store %arg3[%swap3A_39, %swap3A_40, %swap3A_41], %swap3A_44 {strides = array<i32>} : memref<4x1000x128xf32, #tpu.memory_space<vmem>>, vector<1x1000x128xf32>,
    %get3A_45 = arith.constant 0 : index
    %get3A_46 = arith.constant 0 : index
    %get3A_47 = vector.load %arg1[%get3A_45, %get3A_46] : memref<1000x128xf32, #tpu.memory_space<vmem>>, vector<1000x128xf32>
    %get3A_48 = arith.constant 3 : index
    %get3A_49 = arith.constant 0 : index
    %get3A_50 = arith.constant 0 : index
    %get3A_51 = vector.load %arg2[%get3A_48, %get3A_49, %get3A_50] : memref<4x128x128xf32, #tpu.memory_space<vmem>>, vector<1x128x128xf32>
    %get3A_52 = vector.shape_cast %get3A_51 : vector<1x128x128xf32> to vector<128x128xf32>
    %dot_general3A_53 = arith.constant dense<0.000000e+00> : vector<1000x128xf32>
    %dot_general3A_54 = tpu.matmul %get3A_47, %get3A_52, %dot_general3A_53 {dimension_numbers = #tpu.dot_dimension_numbers<[1], [0], [0], [1], [0, 0, 1, 1], [], []>, transpose_lhs_hint = false} : vector<1000x128xf32>, vector<128x128xf32>, vector<1000x128xf32> -> vector<1000x128xf32>
    %swap3A_55 = arith.constant 3 : index
    %swap3A_56 = arith.constant 0 : index
    %swap3A_57 = arith.constant 0 : index
    %swap3A_58 = vector.load %arg3[%swap3A_55, %swap3A_56, %swap3A_57] : memref<4x1000x128xf32, #tpu.memory_space<vmem>>, vector<1x1000x128xf32>
    %swap3A_59 = vector.shape_cast %swap3A_58 : vector<1x1000x128xf32> to vector<1000x128xf32>
    %swap3A_60 = vector.shape_cast %dot_general3A_54 : vector<1000x128xf32> to vector<1x1000x128xf32>
    tpu.vector_store %arg3[%swap3A_55, %swap3A_56, %swap3A_57], %swap3A_60 {strides = array<i32>} : memref<4x1000x128xf32, #tpu.memory_space<vmem>>, vector<1x1000x128xf32>,
    return
  }
  func.func @transform_0(%arg0: i32) -> (i32, i32) {
    %c0_i32 = arith.constant 0 : i32
    %c0_i32_0 = arith.constant 0 : i32
    return %arg0, %c0_i32 : i32, i32
  }
  func.func @transform_1(%arg0: i32) -> (i32, i32, i32) {
    %c0_i32 = arith.constant 0 : i32
    %c0_i32_0 = arith.constant 0 : i32
    %c0_i32_1 = arith.constant 0 : i32
    %c0_i32_2 = arith.constant 0 : i32
    return %c0_i32, %c0_i32_0, %c0_i32_1 : i32, i32, i32
  }
  func.func @transform_2(%arg0: i32) -> (i32, i32, i32) {
    %c0_i32 = arith.constant 0 : i32
    %c0_i32_0 = arith.constant 0 : i32
    %c0_i32_1 = arith.constant 0 : i32
    return %c0_i32, %arg0, %c0_i32_0 : i32, i32, i32
  }
}

module attributes {stable_mosaic.version = 14 : i64} {
  func.func @_update_kernel(%arg0: i32, %arg1: memref<1000x128xf32, #tpu.memory_space<vmem>>, %arg2: memref<2x1000x128xf32, #tpu.memory_space<vmem>>, %arg3: memref<3x128x128xf32, #tpu.memory_space<vmem>>, %arg4: memref<1x1000x128xf32, #tpu.memory_space<vmem>>, %arg5: memref<1000x128xf32, #tpu.memory_space<vmem>>, %arg6: memref<4x1000x128xf32, #tpu.memory_space<vmem>>) attributes {dimension_semantics = [#tpu.dimension_semantics<arbitrary>], iteration_bounds = array<i64: 10>, scalar_prefetch = 0 : i64, scratch_operands = 0 : i64, tpu.core_type = #tpu.core_type<tc>, window_params = [{transform_indices = @transform_0, window_bounds = array<i64: 1000, 128>}, {transform_indices = @transform_1, window_bounds = array<i64: 2, 1000, 128>}, {pipeline_mode = #tpu.pipeline_mode<synchronous>, transform_indices = @transform_2, window_bounds = array<i64: 3, 128, 128>}, {transform_indices = @transform_3, window_bounds = array<i64: 1, 1000, 128>}, {transform_indices = @transform_4, window_bounds = array<i64: 1000, 128>}, {transform_indices = @transform_5, window_bounds = array<i64: 4, 1000, 128>}]} {
    %get3A = arith.constant 0 : index
    %get3A_0 = arith.constant 0 : index
    %get3A_1 = arith.constant 0 : index
    %get3A_2 = vector.load %arg2[%get3A, %get3A_0, %get3A_1] : memref<2x1000x128xf32, #tpu.memory_space<vmem>>, vector<1x1000x128xf32>
    %get3A_3 = vector.shape_cast %get3A_2 : vector<1x1000x128xf32> to vector<1000x128xf32>
    %get3A_4 = arith.constant 1 : index
    %get3A_5 = arith.constant 0 : index
    %get3A_6 = arith.constant 0 : index
    %get3A_7 = vector.load %arg2[%get3A_4, %get3A_5, %get3A_6] : memref<2x1000x128xf32, #tpu.memory_space<vmem>>, vector<1x1000x128xf32>
    %get3A_8 = vector.shape_cast %get3A_7 : vector<1x1000x128xf32> to vector<1000x128xf32>
    %add3A = arith.addf %get3A_3, %get3A_8 : vector<1000x128xf32>
    %get3A_9 = arith.constant 0 : index
    %get3A_10 = arith.constant 0 : index
    %get3A_11 = vector.load %arg1[%get3A_9, %get3A_10] : memref<1000x128xf32, #tpu.memory_space<vmem>>, vector<1000x128xf32>
    %max3A = arith.constant 0.000000e+00 : f32
    %max3A_12 = vector.broadcast %max3A : f32 to vector<1000x128xf32>
    %max3A_13 = arith.maximumf %add3A, %max3A_12 : vector<1000x128xf32>
    %add3A_14 = arith.addf %get3A_11, %max3A_13 : vector<1000x128xf32>
    %mul3A = arith.mulf %add3A_14, %add3A_14 : vector<1000x128xf32>
    %reduce_sum3A = arith.constant dense<0.000000e+00> : vector<1000xf32>
    %reduce_sum3A_15 = vector.multi_reduction <add>, %mul3A, %reduce_sum3A [1] : vector<1000x128xf32> to vector<1000xf32>
    %broadcast_in_dim3A = vector.shape_cast %reduce_sum3A_15 : vector<1000xf32> to vector<1000x1xf32>
    %sqrt3A = math.sqrt %broadcast_in_dim3A : vector<1000x1xf32>
    %max3A_16 = arith.constant 9.99999996E-13 : f32
    %max3A_17 = vector.broadcast %max3A_16 : f32 to vector<1000x1xf32>
    %max3A_18 = arith.maximumf %sqrt3A, %max3A_17 : vector<1000x1xf32>
    %div3A = vector.broadcast %max3A_18 : vector<1000x1xf32> to vector<1000x128xf32>
    %div3A_19 = arith.divf %add3A_14, %div3A : vector<1000x128xf32>
    %swap3A = arith.constant 0 : index
    %swap3A_20 = arith.constant 0 : index
    %swap3A_21 = vector.load %arg5[%swap3A, %swap3A_20] : memref<1000x128xf32, #tpu.memory_space<vmem>>, vector<1000x128xf32>
    tpu.vector_store %arg5[%swap3A, %swap3A_20], %div3A_19 {strides = array<i32>} : memref<1000x128xf32, #tpu.memory_space<vmem>>, vector<1000x128xf32>,
    %get3A_22 = arith.constant 0 : index
    %get3A_23 = arith.constant 0 : index
    %get3A_24 = arith.constant 0 : index
    %get3A_25 = vector.load %arg3[%get3A_22, %get3A_23, %get3A_24] : memref<3x128x128xf32, #tpu.memory_space<vmem>>, vector<1x128x128xf32>
    %get3A_26 = vector.shape_cast %get3A_25 : vector<1x128x128xf32> to vector<128x128xf32>
    %dot_general3A = arith.constant dense<0.000000e+00> : vector<1000x128xf32>
    %dot_general3A_27 = tpu.matmul %div3A_19, %get3A_26, %dot_general3A {dimension_numbers = #tpu.dot_dimension_numbers<[1], [0], [0], [1], [0, 0, 1, 1], [], []>, transpose_lhs_hint = false} : vector<1000x128xf32>, vector<128x128xf32>, vector<1000x128xf32> -> vector<1000x128xf32>
    %swap3A_28 = arith.constant 0 : index
    %swap3A_29 = arith.constant 0 : index
    %swap3A_30 = arith.constant 0 : index
    %swap3A_31 = vector.load %arg6[%swap3A_28, %swap3A_29, %swap3A_30] : memref<4x1000x128xf32, #tpu.memory_space<vmem>>, vector<1x1000x128xf32>
    %swap3A_32 = vector.shape_cast %swap3A_31 : vector<1x1000x128xf32> to vector<1000x128xf32>
    %swap3A_33 = vector.shape_cast %dot_general3A_27 : vector<1000x128xf32> to vector<1x1000x128xf32>
    tpu.vector_store %arg6[%swap3A_28, %swap3A_29, %swap3A_30], %swap3A_33 {strides = array<i32>} : memref<4x1000x128xf32, #tpu.memory_space<vmem>>, vector<1x1000x128xf32>,
    %get3A_34 = arith.constant 1 : index
    %get3A_35 = arith.constant 0 : index
    %get3A_36 = arith.constant 0 : index
    %get3A_37 = vector.load %arg3[%get3A_34, %get3A_35, %get3A_36] : memref<3x128x128xf32, #tpu.memory_space<vmem>>, vector<1x128x128xf32>
    %get3A_38 = vector.shape_cast %get3A_37 : vector<1x128x128xf32> to vector<128x128xf32>
    %dot_general3A_39 = arith.constant dense<0.000000e+00> : vector<1000x128xf32>
    %dot_general3A_40 = tpu.matmul %div3A_19, %get3A_38, %dot_general3A_39 {dimension_numbers = #tpu.dot_dimension_numbers<[1], [0], [0], [1], [0, 0, 1, 1], [], []>, transpose_lhs_hint = false} : vector<1000x128xf32>, vector<128x128xf32>, vector<1000x128xf32> -> vector<1000x128xf32>
    %swap3A_41 = arith.constant 1 : index
    %swap3A_42 = arith.constant 0 : index
    %swap3A_43 = arith.constant 0 : index
    %swap3A_44 = vector.load %arg6[%swap3A_41, %swap3A_42, %swap3A_43] : memref<4x1000x128xf32, #tpu.memory_space<vmem>>, vector<1x1000x128xf32>
    %swap3A_45 = vector.shape_cast %swap3A_44 : vector<1x1000x128xf32> to vector<1000x128xf32>
    %swap3A_46 = vector.shape_cast %dot_general3A_40 : vector<1000x128xf32> to vector<1x1000x128xf32>
    tpu.vector_store %arg6[%swap3A_41, %swap3A_42, %swap3A_43], %swap3A_46 {strides = array<i32>} : memref<4x1000x128xf32, #tpu.memory_space<vmem>>, vector<1x1000x128xf32>,
    %get3A_47 = arith.constant 2 : index
    %get3A_48 = arith.constant 0 : index
    %get3A_49 = arith.constant 0 : index
    %get3A_50 = vector.load %arg3[%get3A_47, %get3A_48, %get3A_49] : memref<3x128x128xf32, #tpu.memory_space<vmem>>, vector<1x128x128xf32>
    %get3A_51 = vector.shape_cast %get3A_50 : vector<1x128x128xf32> to vector<128x128xf32>
    %dot_general3A_52 = arith.constant dense<0.000000e+00> : vector<1000x128xf32>
    %dot_general3A_53 = tpu.matmul %div3A_19, %get3A_51, %dot_general3A_52 {dimension_numbers = #tpu.dot_dimension_numbers<[1], [0], [0], [1], [0, 0, 1, 1], [], []>, transpose_lhs_hint = false} : vector<1000x128xf32>, vector<128x128xf32>, vector<1000x128xf32> -> vector<1000x128xf32>
    %swap3A_54 = arith.constant 2 : index
    %swap3A_55 = arith.constant 0 : index
    %swap3A_56 = arith.constant 0 : index
    %swap3A_57 = vector.load %arg6[%swap3A_54, %swap3A_55, %swap3A_56] : memref<4x1000x128xf32, #tpu.memory_space<vmem>>, vector<1x1000x128xf32>
    %swap3A_58 = vector.shape_cast %swap3A_57 : vector<1x1000x128xf32> to vector<1000x128xf32>
    %swap3A_59 = vector.shape_cast %dot_general3A_53 : vector<1000x128xf32> to vector<1x1000x128xf32>
    tpu.vector_store %arg6[%swap3A_54, %swap3A_55, %swap3A_56], %swap3A_59 {strides = array<i32>} : memref<4x1000x128xf32, #tpu.memory_space<vmem>>, vector<1x1000x128xf32>,
    %get3A_60 = arith.constant 0 : index
    %get3A_61 = arith.constant 0 : index
    %get3A_62 = arith.constant 0 : index
    %get3A_63 = vector.load %arg4[%get3A_60, %get3A_61, %get3A_62] : memref<1x1000x128xf32, #tpu.memory_space<vmem>>, vector<1x1000x128xf32>
    %get3A_64 = vector.shape_cast %get3A_63 : vector<1x1000x128xf32> to vector<1000x128xf32>
    %swap3A_65 = arith.constant 3 : index
    %swap3A_66 = arith.constant 0 : index
    %swap3A_67 = arith.constant 0 : index
    %swap3A_68 = vector.load %arg6[%swap3A_65, %swap3A_66, %swap3A_67] : memref<4x1000x128xf32, #tpu.memory_space<vmem>>, vector<1x1000x128xf32>
    %swap3A_69 = vector.shape_cast %swap3A_68 : vector<1x1000x128xf32> to vector<1000x128xf32>
    %swap3A_70 = vector.shape_cast %get3A_64 : vector<1000x128xf32> to vector<1x1000x128xf32>
    tpu.vector_store %arg6[%swap3A_65, %swap3A_66, %swap3A_67], %swap3A_70 {strides = array<i32>} : memref<4x1000x128xf32, #tpu.memory_space<vmem>>, vector<1x1000x128xf32>,
    return
  }
  func.func @transform_0(%arg0: i32) -> (i32, i32) {
    %c0_i32 = arith.constant 0 : i32
    %c0_i32_0 = arith.constant 0 : i32
    return %arg0, %c0_i32 : i32, i32
  }
  func.func @transform_1(%arg0: i32) -> (i32, i32, i32) {
    %c0_i32 = arith.constant 0 : i32
    %c0_i32_0 = arith.constant 0 : i32
    %c0_i32_1 = arith.constant 0 : i32
    return %c0_i32, %arg0, %c0_i32_0 : i32, i32, i32
  }
  func.func @transform_2(%arg0: i32) -> (i32, i32, i32) {
    %c0_i32 = arith.constant 0 : i32
    %c0_i32_0 = arith.constant 0 : i32
    %c0_i32_1 = arith.constant 0 : i32
    %c0_i32_2 = arith.constant 0 : i32
    return %c0_i32, %c0_i32_0, %c0_i32_1 : i32, i32, i32
  }
  func.func @transform_3(%arg0: i32) -> (i32, i32, i32) {
    %c3_i32 = arith.constant 3 : i32
    %c0_i32 = arith.constant 0 : i32
    %c0_i32_0 = arith.constant 0 : i32
    return %c3_i32, %arg0, %c0_i32 : i32, i32, i32
  }
  func.func @transform_4(%arg0: i32) -> (i32, i32) {
    %c0_i32 = arith.constant 0 : i32
    %c0_i32_0 = arith.constant 0 : i32
    return %arg0, %c0_i32 : i32, i32
  }
  func.func @transform_5(%arg0: i32) -> (i32, i32, i32) {
    %c0_i32 = arith.constant 0 : i32
    %c0_i32_0 = arith.constant 0 : i32
    %c0_i32_1 = arith.constant 0 : i32
    return %c0_i32, %arg0, %c0_i32_0 : i32, i32, i32
  }
}

module attributes {stable_mosaic.version = 14 : i64} {
  func.func @_final_kernel(%arg0: i32, %arg1: memref<1000x128xf32, #tpu.memory_space<vmem>>, %arg2: memref<2x1000x128xf32, #tpu.memory_space<vmem>>, %arg3: memref<1000x128xf32, #tpu.memory_space<vmem>>) attributes {dimension_semantics = [#tpu.dimension_semantics<arbitrary>], iteration_bounds = array<i64: 10>, scalar_prefetch = 0 : i64, scratch_operands = 0 : i64, tpu.core_type = #tpu.core_type<tc>, window_params = [{transform_indices = @transform_0, window_bounds = array<i64: 1000, 128>}, {transform_indices = @transform_1, window_bounds = array<i64: 2, 1000, 128>}, {transform_indices = @transform_2, window_bounds = array<i64: 1000, 128>}]} {
    %get3A = arith.constant 0 : index
    %get3A_0 = arith.constant 0 : index
    %get3A_1 = arith.constant 0 : index
    %get3A_2 = vector.load %arg2[%get3A, %get3A_0, %get3A_1] : memref<2x1000x128xf32, #tpu.memory_space<vmem>>, vector<1x1000x128xf32>
    %get3A_3 = vector.shape_cast %get3A_2 : vector<1x1000x128xf32> to vector<1000x128xf32>
    %get3A_4 = arith.constant 1 : index
    %get3A_5 = arith.constant 0 : index
    %get3A_6 = arith.constant 0 : index
    %get3A_7 = vector.load %arg2[%get3A_4, %get3A_5, %get3A_6] : memref<2x1000x128xf32, #tpu.memory_space<vmem>>, vector<1x1000x128xf32>
    %get3A_8 = vector.shape_cast %get3A_7 : vector<1x1000x128xf32> to vector<1000x128xf32>
    %add3A = arith.addf %get3A_3, %get3A_8 : vector<1000x128xf32>
    %get3A_9 = arith.constant 0 : index
    %get3A_10 = arith.constant 0 : index
    %get3A_11 = vector.load %arg1[%get3A_9, %get3A_10] : memref<1000x128xf32, #tpu.memory_space<vmem>>, vector<1000x128xf32>
    %max3A = arith.constant 0.000000e+00 : f32
    %max3A_12 = vector.broadcast %max3A : f32 to vector<1000x128xf32>
    %max3A_13 = arith.maximumf %add3A, %max3A_12 : vector<1000x128xf32>
    %add3A_14 = arith.addf %get3A_11, %max3A_13 : vector<1000x128xf32>
    %mul3A = arith.mulf %add3A_14, %add3A_14 : vector<1000x128xf32>
    %reduce_sum3A = arith.constant dense<0.000000e+00> : vector<1000xf32>
    %reduce_sum3A_15 = vector.multi_reduction <add>, %mul3A, %reduce_sum3A [1] : vector<1000x128xf32> to vector<1000xf32>
    %broadcast_in_dim3A = vector.shape_cast %reduce_sum3A_15 : vector<1000xf32> to vector<1000x1xf32>
    %sqrt3A = math.sqrt %broadcast_in_dim3A : vector<1000x1xf32>
    %max3A_16 = arith.constant 9.99999996E-13 : f32
    %max3A_17 = vector.broadcast %max3A_16 : f32 to vector<1000x1xf32>
    %max3A_18 = arith.maximumf %sqrt3A, %max3A_17 : vector<1000x1xf32>
    %div3A = vector.broadcast %max3A_18 : vector<1000x1xf32> to vector<1000x128xf32>
    %div3A_19 = arith.divf %add3A_14, %div3A : vector<1000x128xf32>
    %swap3A = arith.constant 0 : index
    %swap3A_20 = arith.constant 0 : index
    %swap3A_21 = vector.load %arg3[%swap3A, %swap3A_20] : memref<1000x128xf32, #tpu.memory_space<vmem>>, vector<1000x128xf32>
    tpu.vector_store %arg3[%swap3A, %swap3A_20], %div3A_19 {strides = array<i32>} : memref<1000x128xf32, #tpu.memory_space<vmem>>, vector<1000x128xf32>,
    return
  }
  func.func @transform_0(%arg0: i32) -> (i32, i32) {
    %c0_i32 = arith.constant 0 : i32
    %c0_i32_0 = arith.constant 0 : i32
    return %arg0, %c0_i32 : i32, i32
  }
  func.func @transform_1(%arg0: i32) -> (i32, i32, i32) {
    %c0_i32 = arith.constant 0 : i32
    %c0_i32_0 = arith.constant 0 : i32
    %c0_i32_1 = arith.constant 0 : i32
    return %c0_i32, %arg0, %c0_i32_0 : i32, i32, i32
  }
  func.func @transform_2(%arg0: i32) -> (i32, i32) {
    %c0_i32 = arith.constant 0 : i32
    %c0_i32_0 = arith.constant 0 : i32
    return %arg0, %c0_i32 : i32, i32
  }
}

</mosaic_0001>

<sc_bundles>
// kernel: kernel.10.cloned.1.call-start
scs
__scs_entry_jumppad:
0x0: {  	(pc) =	sbr.rel $0x88, $3  }
0x1: {  	(tag) =	ssettag $0x0;
	lr =	simm.s32 $0x1  }
0x2: {  	[smem:$0x3F9A] =	sst lr;
	_ =	strace $0xD0000000  }
0x3: {  	_ = 	snop  }
0x4: {  	_ = 	snop  }
0x5: {  	_ = 	snop  }
0x6: {  	_ = 	snop  }
0x7: {  	_ = 	snop  }
__scs_overlays_trampoline_lowered:
0x8: {  	[smem:$0x3FA9] =	sst s0  }
0x9: {  	[smem:$0x3FAA] =	sst s1  }
0xa: {  	[smem:$0x3FAB] =	sst s2  }
0xb: {  	[smem:$0x3FAC] =	sst s3  }
0xc: {  	[smem:$0x3FAD] =	sst s4  }
0xd: {  	[smem:$0x3FAE] =	sst s5  }
0xe: {  	[smem:$0x3FAF] =	sst s6  }
0xf: {  	[smem:$0x3FB0] =	sst s7  }
0x10: {  	[smem:$0x3FB1] =	sst s8  }
0x11: {  	[smem:$0x3FB2] =	sst s9;
	s0 =	simm.s32 @!p0 $0x0  }
0x12: {  	s1 =	sld [smem:$0x3F98];
	s0 =	simm.s32 @p0 $0x1  }
0x13: {  	[smem:$0x3FB3] =	sst s0;
	s0 =	simm.s32 @!p1 $0x0  }
0x14: {  	s2 =	sld [smem:$0x3F97];
	s0 =	simm.s32 @p1 $0x1  }
0x15: {  	[smem:$0x3FB4] =	sst s0;
	s0 =	simm.s32 @!p2 $0x0  }
0x16: {  	s3 =	sld [smem:$0x3FDB];
	s0 =	simm.s32 @p2 $0x1  }
0x17: {  	s4 =	simm.s32 $0x1BF5;
	[smem:$0x3FB6] =	sst s0  }
0x18: {  	s0 =	sld [smem:$0x3F99];
	_ =	swait.ge [sflag:s4], $0x0  }
0x19: {  	s7 =	sld [smem:$0x3F9A]  }
0x1a: {  	s8 =	sadd.s32 $0xFFFFE003, lr  }
0x1b: {  	s9 =	sadd.s32 $0xFFFFFEF7, lr;
	s5 =	simm.s32 $0xFFFFFFFF;
	p2 =	slt.u32 s8, $0xFFFFF086  }
0x1c: {  	p1 =	slt.u32 s9, $0xF7A;
	s5 =	simm.s32 @!p2 $0x0  }
0x1d: {  	s5 =	simm.s32 @p1 $0x1;
	p0 =	seq.s32 s7, s2  }
0x1e: {  	s7 =	smul.u32 @!p0 $0xF7A, s2;
	p2 =	seq.s32 @!p0 s5, $0x0  }
0x1f: {  	s9 =	smul.u32 $0xF7A, s1;
	s8 =	simm.s32 @!p0 $0x1BF5;
	p2 =	por !p2, p0  }
0x20: {  	[sflag:s8] =	ssyncset.s32 @!p0 $0xFFFFF086;
	s6 =	sadd.s32 @!p0 s3, s7;
	s7 =	simm.s32 @!p0 $0x108  }
0x21: {  	s3 =	sadd.s32 s3, s9;
	s6 =	sadd.s32 @!p0 $0x88, s6;
	s7 =	simm.s32 @p2 $0x1082  }
0x22: {  	[simem:s7], [sflag:s8] =	dma.local @!p0 [hbm:s6], $0xF7A  }
0x23: {  	s9 =	sor.u32 $0xD0000000, s2;
	s6 =	simm.s32 $0x108;
	_ =	swait.ge @!p0 [sflag:s8], $0x0  }
0x24: {  	s3 =	sadd.s32 $0x88, s3;
	s6 =	simm.s32 @!p1 $0x1082;
	[sflag:s4] =	ssyncset.s32 $0xFFFFF086  }
0x25: {  	[simem:s6], [sflag:s4] =	dma.local [hbm:s3], $0xF7A  }
0x26: {  	[smem:$0x3F9A] =	sst s1;
	(tag) =	ssettag s2;
	_ =	strace s9  }
0x27: {  	s1 =	sld [smem:$0x3FAA]  }
0x28: {  	s2 =	sld [smem:$0x3FAB]  }
0x29: {  	s4 =	sld [smem:$0x3FAD]  }
0x2a: {  	p0 =	seq.s32 s5, $0x0;
	s5 =	sld [smem:$0x3FAE]  }
0x2b: {  	s6 =	sld [smem:$0x3FAF]  }
0x2c: {  	s7 =	sld [smem:$0x3FB0]  }
0x2d: {  	s3 =	simm.s32 $0x108;
	s8 =	sld [smem:$0x3FB1]  }
0x2e: {  	s3 =	simm.s32 @!p0 $0x1082;
	s9 =	sld [smem:$0x3FB2]  }
0x2f: {  	lr =	sadd.s32 s0, s3;
	s0 =	sld [smem:$0x3FA9]  }
0x30: {  	s3 =	sld [smem:$0x3FAC]  }
0x31: {  	[smem:$0x3FB5] =	sst s10  }
0x32: {  	s10 =	sld [smem:$0x3FB3];
	_ =	sdelay $0x3  }
0x33: {  	p0 =	seq.s32 s10, $0x1;
	s10 =	sld [smem:$0x3FB5];
	_ =	sdelay $0x3  }
0x34: {  	[smem:$0x3FB5] =	sst s10  }
0x35: {  	s10 =	sld [smem:$0x3FB4];
	_ =	sdelay $0x3  }
0x36: {  	p1 =	seq.s32 s10, $0x1;
	s10 =	sld [smem:$0x3FB5];
	_ =	sdelay $0x3  }
0x37: {  	[smem:$0x3FB5] =	sst s10  }
0x38: {  	s10 =	sld [smem:$0x3FB6]  }
0x39: {  	_ = 	snop;
	(pc) =	sbr.ind lr, $3  }
0x3a: {  	_ = 	snop  }
0x3b: {  	_ = 	snop  }
0x3c: {  	p2 =	seq.s32 s10, $0x1;
	s10 =	sld [smem:$0x3FB5]  }
0x3d: {  	_ =	shalt  }
0x3e: {  	_ =	shalt  }
0x3f: {  	_ =	shalt  }
0x40: {  	_ =	shalt  }
0x41: {  	_ =	shalt  }
0x42: {  	_ =	shalt  }
0x43: {  	_ =	shalt  }
0x44: {  	_ =	shalt  }
0x45: {  	_ =	shalt  }
0x46: {  	_ =	shalt  }
0x47: {  	_ =	shalt  }
0x48: {  	_ =	shalt  }
0x49: {  	_ =	shalt  }
0x4a: {  	_ =	shalt  }
0x4b: {  	_ =	shalt  }
0x4c: {  	_ =	shalt  }
0x4d: {  	_ =	shalt  }
0x4e: {  	_ =	shalt  }
0x4f: {  	_ =	shalt  }
0x50: {  	_ =	shalt  }
0x51: {  	_ =	shalt  }
0x52: {  	_ =	shalt  }
0x53: {  	_ =	shalt  }
0x54: {  	_ =	shalt  }
0x55: {  	_ =	shalt  }
0x56: {  	_ =	shalt  }
0x57: {  	_ =	shalt  }
0x58: {  	_ =	shalt  }
0x59: {  	_ =	shalt  }
0x5a: {  	_ =	shalt  }
0x5b: {  	_ =	shalt  }
0x5c: {  	_ =	shalt  }
0x5d: {  	_ =	shalt  }
0x5e: {  	_ =	shalt  }
0x5f: {  	_ =	shalt  }
0x60: {  	_ =	shalt  }
0x61: {  	_ =	shalt  }
0x62: {  	_ =	shalt  }
0x63: {  	_ =	shalt  }
0x64: {  	_ =	shalt  }
0x65: {  	_ =	shalt  }
0x66: {  	_ =	shalt  }
0x67: {  	_ =	shalt  }
0x68: {  	_ =	shalt  }
0x69: {  	_ =	shalt  }
0x6a: {  	_ =	shalt  }
0x6b: {  	_ =	shalt  }
0x6c: {  	_ =	shalt  }
0x6d: {  	_ =	shalt  }
0x6e: {  	_ =	shalt  }
0x6f: {  	_ =	shalt  }
0x70: {  	_ =	shalt  }
0x71: {  	_ =	shalt  }
0x72: {  	_ =	shalt  }
0x73: {  	_ =	shalt  }
0x74: {  	_ =	shalt  }
0x75: {  	_ =	shalt  }
0x76: {  	_ =	shalt  }
0x77: {  	_ =	shalt  }
0x78: {  	_ =	shalt  }
0x79: {  	_ =	shalt  }
0x7a: {  	_ =	shalt  }
0x7b: {  	_ =	shalt  }
0x7c: {  	_ =	shalt  }
0x7d: {  	_ =	shalt  }
0x7e: {  	_ =	shalt  }
0x7f: {  	_ =	shalt  }
0x80: {  	_ =	shalt  }
0x81: {  	_ =	shalt  }
0x82: {  	_ =	shalt  }
0x83: {  	_ =	shalt  }
0x84: {  	_ =	shalt  }
0x85: {  	_ =	shalt  }
0x86: {  	_ =	shalt  }
0x87: {  	_ =	shalt  }
.Lfunc_end0:
.L_simem_size_0:
called_computation.1_lowered:
.L_overlay_start_0:
0x88: {  	s2 =	sld [smem:$0x3FD9]  }
0x89: {  	s3 =	sld [smem:$0x3FFE];
	_ =	sdelay $0x1  }
0x8a: {  	s1 =	srdreg.scid  }
0x8b: {  	s0 =	sand.u32 $0x1, s1  }
0x8c: {  	s17 =	sshll.u32 s0, $0xA;
	s2 =	sadd.s32 s3, s2  }
0x8d: {  	s2 =	sadd.s32 s2, s17  }
0x8e: {  	[smem:$0x3FC1] =	sst s2  }
0x8f: {  	_ = 	snop  }
0x90: {  	s2 =	sld [smem:$0x3FD0];
	(tm) =	ssettm $0x1  }
0x91: {  	s18 =	sld [smem:$0x3FFB];
	_ =	sdelay $0x3  }
0x92: {  	_ =	strace s18  }
0x93: {  	s3 =	sld [smem:$0x3FFC];
	_ =	sdelay $0x3  }
0x94: {  	_ =	strace s3  }
0x95: {  	s3 =	sld [smem:$0x3FFD];
	_ =	sdelay $0x3  }
0x96: {  	_ =	strace s3  }
0x97: {  	_ =	strace $0x8FFFFFFF  }
0x98: {  	s19 =	sld [smem:$0x3FDB];
	_ =	sdelay $0x1  }
0x99: {  	s4 =	simm.s32 $_scs_section_size  }
0x9a: {  	s5 =	simm.s32 $_size__tile_overlayer_lowered;
	s6 =	simm.s32 $_tile_overlayer_lowered  }
0x9b: {  	s22 =	simm.s32 $0x1BFF;
	s21 =	sshll.u32 s6, $0x1;
	s3 =	sadd.s32 s4, s19  }
0x9c: {  	s7 =	simm.s32 $0x0;
	s20 =	sshll.u32 s5, $0x1;
	s5 =	sadd.s32 s21, s3  }
0x9d: {  	[timem:s7], [sflag:s22] =	dma.local [hbm:s5], s20  }
0x9e: {  	_ =	swait.ge [sflag:s22], s20  }
0x9f: {  	s4 =	ssub.s32 $0x0, s20;
	[sflag:s22] =	ssyncset.done $0x0  }
0xa0: {  	[sflag:s22] =	ssyncadd.s32 s4;
	_ =	sdelay $0x1  }
0xa1: {  	s23 =	simm.s32 $0x1B8B  }
0xa2: {  	_ =	swait.ge [sflag:s23], $0x1  }
0xa3: {  	[sflag:s23] =	ssyncset.done $0x0  }
0xa4: {  	s25 =	simm.s32 $0x1B8E;
	s24 =	sld [smem:$0x3FFE];
	[sflag:s23] =	ssyncadd.s32 $0xFFFFFFFF  }
0xa5: {  	s26 =	simm.s32 $execute0_lowered;
	[smem:$0x3FD2] =	sst s25  }
0xa6: {  	s5 =	sshll.u32 s26, $0x1;
	_ =	strace $0x80000049;
	[dreg:$0x1] =	wrdreg $0xFFFFFFFF  }
0xa7: {  	s28 =	simm.s32 $_size_execute0_lowered;
	s3 =	sadd.s32 s3, s5;
	[dreg:$0x0] =	wrdreg $0x0  }
0xa8: {  	s5 =	sshll.u32 s28, $0x1;
	[dreg:$0x2] =	wrdreg s3  }
0xa9: {  	[dreg:$0x3] =	wrdreg s5  }
0xaa: {  	[dreg:$0x4] =	wrdreg $0xC0  }
0xab: {  	_ =	task [dreg:s7], $0x5FFFF  }
0xac: {  	[dreg:$0x1] =	wrdreg $0xFFFFFFFF  }
0xad: {  	[dreg:$0x0] =	wrdreg $0x60  }
0xae: {  	[dreg:$0x2] =	wrdreg s24  }
0xaf: {  	[dreg:$0x3] =	wrdreg s2  }
0xb0: {  	[dreg:$0x4] =	wrdreg $0x98000  }
0xb1: {  	[dreg:$0x5] =	wrdreg $0x9  }
0xb2: {  	_ =	task.clear_ibuf [dreg:s7], $0x6FFFF;
	_ =	strace $0x90000049  }
0xb3: {  	s29 =	simm.s32 $0x9;
	_ =	strace $0x8000004B  }
0xb4: {  	_ =	swait.ge [sflag:s29], $0x1  }
0xb5: {  	[sflag:s29] =	ssyncadd.s32 $0xFFFFFFFF  }
0xb6: {  	_ =	strace $0x9000004B  }
0xb7: {  	_ =	sfence  }
0xb8: {  	s30 =	sld [smem:$0x0];
	_ =	sdelay $0x2  }
0xb9: {  	s31 =	sshll.u32 s1, $0xD;
	s1 =	sshrl.u32 s1, $0x2  }
0xba: {  	s3 =	sand.u32 $0x4000, s31;
	s1 =	sadd.s32 s1, s30  }
0xbb: {  	s0 =	sor.u32 s3, s0;
	s1 =	sshll.u32 s1, $0x11  }
0xbc: {  	s0 =	sor.u32 s1, s0  }
0xbd: {  	s0 =	sadd.s32 $0x8F2B, s0  }
0xbe: {  	[sflag:s0] =	ssyncadd.remote.s32 $0x1  }
0xbf: {  	_ =	sfence.sel $0xFFFF  }
0xc0: {  	[dreg:$0x0] =	wrdreg $0xFFFFFFFF;
	(pc) =	sbr.abs _section_cstart, $3  }
0xc1: {  	[dreg:$0x1] =	wrdreg $0xFFFFFFFF  }
0xc2: {  	_ =	task.clear_ibuf [dreg:s7], $0x2FFFF;
	_ =	strace $0x9FFFFFFF  }
0xc3: {  	(tm) =	ssettm $0x7FFFFFFF  }
tec
execute0_lowered:
.L_overlay_start_1:
0x0: {  	(tag) =	ssettag $0x1  }
0x1: {  	s0 =	rddreg [dreg:$0x0]  }
0x2: {  	s2 =	rddreg [dreg:$0x2];
	s3 =	simm.s32 $0x0;
	s1 =	srdreg.scid  }
0x3: {  	s10 =	stileid.u32;
	s29 =	simm.s32 $0x8400;
	s30 =	simm.s32 $0x5  }
0x4: {  	s31 =	simm.s32 $0x1;
	[smem:$0x7FF] =	sst s3;
	s9 =	smul.u32 $0x50000, s10  }
0x5: {  	s1 =	sand.u32 $0x1, s1;
	s5 =	sadd.s32 $0xC5200, s0;
	s18 =	smul.u32 $0xA000, s10  }
0x6: {  	s7 =	sadd.s32 $0xE00, s0;
	s26 =	sshll.u32 s10, $0x3;
	s23 =	smul.u32 $0x2800, s10  }
0x7: {  	_ =	strace $0x8000004A;
	s4 =	sshll.u32 s1, $0x4;
	s6 =	smul.u32 $0x28000, s1  }
0x8: {  	s8 =	ssub.s32 $0x2, s1;
	s14 =	sor.u32 $0x2780, s26;
	s1 =	smul.u32 $0xA0000, s1  }
0x9: {  	s4 =	sor.u32 s10, s4;
	s25 =	sshrl.u32 s8, $0x1;
	s12 =	sshrl.u32 s9, $0x2  }
0xa: {  	s10 =	simm.s32 $0x3;
	v0 =	vmov s14;
	s14 =	simm.s32 $0x4;
	s8 =	ssub.s32 s8, s25  }
0xb: {  	s4 =	smul.u32 $0xA000, s4;
	s9 =	sadd.s32 s12, s2;
	s13 =	smax.u32 s8, $0x1  }
0xc: {  	s0 =	sadd.s32 s6, s0;
	s15 =	sadd.s32 $0x2800, s9;
	[dreg:$0x6] =	wrdreg s13  }
0xd: {  	s1 =	sadd.s32 s18, s1;
	s16 =	sadd.s32 $0x3C00, s9;
	[dreg:$0x8] =	wrdreg s15  }
0xe: {  	s12 =	simm.s32 $0x4400;
	s17 =	sadd.s32 $0x5000, s9;
	[dreg:$0x9] =	wrdreg s16  }
0xf: {  	s19 =	sadd.s32 $0x6400, s9;
	s20 =	sadd.s32 $0x7800, s9;
	[dreg:$0xa] =	wrdreg s17  }
0x10: {  	s21 =	sadd.s32 $0x8C00, s9;
	s22 =	sadd.s32 $0xA000, s9;
	[dreg:$0xb] =	wrdreg s19  }
0x11: {  	s24 =	sadd.s32 $0xB400, s9;
	s25 =	sadd.s32 $0xC800, s9;
	[dreg:$0xc] =	wrdreg s20  }
0x12: {  	s26 =	sor.u32 $0x300, s1;
	s1 =	sor.u32 $0x200, s1;
	[dreg:$0xd] =	wrdreg s21  }
0x13: {  	s0 =	sadd.s32 s23, s0;
	s23 =	sadd.s32 $0xF000, s9;
	[dreg:$0xe] =	wrdreg s22  }
0x14: {  	s28 =	sadd.s32 $0x12C00, s9;
	s4 =	sshrl.u32 s4, $0x3;
	[dreg:$0xf] =	wrdreg s24  }
0x15: {  	[dreg:$0x10] =	wrdreg s25;
	s8 =	sshrl.u32 s26, $0x3;
	s20 =	sadd.s32 $0xDC00, s9  }
0x16: {  	s1 =	sshrl.u32 s1, $0x3;
	s24 =	sadd.s32 $0x28E00, s0;
	s25 =	sadd.s32 $0x10400, s9  }
0x17: {  	s26 =	sadd.s32 $0x11800, s9;
	s0 =	simm.s32 $0x80;
	s13 =	simm.s32 $0x300  }
0x18: {  	s15 =	simm.s32 $0x380;
	s16 =	simm.s32 $0x0;
	s11 =	sadd.s32 s7, s4  }
0x19: {  	s4 =	sadd.s32 $0x1400, s9;
	s21 =	sadd.s32 s8, s7;
	s22 =	sadd.s32 s1, s7  }
0x1a: {  	s1 =	simm.s32 $0x400;
	s7 =	simm.s32 $0x100;
	[dreg:$0x4] =	wrdreg s11  }
0x1b: {  	s8 =	simm.s32 $0x2;
	s6 =	sadd.s32 $0x20, s11;
	[dreg:$0x7] =	wrdreg s4  }
0x1c: {  	s4 =	simm.s32 $0x200;
	s11 =	simm.s32 $0x280;
	[dreg:$0x5] =	wrdreg s6  }
.LBB2_1:
0x1d: {  	s6 =	rddreg [dreg:$0x1]  }
0x1e: {  	[tilespmem:s29], [sflag:$0x5] =	stream.linear.gather [hbm4b:s6+s3], $0x1400, $0x38;
	[tilespmem:$0x1D800] =	vst v63  }
0x1f: {  	_ =	swait.ge [sflag:s30], $0x1400  }
0x20: {  	[sflag:s30] =	ssyncset.done $0x0  }
0x21: {  	[sflag:s30] =	ssyncadd.s32 $0xFFFFEC00  }
0x22: {  	[spmem:s9] =	stream.linear.scatter [tilespmem:s29], [sflag:$0x5], $0x1400, $0x38;
	[tilespmem:$0x1D800] =	vst v63  }
0x23: {  	_ =	swait.ge [sflag:s30], $0x1400  }
0x24: {  	[sflag:s30] =	ssyncset.done $0x0  }
0x25: {  	s17 =	rddreg [dreg:$0x7];
	[sflag:s30] =	ssyncadd.s32 $0xFFFFEC00  }
0x26: {  	[spmem:s17] =	stream.linear.scatter [tilespmem:s29], [sflag:$0x5], $0x1400, $0x38;
	[tilespmem:$0x1D800] =	vst v63  }
0x27: {  	_ =	swait.ge [sflag:s30], $0x1400  }
0x28: {  	[sflag:s30] =	ssyncset.done $0x0  }
0x29: {  	s18 =	rddreg [dreg:$0x8];
	[sflag:s30] =	ssyncadd.s32 $0xFFFFEC00  }
0x2a: {  	[spmem:s18] =	stream.linear.scatter [tilespmem:s29], [sflag:$0x5], $0x1400, $0x38;
	[tilespmem:$0x1D800] =	vst v63  }
0x2b: {  	_ =	swait.ge [sflag:s30], $0x1400  }
0x2c: {  	[sflag:s30] =	ssyncset.done $0x0  }
0x2d: {  	s19 =	rddreg [dreg:$0x9];
	[sflag:s30] =	ssyncadd.s32 $0xFFFFEC00  }
0x2e: {  	[spmem:s19] =	stream.linear.scatter [tilespmem:s29], [sflag:$0x5], $0x1400, $0x38;
	[tilespmem:$0x1D800] =	vst v63  }
0x2f: {  	_ =	swait.ge [sflag:s30], $0x1400  }
0x30: {  	[sflag:s30] =	ssyncset.done $0x0  }
0x31: {  	s17 =	rddreg [dreg:$0xa];
	[sflag:s30] =	ssyncadd.s32 $0xFFFFEC00  }
0x32: {  	[spmem:s17] =	stream.linear.scatter [tilespmem:s29], [sflag:$0x5], $0x1400, $0x38;
	[tilespmem:$0x1D800] =	vst v63  }
0x33: {  	_ =	swait.ge [sflag:s30], $0x1400  }
0x34: {  	[sflag:s30] =	ssyncset.done $0x0  }
0x35: {  	s18 =	rddreg [dreg:$0xb];
	[sflag:s30] =	ssyncadd.s32 $0xFFFFEC00  }
0x36: {  	[spmem:s18] =	stream.linear.scatter [tilespmem:s29], [sflag:$0x5], $0x1400, $0x38;
	[tilespmem:$0x1D800] =	vst v63  }
0x37: {  	_ =	swait.ge [sflag:s30], $0x1400  }
0x38: {  	[sflag:s30] =	ssyncset.done $0x0  }
0x39: {  	s19 =	rddreg [dreg:$0xc];
	[sflag:s30] =	ssyncadd.s32 $0xFFFFEC00  }
0x3a: {  	[spmem:s19] =	stream.linear.scatter [tilespmem:s29], [sflag:$0x5], $0x1400, $0x38;
	[tilespmem:$0x1D800] =	vst v63  }
0x3b: {  	_ =	swait.ge [sflag:s30], $0x1400  }
0x3c: {  	[sflag:s30] =	ssyncset.done $0x0  }
0x3d: {  	s17 =	rddreg [dreg:$0xd];
	[sflag:s30] =	ssyncadd.s32 $0xFFFFEC00  }
0x3e: {  	[spmem:s17] =	stream.linear.scatter [tilespmem:s29], [sflag:$0x5], $0x1400, $0x38;
	[tilespmem:$0x1D800] =	vst v63  }
0x3f: {  	_ =	swait.ge [sflag:s30], $0x1400  }
0x40: {  	[sflag:s30] =	ssyncset.done $0x0  }
0x41: {  	s18 =	rddreg [dreg:$0xe];
	[sflag:s30] =	ssyncadd.s32 $0xFFFFEC00  }
0x42: {  	[spmem:s18] =	stream.linear.scatter [tilespmem:s29], [sflag:$0x5], $0x1400, $0x38;
	[tilespmem:$0x1D800] =	vst v63  }
0x43: {  	_ =	swait.ge [sflag:s30], $0x1400  }
0x44: {  	[sflag:s30] =	ssyncset.done $0x0  }
0x45: {  	s19 =	rddreg [dreg:$0xf];
	[sflag:s30] =	ssyncadd.s32 $0xFFFFEC00  }
0x46: {  	[spmem:s19] =	stream.linear.scatter [tilespmem:s29], [sflag:$0x5], $0x1400, $0x38;
	[tilespmem:$0x1D800] =	vst v63  }
0x47: {  	_ =	swait.ge [sflag:s30], $0x1400  }
0x48: {  	[sflag:s30] =	ssyncset.done $0x0  }
0x49: {  	s17 =	rddreg [dreg:$0x10];
	[sflag:s30] =	ssyncadd.s32 $0xFFFFEC00  }
0x4a: {  	[spmem:s17] =	stream.linear.scatter [tilespmem:s29], [sflag:$0x5], $0x1400, $0x38;
	[tilespmem:$0x1D800] =	vst v63  }
0x4b: {  	_ =	swait.ge [sflag:s30], $0x1400  }
0x4c: {  	[sflag:s30] =	ssyncset.done $0x0  }
0x4d: {  	[sflag:s30] =	ssyncadd.s32 $0xFFFFEC00  }
0x4e: {  	[spmem:s20] =	stream.linear.scatter [tilespmem:s29], [sflag:$0x5], $0x1400, $0x38;
	[tilespmem:$0x1D800] =	vst v63  }
0x4f: {  	_ =	swait.ge [sflag:s30], $0x1400  }
0x50: {  	[sflag:s30] =	ssyncset.done $0x0  }
0x51: {  	[sflag:s30] =	ssyncadd.s32 $0xFFFFEC00  }
0x52: {  	[spmem:s23] =	stream.linear.scatter [tilespmem:s29], [sflag:$0x5], $0x1400, $0x38;
	[tilespmem:$0x1D800] =	vst v63  }
0x53: {  	_ =	swait.ge [sflag:s30], $0x1400  }
0x54: {  	[sflag:s30] =	ssyncset.done $0x0  }
0x55: {  	[sflag:s30] =	ssyncadd.s32 $0xFFFFEC00  }
0x56: {  	[spmem:s25] =	stream.linear.scatter [tilespmem:s29], [sflag:$0x5], $0x1400, $0x38;
	[tilespmem:$0x1D800] =	vst v63  }
0x57: {  	_ =	swait.ge [sflag:s30], $0x1400  }
0x58: {  	[sflag:s30] =	ssyncset.done $0x0  }
0x59: {  	[sflag:s30] =	ssyncadd.s32 $0xFFFFEC00  }
0x5a: {  	[spmem:s26] =	stream.linear.scatter [tilespmem:s29], [sflag:$0x5], $0x1400, $0x38;
	[tilespmem:$0x1D800] =	vst v63  }
0x5b: {  	_ =	swait.ge [sflag:s30], $0x1400  }
0x5c: {  	[sflag:s30] =	ssyncset.done $0x0  }
0x5d: {  	[sflag:s30] =	ssyncadd.s32 $0xFFFFEC00  }
0x5e: {  	[spmem:s28] =	stream.linear.scatter [tilespmem:s29], [sflag:$0x5], $0x1400, $0x38;
	[tilespmem:$0x1D800] =	vst v63  }
0x5f: {  	_ =	swait.ge [sflag:s30], $0x1400  }
0x60: {  	[sflag:s30] =	ssyncset.done $0x0  }
0x61: {  	[sflag:s30] =	ssyncadd.s32 $0xFFFFEC00  }
0x62: {  	[bflag:$0x0] =	sbarrier.arrive $0xFFFF  }
0x63: {  	s18 =	rddreg [dreg:$0x4]  }
0x64: {  	[tilespmem:s3], [sflag:$0x1] =	stream.linear.gather [hbm4b:s18+s3], $0x100, $0x38;
	[tilespmem:$0x1D800] =	vst v63  }
0x65: {  	_ =	swait.ge [sflag:s31], $0x100  }
0x66: {  	[sflag:s31] =	ssyncset.done $0x0  }
0x67: {  	[sflag:s31] =	ssyncadd.s32 $0xFFFFFF00  }
0x68: {  	v1 =	vld [tilespmem:$0x40]  }
0x69: {  	v2 =	vld [tilespmem:$0x0]  }
0x6a: {  	v3 =	vld [tilespmem:$0x80]  }
0x6b: {  	v4 =	vld [tilespmem:$0xC0]  }
0x6c: {  	v5 =	vld [tilespmem:$0x50]  }
0x6d: {  	v7 =	vld [tilespmem:$0x90];
	v1 =	vmul.u32 $0x2710, v1  }
0x6e: {  	v6 =	vld [tilespmem:$0x10]  }
0x6f: {  	v8 =	vld [tilespmem:$0xD0];
	v1 =	vadd.s32 v2, v1  }
0x70: {  	[tilespmem:$0x200] =	vst v1;
	v1 =	vld [tilespmem:$0x60]  }
0x71: {  	v54 =	vld [tilespmem:$0xB0];
	[tilespmem:$0x300] =	vst v3  }
0x72: {  	vm0 =	veq.s32 v4, $0x2;
	v4 =	vmul.u32 $0x2710, v5;
	v5 =	vld [tilespmem:$0x20];
	[tilespmem:$0x310] =	vst v7;
	v2 =	vadd.s32 $0x7530, v2  }
0x73: {  	[tilespmem:$0x240] =	vst v2;
	v2 =	vsel vm0, v3, v0;
	v3 =	vld [tilespmem:$0xA0]  }
0x74: {  	[tilespmem:$0x340] =	vst v2;
	v2 =	vadd.s32 v6, v4;
	v4 =	vld [tilespmem:$0xE0]  }
0x75: {  	vm9 =	veq.s32 v8, $0x2;
	[tilespmem:$0x210] =	vst v2;
	v2 =	vld [tilespmem:$0x70];
	v1 =	vmul.u32 $0x2710, v1  }
0x76: {  	[tilespmem:$0x330] =	vst v54;
	v52 =	vsel vm9, v7, v0  }
0x77: {  	v53 =	vld [tilespmem:$0x30];
	[tilespmem:$0x350] =	vst v52;
	v1 =	vadd.s32 v5, v1  }
0x78: {  	v6 =	vadd.s32 $0x7530, v6;
	[tilespmem:$0x220] =	vst v1;
	v1 =	vld [tilespmem:$0xF0]  }
0x79: {  	[tilespmem:$0x250] =	vst v6  }
0x7a: {  	[tilespmem:$0x320] =	vst v3;
	vm10 =	veq.s32 v4, $0x2;
	v5 =	vadd.s32 $0x7530, v5;
	v2 =	vmul.u32 $0x2710, v2  }
0x7b: {  	v3 =	vsel vm10, v3, v0;
	[tilespmem:$0x260] =	vst v5  }
0x7c: {  	[tilespmem:$0x360] =	vst v3;
	v2 =	vadd.s32 v53, v2  }
0x7d: {  	[tilespmem:$0x230] =	vst v2;
	v2 =	vadd.s32 $0x7530, v53;
	vm11 =	veq.s32 v1, $0x2  }
0x7e: {  	[tilespmem:$0x270] =	vst v2;
	v1 =	vsel vm11, v54, v0  }
0x7f: {  	[tilespmem:$0x370] =	vst v1  }
0x80: {  	[tilespmem:s1], [sflag:$0x3] =	stream.indirect.gather [hbm4b:s5+s0], $0x80, s4, s0, $0xb8;
	[tilespmem:$0x1D800] =	vst v63  }
0x81: {  	s19 =	rddreg [dreg:$0x5]  }
0x82: {  	[tilespmem:s7], [sflag:$0x2] =	stream.linear.gather [hbm4b:s19+s3], $0x100, $0x38;
	[tilespmem:$0x1D800] =	vst v63  }
0x83: {  	_ =	swait.ge [sflag:s8], $0x100  }
0x84: {  	[sflag:s8] =	ssyncset.done $0x0  }
0x85: {  	[sflag:s8] =	ssyncadd.s32 $0xFFFFFF00  }
0x86: {  	v1 =	vld [tilespmem:$0x180]  }
0x87: {  	v2 =	vld [tilespmem:$0x120]  }
0x88: {  	v3 =	vld [tilespmem:$0x130]  }
0x89: {  	v4 =	vld [tilespmem:$0x160]  }
0x8a: {  	v5 =	vld [tilespmem:$0x100]  }
0x8b: {  	v10 =	vld [tilespmem:$0x190]  }
0x8c: {  	v62 =	vld [tilespmem:$0x1A0]  }
0x8d: {  	v55 =	vld [tilespmem:$0x150]  }
0x8e: {  	v56 =	vld [tilespmem:$0x110]  }
0x8f: {  	v12 =	vld [tilespmem:$0x1C0];
	[tilespmem:$0x380] =	vst v1  }
0x90: {  	[tilespmem:$0x390] =	vst v10  }
0x91: {  	v57 =	vld [tilespmem:$0x170];
	v9 =	vadd.s32 $0x7530, v2;
	[tilespmem:$0x3A0] =	vst v62  }
0x92: {  	v11 =	vld [tilespmem:$0x140];
	v58 =	vadd.s32 $0x7530, v3;
	v4 =	vmul.u32 $0x2710, v4;
	[tilespmem:$0x2E0] =	vst v9  }
0x93: {  	v61 =	vld [tilespmem:$0x1D0];
	v59 =	vadd.s32 $0x7530, v5;
	v60 =	vadd.s32 $0x7530, v56;
	[tilespmem:$0x2F0] =	vst v58  }
0x94: {  	v63 =	vld [tilespmem:$0x1E0];
	vm12 =	veq.s32 v12, $0x2;
	[tilespmem:$0x2C0] =	vst v59;
	v2 =	vadd.s32 v2, v4;
	v4 =	vmul.u32 $0x2710, v55  }
0x95: {  	[tilespmem:$0x2D0] =	vst v60;
	v1 =	vsel vm12, v1, v0  }
0x96: {  	v8 =	vmul.u32 $0x2710, v57;
	[tilespmem:$0x3C0] =	vst v1;
	v4 =	vadd.s32 v56, v4  }
0x97: {  	[tilespmem:$0x290] =	vst v4;
	v4 =	vld [tilespmem:$0x1F0]  }
0x98: {  	vm13 =	veq.s32 v61, $0x2;
	v3 =	vadd.s32 v3, v8;
	[tilespmem:$0x2A0] =	vst v2;
	v2 =	vld [tilespmem:$0x1B0]  }
0x99: {  	vm14 =	veq.s32 v63, $0x2;
	v1 =	vsel vm13, v10, v0;
	[tilespmem:$0x2B0] =	vst v3;
	v3 =	vmul.u32 $0x2710, v11  }
0x9a: {  	[tilespmem:$0x3D0] =	vst v1;
	v1 =	vsel vm14, v62, v0  }
0x9b: {  	[tilespmem:$0x3E0] =	vst v1;
	v3 =	vadd.s32 v5, v3  }
0x9c: {  	[tilespmem:$0x280] =	vst v3;
	vm15 =	veq.s32 v4, $0x2  }
0x9d: {  	[tilespmem:$0x3B0] =	vst v2;
	v2 =	vsel vm15, v2, v0  }
0x9e: {  	[tilespmem:$0x3F0] =	vst v2  }
0x9f: {  	_ =	swait.ge [sflag:s10], $0x4000  }
0xa0: {  	[sflag:s10] =	ssyncset.done $0x0  }
0xa1: {  	[sflag:s10] =	ssyncadd.s32 $0xFFFFC000  }
0xa2: {  	[tilespmem:s12], [sflag:$0x4] =	stream.indirect.gather [hbm4b:s5+s0], $0x80, s11, s0, $0xb8;
	[tilespmem:$0x1D800] =	vst v63  }
0xa3: {  	s17 =	sadd.s32 $0x0, s22  }
0xa4: {  	[tilespmem:s3], [sflag:$0x1] =	stream.linear.gather [hbm4b:s17+s3], $0x100, $0x38;
	[tilespmem:$0x1D800] =	vst v63  }
0xa5: {  	_ = 	snop  }
0xa6: {  	[spmem:s2] =	stream.indirect.scatter.add.f32 [tilespmem:s1], [sflag:$0x5], $0x80, s13, s0, $0xb8;
	[tilespmem:$0x1D800] =	vst v63  }
0xa7: {  	_ =	swait.ge [sflag:s30], $0x4000  }
0xa8: {  	[sflag:s30] =	ssyncset.done $0x0  }
0xa9: {  	[sflag:s30] =	ssyncadd.s32 $0xFFFFC000  }
0xaa: {  	_ =	swait.ge [sflag:s31], $0x100  }
0xab: {  	[sflag:s31] =	ssyncset.done $0x0  }
0xac: {  	[sflag:s31] =	ssyncadd.s32 $0xFFFFFF00  }
0xad: {  	v1 =	vld [tilespmem:$0xE0]  }
0xae: {  	v2 =	vld [tilespmem:$0x80]  }
0xaf: {  	s18 =	simm.s32 $0x40;
	s17 =	simm.s32 $0x0;
	v3 =	vld [tilespmem:$0x90]  }
.LBB2_2:
0xb0: {  	p0 =	sne.s32 s18, $0x1380;
	v4 =	vld [tilespmem:$0x40];
	s19 =	smov.u32 s18;
	s18 =	sadd.s32 $0x40, s18  }
0xb1: {  	v5 =	vld [tilespmem:$0xD0]  }
0xb2: {  	v6 =	vld [tilespmem:$0x0]  }
0xb3: {  	[tilespmem:$0x300] =	vst v2;
	v7 =	vld [tilespmem:$0xC0]  }
0xb4: {  	v8 =	vld [tilespmem:$0x10];
	[tilespmem:$0x310] =	vst v3  }
0xb5: {  	v4 =	vmul.u32 $0x2710, v4;
	v9 =	vld [tilespmem:$0x20]  }
0xb6: {  	v10 =	vld [tilespmem:$0x50];
	vm0 =	veq.s32 v5, $0x2  }
0xb7: {  	v4 =	vadd.s32 v6, v4;
	v5 =	vadd.s32 $0x7530, v6;
	v3 =	vsel vm0, v3, v0;
	v6 =	vld [tilespmem:$0x60]  }
0xb8: {  	[tilespmem:$0x200] =	vst v4;
	v4 =	vld [tilespmem:$0x70]  }
0xb9: {  	v11 =	vadd.s32 $0x7530, v8;
	v12 =	vld [tilespmem:$0xA0]  }
0xba: {  	vm0 =	veq.s32 v7, $0x2;
	[tilespmem:$0x250] =	vst v11;
	v7 =	vadd.s32 $0x7530, v9;
	v11 =	vld [tilespmem:$0x30]  }
0xbb: {  	v2 =	vsel vm0, v2, v0;
	v10 =	vmul.u32 $0x2710, v10;
	[tilespmem:$0x350] =	vst v3;
	v3 =	vld [tilespmem:$0xF0]  }
0xbc: {  	v6 =	vmul.u32 $0x2710, v6;
	[tilespmem:$0x260] =	vst v7;
	v7 =	vld [tilespmem:$0xB0]  }
0xbd: {  	vm0 =	veq.s32 v1, $0x2;
	[tilespmem:$0x340] =	vst v2;
	v2 =	vadd.s32 v8, v10;
	v1 =	vmul.u32 $0x2710, v4  }
0xbe: {  	[tilespmem:$0x240] =	vst v5;
	v4 =	vadd.s32 v9, v6;
	v5 =	vsel vm0, v12, v0  }
0xbf: {  	[tilespmem:$0x360] =	vst v5;
	v1 =	vadd.s32 v11, v1;
	v5 =	vadd.s32 $0x7530, v11  }
0xc0: {  	[tilespmem:$0x230] =	vst v1;
	vm0 =	veq.s32 v3, $0x2  }
0xc1: {  	[tilespmem:$0x210] =	vst v2;
	v1 =	vsel vm0, v7, v0  }
0xc2: {  	[tilespmem:$0x270] =	vst v5  }
0xc3: {  	[tilespmem:$0x370] =	vst v1  }
0xc4: {  	[tilespmem:$0x320] =	vst v12  }
0xc5: {  	[tilespmem:$0x330] =	vst v7;
	_ =	sdelay $0x1  }
0xc6: {  	[tilespmem:$0x220] =	vst v4  }
0xc7: {  	_ =	swait.ge [sflag:s14], $0x4000  }
0xc8: {  	[sflag:s14] =	ssyncset.done $0x0  }
0xc9: {  	[sflag:s14] =	ssyncadd.s32 $0xFFFFC000  }
0xca: {  	[tilespmem:s1], [sflag:$0x3] =	stream.indirect.gather [hbm4b:s5+s0], $0x80, s4, s0, $0xb8;
	[tilespmem:$0x1D800] =	vst v63  }
0xcb: {  	s6 =	sadd.s32 s17, s21;
	s17 =	smov.u32 s19  }
0xcc: {  	[tilespmem:s7], [sflag:$0x2] =	stream.linear.gather [hbm4b:s6+s3], $0x100, $0x38;
	[tilespmem:$0x1D800] =	vst v63  }
0xcd: {  	_ = 	snop  }
0xce: {  	[spmem:s2] =	stream.indirect.scatter.add.f32 [tilespmem:s12], [sflag:$0x5], $0x80, s15, s0, $0xb8;
	[tilespmem:$0x1D800] =	vst v63  }
0xcf: {  	_ =	swait.ge [sflag:s30], $0x4000  }
0xd0: {  	[sflag:s30] =	ssyncset.done $0x0  }
0xd1: {  	[sflag:s30] =	ssyncadd.s32 $0xFFFFC000  }
0xd2: {  	_ =	swait.ge [sflag:s8], $0x100  }
0xd3: {  	[sflag:s8] =	ssyncset.done $0x0  }
0xd4: {  	[sflag:s8] =	ssyncadd.s32 $0xFFFFFF00  }
0xd5: {  	v1 =	vld [tilespmem:$0x180]  }
0xd6: {  	v2 =	vld [tilespmem:$0x100]  }
0xd7: {  	v3 =	vld [tilespmem:$0x120]  }
0xd8: {  	v4 =	vld [tilespmem:$0x130]  }
0xd9: {  	v5 =	vld [tilespmem:$0x170]  }
0xda: {  	[tilespmem:$0x380] =	vst v1;
	v6 =	vld [tilespmem:$0x160]  }
0xdb: {  	v7 =	vld [tilespmem:$0x140]  }
0xdc: {  	v8 =	vld [tilespmem:$0x150];
	v9 =	vadd.s32 $0x7530, v3  }
0xdd: {  	v10 =	vld [tilespmem:$0x110];
	[tilespmem:$0x2E0] =	vst v9;
	v9 =	vadd.s32 $0x7530, v4  }
0xde: {  	v11 =	vld [tilespmem:$0x1D0];
	v5 =	vmul.u32 $0x2710, v5;
	[tilespmem:$0x2F0] =	vst v9  }
0xdf: {  	v9 =	vld [tilespmem:$0x190];
	v6 =	vmul.u32 $0x2710, v6  }
0xe0: {  	v13 =	vadd.s32 $0x7530, v2;
	v7 =	vmul.u32 $0x2710, v7;
	v12 =	vld [tilespmem:$0x1C0]  }
0xe1: {  	v4 =	vadd.s32 v4, v5;
	[tilespmem:$0x2C0] =	vst v13;
	v8 =	vmul.u32 $0x2710, v8;
	v3 =	vadd.s32 v3, v6;
	v5 =	vld [tilespmem:$0x1F0]  }
0xe2: {  	v2 =	vadd.s32 v2, v7;
	v6 =	vadd.s32 $0x7530, v10;
	[tilespmem:$0x2A0] =	vst v3;
	v3 =	vld [tilespmem:$0x1B0]  }
0xe3: {  	v7 =	vadd.s32 v10, v8;
	[tilespmem:$0x2D0] =	vst v6;
	vm0 =	veq.s32 v11, $0x2;
	v6 =	vld [tilespmem:$0x1E0]  }
0xe4: {  	[tilespmem:$0x390] =	vst v9;
	v8 =	vsel vm0, v9, v0;
	v9 =	vld [tilespmem:$0x1A0]  }
0xe5: {  	vm0 =	veq.s32 v12, $0x2;
	[tilespmem:$0x290] =	vst v7  }
0xe6: {  	v1 =	vsel vm0, v1, v0;
	[tilespmem:$0x2B0] =	vst v4;
	vm0 =	veq.s32 v5, $0x2  }
0xe7: {  	[tilespmem:$0x3B0] =	vst v3;
	v3 =	vsel vm0, v3, v0  }
0xe8: {  	[tilespmem:$0x3C0] =	vst v1;
	vm0 =	veq.s32 v6, $0x2  }
0xe9: {  	[tilespmem:$0x3A0] =	vst v9;
	v1 =	vsel vm0, v9, v0  }
0xea: {  	[tilespmem:$0x3D0] =	vst v8  }
0xeb: {  	[tilespmem:$0x280] =	vst v2  }
0xec: {  	[tilespmem:$0x3E0] =	vst v1  }
0xed: {  	[tilespmem:$0x3F0] =	vst v3  }
0xee: {  	_ =	swait.ge [sflag:s10], $0x4000  }
0xef: {  	[sflag:s10] =	ssyncset.done $0x0  }
0xf0: {  	[sflag:s10] =	ssyncadd.s32 $0xFFFFC000  }
0xf1: {  	[tilespmem:s12], [sflag:$0x4] =	stream.indirect.gather [hbm4b:s5+s0], $0x80, s11, s0, $0xb8;
	[tilespmem:$0x1D800] =	vst v63  }
0xf2: {  	s6 =	sadd.s32 s17, s22  }
0xf3: {  	[tilespmem:s3], [sflag:$0x1] =	stream.linear.gather [hbm4b:s6+s3], $0x100, $0x38;
	[tilespmem:$0x1D800] =	vst v63  }
0xf4: {  	_ = 	snop  }
0xf5: {  	[spmem:s2] =	stream.indirect.scatter.add.f32 [tilespmem:s1], [sflag:$0x5], $0x80, s13, s0, $0xb8;
	[tilespmem:$0x1D800] =	vst v63  }
0xf6: {  	_ =	swait.ge [sflag:s30], $0x4000  }
0xf7: {  	[sflag:s30] =	ssyncset.done $0x0  }
0xf8: {  	[sflag:s30] =	ssyncadd.s32 $0xFFFFC000  }
0xf9: {  	_ =	swait.ge [sflag:s31], $0x100  }
.Ltmp0:
0xfa: {  	[sflag:s31] =	ssyncset.done $0x0;
	(pc) =	sbr.rel @p0 .LBB2_2-.Ltmp0, $4  }
0xfb: {  	[sflag:s31] =	ssyncadd.s32 $0xFFFFFF00  }
0xfc: {  	v1 =	vld [tilespmem:$0xE0]  }
0xfd: {  	v2 =	vld [tilespmem:$0x80]  }
0xfe: {  	v3 =	vld [tilespmem:$0x90]  }
0xff: {  	v5 =	vld [tilespmem:$0xD0]  }
0x100: {  	v7 =	vld [tilespmem:$0x10]  }
0x101: {  	v47 =	vld [tilespmem:$0xA0]  }
0x102: {  	v50 =	vld [tilespmem:$0xB0]  }
0x103: {  	v9 =	vld [tilespmem:$0x20]  }
0x104: {  	v8 =	vld [tilespmem:$0xC0];
	[tilespmem:$0x300] =	vst v2  }
0x105: {  	v4 =	vld [tilespmem:$0x40];
	[tilespmem:$0x310] =	vst v3  }
0x106: {  	v6 =	vld [tilespmem:$0x0];
	[tilespmem:$0x320] =	vst v47  }
0x107: {  	v11 =	vld [tilespmem:$0x70];
	v46 =	vadd.s32 $0x7530, v7;
	[tilespmem:$0x330] =	vst v50  }
0x108: {  	v10 =	vld [tilespmem:$0x50];
	vm0 =	veq.s32 v5, $0x2;
	v49 =	vadd.s32 $0x7530, v9;
	[tilespmem:$0x250] =	vst v46  }
0x109: {  	v48 =	vld [tilespmem:$0x30];
	vm9 =	veq.s32 v8, $0x2;
	v3 =	vsel vm0, v3, v0;
	[tilespmem:$0x260] =	vst v49  }
0x10a: {  	vm10 =	veq.s32 v1, $0x2;
	v4 =	vmul.u32 $0x2710, v4;
	v2 =	vsel vm9, v2, v0;
	[tilespmem:$0x350] =	vst v3;
	v3 =	vld [tilespmem:$0xF0]  }
0x10b: {  	v51 =	vsel vm10, v47, v0;
	[tilespmem:$0x340] =	vst v2;
	v2 =	vld [tilespmem:$0x60]  }
0x10c: {  	v1 =	vmul.u32 $0x2710, v11;
	[tilespmem:$0x360] =	vst v51;
	v4 =	vadd.s32 v6, v4  }
0x10d: {  	v6 =	vadd.s32 $0x7530, v6;
	[tilespmem:$0x200] =	vst v4  }
0x10e: {  	v10 =	vmul.u32 $0x2710, v10;
	v1 =	vadd.s32 v48, v1;
	[tilespmem:$0x240] =	vst v6  }
0x10f: {  	[tilespmem:$0x230] =	vst v1;
	v1 =	vadd.s32 $0x7530, v48  }
0x110: {  	v52 =	vadd.s32 v7, v10;
	[tilespmem:$0x270] =	vst v1;
	vm11 =	veq.s32 v3, $0x2;
	v1 =	vmul.u32 $0x2710, v2  }
0x111: {  	[tilespmem:$0x210] =	vst v52;
	v3 =	vsel vm11, v50, v0  }
0x112: {  	[tilespmem:$0x370] =	vst v3;
	v1 =	vadd.s32 v9, v1  }
0x113: {  	[tilespmem:$0x220] =	vst v1  }
0x114: {  	_ =	swait.ge [sflag:s14], $0x4000  }
0x115: {  	[sflag:s14] =	ssyncset.done $0x0  }
0x116: {  	[sflag:s14] =	ssyncadd.s32 $0xFFFFC000  }
0x117: {  	[tilespmem:s1], [sflag:$0x3] =	stream.indirect.gather [hbm4b:s5+s0], $0x80, s4, s0, $0xb8;
	[tilespmem:$0x1D800] =	vst v63  }
0x118: {  	s6 =	sadd.s32 s17, s21  }
0x119: {  	[tilespmem:s7], [sflag:$0x2] =	stream.linear.gather [hbm4b:s6+s3], $0x100, $0x38;
	[tilespmem:$0x1D800] =	vst v63  }
0x11a: {  	_ = 	snop  }
0x11b: {  	[spmem:s2] =	stream.indirect.scatter.add.f32 [tilespmem:s12], [sflag:$0x5], $0x80, s15, s0, $0xb8;
	[tilespmem:$0x1D800] =	vst v63  }
0x11c: {  	_ =	swait.ge [sflag:s30], $0x4000  }
0x11d: {  	[sflag:s30] =	ssyncset.done $0x0  }
0x11e: {  	[sflag:s30] =	ssyncadd.s32 $0xFFFFC000  }
0x11f: {  	_ =	swait.ge [sflag:s8], $0x100  }
0x120: {  	[sflag:s8] =	ssyncset.done $0x0  }
0x121: {  	[sflag:s8] =	ssyncadd.s32 $0xFFFFFF00  }
0x122: {  	v1 =	vld [tilespmem:$0x140]  }
0x123: {  	v2 =	vld [tilespmem:$0x100]  }
0x124: {  	v3 =	vld [tilespmem:$0x180]  }
0x125: {  	v53 =	vld [tilespmem:$0x1C0]  }
0x126: {  	v54 =	vld [tilespmem:$0x150]  }
0x127: {  	v56 =	vld [tilespmem:$0x190];
	v1 =	vmul.u32 $0x2710, v1;
	_ =	sdelay $0x1  }
0x128: {  	v55 =	vld [tilespmem:$0x110];
	v1 =	vadd.s32 v2, v1  }
0x129: {  	[tilespmem:$0x280] =	vst v1;
	v1 =	vld [tilespmem:$0x160]  }
0x12a: {  	v63 =	vld [tilespmem:$0x1B0];
	[tilespmem:$0x380] =	vst v3  }
0x12b: {  	v59 =	vld [tilespmem:$0x120];
	vm12 =	veq.s32 v53, $0x2;
	v58 =	vmul.u32 $0x2710, v54;
	[tilespmem:$0x390] =	vst v56;
	v2 =	vadd.s32 $0x7530, v2  }
0x12c: {  	v57 =	vld [tilespmem:$0x1D0];
	[tilespmem:$0x2C0] =	vst v2;
	v2 =	vsel vm12, v3, v0  }
0x12d: {  	v60 =	vld [tilespmem:$0x1E0];
	[tilespmem:$0x3C0] =	vst v2;
	v2 =	vadd.s32 v55, v58  }
0x12e: {  	[tilespmem:$0x290] =	vst v2;
	v2 =	vld [tilespmem:$0x170];
	v1 =	vmul.u32 $0x2710, v1  }
0x12f: {  	v6 =	vadd.s32 $0x7530, v55;
	[tilespmem:$0x3B0] =	vst v63;
	v3 =	vld [tilespmem:$0x1A0]  }
0x130: {  	v62 =	vld [tilespmem:$0x130];
	[tilespmem:$0x2D0] =	vst v6;
	v1 =	vadd.s32 v59, v1  }
0x131: {  	vm13 =	veq.s32 v57, $0x2;
	v5 =	vadd.s32 $0x7530, v59;
	[tilespmem:$0x2A0] =	vst v1;
	v1 =	vld [tilespmem:$0x1F0]  }
0x132: {  	v61 =	vsel vm13, v56, v0;
	[tilespmem:$0x2E0] =	vst v5  }
0x133: {  	vm14 =	veq.s32 v60, $0x2;
	[tilespmem:$0x3D0] =	vst v61;
	v2 =	vmul.u32 $0x2710, v2  }
0x134: {  	[tilespmem:$0x3A0] =	vst v3;
	v3 =	vsel vm14, v3, v0  }
0x135: {  	[tilespmem:$0x3E0] =	vst v3;
	v2 =	vadd.s32 v62, v2  }
0x136: {  	[tilespmem:$0x2B0] =	vst v2;
	v2 =	vadd.s32 $0x7530, v62;
	vm15 =	veq.s32 v1, $0x2  }
0x137: {  	[tilespmem:$0x2F0] =	vst v2;
	v1 =	vsel vm15, v63, v0  }
0x138: {  	[tilespmem:$0x3F0] =	vst v1  }
0x139: {  	_ =	swait.ge [sflag:s10], $0x4000  }
0x13a: {  	[sflag:s10] =	ssyncset.done $0x0  }
0x13b: {  	[sflag:s10] =	ssyncadd.s32 $0xFFFFC000  }
0x13c: {  	[tilespmem:s12], [sflag:$0x4] =	stream.indirect.gather [hbm4b:s5+s0], $0x80, s11, s0, $0xb8;
	[tilespmem:$0x1D800] =	vst v63  }
0x13d: {  	_ = 	snop  }
0x13e: {  	[spmem:s2] =	stream.indirect.scatter.add.f32 [tilespmem:s1], [sflag:$0x5], $0x80, s13, s0, $0xb8;
	[tilespmem:$0x1D800] =	vst v63  }
0x13f: {  	_ =	swait.ge [sflag:s30], $0x4000  }
0x140: {  	[sflag:s30] =	ssyncset.done $0x0  }
0x141: {  	[sflag:s30] =	ssyncadd.s32 $0xFFFFC000  }
0x142: {  	_ =	swait.ge [sflag:s14], $0x4000  }
0x143: {  	[sflag:s14] =	ssyncset.done $0x0  }
0x144: {  	[sflag:s14] =	ssyncadd.s32 $0xFFFFC000  }
0x145: {  	[spmem:s2] =	stream.indirect.scatter.add.f32 [tilespmem:s12], [sflag:$0x5], $0x80, s15, s0, $0xb8;
	[tilespmem:$0x1D800] =	vst v63  }
0x146: {  	_ =	swait.ge [sflag:s30], $0x4000  }
0x147: {  	[sflag:s30] =	ssyncset.done $0x0  }
0x148: {  	[sflag:s30] =	ssyncadd.s32 $0xFFFFC000  }
0x149: {  	[bflag:$0x0] =	sbarrier.arrive $0xFFFF  }
0x14a: {  	[tilespmem:s29], [sflag:$0x5] =	stream.linear.gather [spmem:s9], $0x1400, $0x38;
	[tilespmem:$0x1D800] =	vst v63  }
0x14b: {  	_ =	swait.ge [sflag:s30], $0x1400  }
0x14c: {  	[sflag:s30] =	ssyncset.done $0x0  }
0x14d: {  	s19 =	sadd.s32 $0x0, s24;
	[sflag:s30] =	ssyncadd.s32 $0xFFFFEC00  }
0x14e: {  	[hbm4b:s19+s3] =	stream.linear.scatter [tilespmem:s29], [sflag:$0x5], $0x1400, $0x38;
	[tilespmem:$0x1D800] =	vst v63  }
0x14f: {  	_ =	swait.ge [sflag:s30], $0x1400  }
0x150: {  	s17 =	simm.s32 $0x280;
	s18 =	smov.u32 s9;
	[sflag:s30] =	ssyncset.done $0x0  }
.LBB2_4:
0x151: {  	p0 =	sne.s32 s17, $0x2580;
	[sflag:s30] =	ssyncadd.s32 $0xFFFFEC00;
	s18 =	sadd.s32 $0x1400, s18  }
0x152: {  	[tilespmem:s29], [sflag:$0x5] =	stream.linear.gather [spmem:s18], $0x1400, $0x38;
	[tilespmem:$0x1D800] =	vst v63  }
0x153: {  	s6 =	smov.u32 s17;
	s17 =	sadd.s32 $0x280, s17;
	_ =	swait.ge [sflag:s30], $0x1400  }
.Ltmp1:
0x154: {  	[sflag:s30] =	ssyncset.done $0x0;
	(pc) =	sbr.rel @p0 .LBB2_4-.Ltmp1, $4  }
0x155: {  	s6 =	sadd.s32 s6, s24;
	[sflag:s30] =	ssyncadd.s32 $0xFFFFEC00  }
0x156: {  	[hbm4b:s6+s3] =	stream.linear.scatter [tilespmem:s29], [sflag:$0x5], $0x1400, $0x38;
	[tilespmem:$0x1D800] =	vst v63  }
0x157: {  	_ =	swait.ge [sflag:s30], $0x1400  }
0x158: {  	[sflag:s30] =	ssyncset.done $0x0  }
0x159: {  	s16 =	sadd.s32 $0x1, s16;
	s6 =	rddreg [dreg:$0x6]  }
0x15a: {  	p0 =	sne.s32 s16, s6  }
.Ltmp2:
0x15b: {  	_ = 	snop;
	(pc) =	sbr.rel @p0 .LBB2_1-.Ltmp2, $2  }
0x15c: {  	_ =	sdelay $0x2  }
0x15d: {  	[sflag:s30] =	ssyncadd.s32 $0xFFFFEC00  }
0x15e: {  	_ =	sfence.sel $0x180000  }
0x15f: {  	[bflag:$0x0] =	sbarrier.arrive $0xFFFF  }
0x160: {  	_ =	strace $0x9000004A  }
0x161: {  	s0 =	stileid.u32;
	[bflag:$0x2] =	sbarrier.arrive $0xFFFF  }
0x162: {  	p0 =	sne.s32 s0, $0x0;
	s0 =	rddreg [dreg:$0x3]  }
0x163: {  	s0 =	sadd.s32 @!p0 $0x100000, s0  }
0x164: {  	[sflag:s0] =	ssyncadd.tile.s32 @!p0 $0x1;
	_ =	shalt  }
.Lfunc_end2:
_tile_overlayer_lowered:
.L_overlay_start_2:
0x165: {  	(tag) =	ssettag $0x2  }
0x166: {  	s0 =	rddreg [dreg:$0x0];
	s2 =	stileid.u32  }
0x167: {  	s1 =	rddreg [dreg:$0x1];
	p0 =	sne.s32 s2, $0x0  }
0x168: {  	s3 =	rddreg [dreg:$0x2];
	[bflag:$0x3] =	sbarrier.arrive $0xFFFF;
	s2 =	simm.s32 @!p0 $0x1C05  }
0x169: {  	[timem:s3], [sflag:s2] =	dma.local @!p0 [hbm:s0], s1  }
0x16a: {  	s0 =	simm.s32 @!p0 $0x5  }
0x16b: {  	_ =	swait.ge @!p0 [sflag:s0], s1  }
0x16c: {  	s1 =	ssub.s32 @!p0 $0x0, s1;
	[sflag:s0] =	ssyncset.done @!p0 $0x0  }
0x16d: {  	[sflag:s0] =	ssyncadd.s32 @!p0 s1  }
0x16e: {  	[bflag:$0x3] =	sbarrier.arrive $0xFFFF  }
0x16f: {  	_ =	shalt  }

// kernel: kernel.7.cloned.1.call-start
scs
__scs_entry_jumppad:
0x0: {  	(pc) =	sbr.rel $0x88, $3  }
0x1: {  	(tag) =	ssettag $0x0;
	lr =	simm.s32 $0x1  }
0x2: {  	[smem:$0x3F9A] =	sst lr;
	_ =	strace $0xD0000000  }
0x3: {  	_ = 	snop  }
0x4: {  	_ = 	snop  }
0x5: {  	_ = 	snop  }
0x6: {  	_ = 	snop  }
0x7: {  	_ = 	snop  }
__scs_overlays_trampoline_lowered:
0x8: {  	[smem:$0x3FA9] =	sst s0  }
0x9: {  	[smem:$0x3FAA] =	sst s1  }
0xa: {  	[smem:$0x3FAB] =	sst s2  }
0xb: {  	[smem:$0x3FAC] =	sst s3  }
0xc: {  	[smem:$0x3FAD] =	sst s4  }
0xd: {  	[smem:$0x3FAE] =	sst s5  }
0xe: {  	[smem:$0x3FAF] =	sst s6  }
0xf: {  	[smem:$0x3FB0] =	sst s7  }
0x10: {  	[smem:$0x3FB1] =	sst s8  }
0x11: {  	[smem:$0x3FB2] =	sst s9;
	s0 =	simm.s32 @!p0 $0x0  }
0x12: {  	s1 =	sld [smem:$0x3F98];
	s0 =	simm.s32 @p0 $0x1  }
0x13: {  	[smem:$0x3FB3] =	sst s0;
	s0 =	simm.s32 @!p1 $0x0  }
0x14: {  	s2 =	sld [smem:$0x3F97];
	s0 =	simm.s32 @p1 $0x1  }
0x15: {  	[smem:$0x3FB4] =	sst s0;
	s0 =	simm.s32 @!p2 $0x0  }
0x16: {  	s3 =	sld [smem:$0x3FDB];
	s0 =	simm.s32 @p2 $0x1  }
0x17: {  	s4 =	simm.s32 $0x1BF5;
	[smem:$0x3FB6] =	sst s0  }
0x18: {  	s0 =	sld [smem:$0x3F99];
	_ =	swait.ge [sflag:s4], $0x0  }
0x19: {  	s7 =	sld [smem:$0x3F9A]  }
0x1a: {  	s8 =	sadd.s32 $0xFFFFE003, lr  }
0x1b: {  	s9 =	sadd.s32 $0xFFFFFEF7, lr;
	s5 =	simm.s32 $0xFFFFFFFF;
	p2 =	slt.u32 s8, $0xFFFFF086  }
0x1c: {  	p1 =	slt.u32 s9, $0xF7A;
	s5 =	simm.s32 @!p2 $0x0  }
0x1d: {  	s5 =	simm.s32 @p1 $0x1;
	p0 =	seq.s32 s7, s2  }
0x1e: {  	s7 =	smul.u32 @!p0 $0xF7A, s2;
	p2 =	seq.s32 @!p0 s5, $0x0  }
0x1f: {  	s9 =	smul.u32 $0xF7A, s1;
	s8 =	simm.s32 @!p0 $0x1BF5;
	p2 =	por !p2, p0  }
0x20: {  	[sflag:s8] =	ssyncset.s32 @!p0 $0xFFFFF086;
	s6 =	sadd.s32 @!p0 s3, s7;
	s7 =	simm.s32 @!p0 $0x108  }
0x21: {  	s3 =	sadd.s32 s3, s9;
	s6 =	sadd.s32 @!p0 $0x88, s6;
	s7 =	simm.s32 @p2 $0x1082  }
0x22: {  	[simem:s7], [sflag:s8] =	dma.local @!p0 [hbm:s6], $0xF7A  }
0x23: {  	s9 =	sor.u32 $0xD0000000, s2;
	s6 =	simm.s32 $0x108;
	_ =	swait.ge @!p0 [sflag:s8], $0x0  }
0x24: {  	s3 =	sadd.s32 $0x88, s3;
	s6 =	simm.s32 @!p1 $0x1082;
	[sflag:s4] =	ssyncset.s32 $0xFFFFF086  }
0x25: {  	[simem:s6], [sflag:s4] =	dma.local [hbm:s3], $0xF7A  }
0x26: {  	[smem:$0x3F9A] =	sst s1;
	(tag) =	ssettag s2;
	_ =	strace s9  }
0x27: {  	s1 =	sld [smem:$0x3FAA]  }
0x28: {  	s2 =	sld [smem:$0x3FAB]  }
0x29: {  	s4 =	sld [smem:$0x3FAD]  }
0x2a: {  	p0 =	seq.s32 s5, $0x0;
	s5 =	sld [smem:$0x3FAE]  }
0x2b: {  	s6 =	sld [smem:$0x3FAF]  }
0x2c: {  	s7 =	sld [smem:$0x3FB0]  }
0x2d: {  	s3 =	simm.s32 $0x108;
	s8 =	sld [smem:$0x3FB1]  }
0x2e: {  	s3 =	simm.s32 @!p0 $0x1082;
	s9 =	sld [smem:$0x3FB2]  }
0x2f: {  	lr =	sadd.s32 s0, s3;
	s0 =	sld [smem:$0x3FA9]  }
0x30: {  	s3 =	sld [smem:$0x3FAC]  }
0x31: {  	[smem:$0x3FB5] =	sst s10  }
0x32: {  	s10 =	sld [smem:$0x3FB3];
	_ =	sdelay $0x3  }
0x33: {  	p0 =	seq.s32 s10, $0x1;
	s10 =	sld [smem:$0x3FB5];
	_ =	sdelay $0x3  }
0x34: {  	[smem:$0x3FB5] =	sst s10  }
0x35: {  	s10 =	sld [smem:$0x3FB4];
	_ =	sdelay $0x3  }
0x36: {  	p1 =	seq.s32 s10, $0x1;
	s10 =	sld [smem:$0x3FB5];
	_ =	sdelay $0x3  }
0x37: {  	[smem:$0x3FB5] =	sst s10  }
0x38: {  	s10 =	sld [smem:$0x3FB6]  }
0x39: {  	_ = 	snop;
	(pc) =	sbr.ind lr, $3  }
0x3a: {  	_ = 	snop  }
0x3b: {  	_ = 	snop  }
0x3c: {  	p2 =	seq.s32 s10, $0x1;
	s10 =	sld [smem:$0x3FB5]  }
0x3d: {  	_ =	shalt  }
0x3e: {  	_ =	shalt  }
0x3f: {  	_ =	shalt  }
0x40: {  	_ =	shalt  }
0x41: {  	_ =	shalt  }
0x42: {  	_ =	shalt  }
0x43: {  	_ =	shalt  }
0x44: {  	_ =	shalt  }
0x45: {  	_ =	shalt  }
0x46: {  	_ =	shalt  }
0x47: {  	_ =	shalt  }
0x48: {  	_ =	shalt  }
0x49: {  	_ =	shalt  }
0x4a: {  	_ =	shalt  }
0x4b: {  	_ =	shalt  }
0x4c: {  	_ =	shalt  }
0x4d: {  	_ =	shalt  }
0x4e: {  	_ =	shalt  }
0x4f: {  	_ =	shalt  }
0x50: {  	_ =	shalt  }
0x51: {  	_ =	shalt  }
0x52: {  	_ =	shalt  }
0x53: {  	_ =	shalt  }
0x54: {  	_ =	shalt  }
0x55: {  	_ =	shalt  }
0x56: {  	_ =	shalt  }
0x57: {  	_ =	shalt  }
0x58: {  	_ =	shalt  }
0x59: {  	_ =	shalt  }
0x5a: {  	_ =	shalt  }
0x5b: {  	_ =	shalt  }
0x5c: {  	_ =	shalt  }
0x5d: {  	_ =	shalt  }
0x5e: {  	_ =	shalt  }
0x5f: {  	_ =	shalt  }
0x60: {  	_ =	shalt  }
0x61: {  	_ =	shalt  }
0x62: {  	_ =	shalt  }
0x63: {  	_ =	shalt  }
0x64: {  	_ =	shalt  }
0x65: {  	_ =	shalt  }
0x66: {  	_ =	shalt  }
0x67: {  	_ =	shalt  }
0x68: {  	_ =	shalt  }
0x69: {  	_ =	shalt  }
0x6a: {  	_ =	shalt  }
0x6b: {  	_ =	shalt  }
0x6c: {  	_ =	shalt  }
0x6d: {  	_ =	shalt  }
0x6e: {  	_ =	shalt  }
0x6f: {  	_ =	shalt  }
0x70: {  	_ =	shalt  }
0x71: {  	_ =	shalt  }
0x72: {  	_ =	shalt  }
0x73: {  	_ =	shalt  }
0x74: {  	_ =	shalt  }
0x75: {  	_ =	shalt  }
0x76: {  	_ =	shalt  }
0x77: {  	_ =	shalt  }
0x78: {  	_ =	shalt  }
0x79: {  	_ =	shalt  }
0x7a: {  	_ =	shalt  }
0x7b: {  	_ =	shalt  }
0x7c: {  	_ =	shalt  }
0x7d: {  	_ =	shalt  }
0x7e: {  	_ =	shalt  }
0x7f: {  	_ =	shalt  }
0x80: {  	_ =	shalt  }
0x81: {  	_ =	shalt  }
0x82: {  	_ =	shalt  }
0x83: {  	_ =	shalt  }
0x84: {  	_ =	shalt  }
0x85: {  	_ =	shalt  }
0x86: {  	_ =	shalt  }
0x87: {  	_ =	shalt  }
.Lfunc_end0:
.L_simem_size_0:
called_computation_lowered:
.L_overlay_start_0:
0x88: {  	s2 =	sld [smem:$0x3FD9]  }
0x89: {  	s3 =	sld [smem:$0x3FFE];
	_ =	sdelay $0x1  }
0x8a: {  	s1 =	srdreg.scid  }
0x8b: {  	s0 =	sand.u32 $0x1, s1  }
0x8c: {  	s17 =	sshll.u32 s0, $0xA;
	s2 =	sadd.s32 s3, s2  }
0x8d: {  	s2 =	sadd.s32 s2, s17  }
0x8e: {  	[smem:$0x3FC1] =	sst s2  }
0x8f: {  	_ = 	snop  }
0x90: {  	s2 =	sld [smem:$0x3FD0];
	(tm) =	ssettm $0x1  }
0x91: {  	s18 =	sld [smem:$0x3FFB];
	_ =	sdelay $0x3  }
0x92: {  	_ =	strace s18  }
0x93: {  	s3 =	sld [smem:$0x3FFC];
	_ =	sdelay $0x3  }
0x94: {  	_ =	strace s3  }
0x95: {  	s3 =	sld [smem:$0x3FFD];
	_ =	sdelay $0x3  }
0x96: {  	_ =	strace s3  }
0x97: {  	_ =	strace $0x8FFFFFFF  }
0x98: {  	s19 =	sld [smem:$0x3FDB];
	_ =	sdelay $0x1  }
0x99: {  	s4 =	simm.s32 $_scs_section_size  }
0x9a: {  	s5 =	simm.s32 $_size__tile_overlayer_lowered;
	s6 =	simm.s32 $_tile_overlayer_lowered  }
0x9b: {  	s22 =	simm.s32 $0x1BFF;
	s21 =	sshll.u32 s6, $0x1;
	s3 =	sadd.s32 s4, s19  }
0x9c: {  	s7 =	simm.s32 $0x0;
	s20 =	sshll.u32 s5, $0x1;
	s5 =	sadd.s32 s21, s3  }
0x9d: {  	[timem:s7], [sflag:s22] =	dma.local [hbm:s5], s20  }
0x9e: {  	_ =	swait.ge [sflag:s22], s20  }
0x9f: {  	s4 =	ssub.s32 $0x0, s20;
	[sflag:s22] =	ssyncset.done $0x0  }
0xa0: {  	[sflag:s22] =	ssyncadd.s32 s4;
	_ =	sdelay $0x1  }
0xa1: {  	s23 =	simm.s32 $0x1B8B  }
0xa2: {  	_ =	swait.ge [sflag:s23], $0x1  }
0xa3: {  	[sflag:s23] =	ssyncset.done $0x0  }
0xa4: {  	s25 =	simm.s32 $0x1B8E;
	s24 =	sld [smem:$0x3FFE];
	[sflag:s23] =	ssyncadd.s32 $0xFFFFFFFF  }
0xa5: {  	s26 =	simm.s32 $execute0_lowered;
	[smem:$0x3FD2] =	sst s25  }
0xa6: {  	s5 =	sshll.u32 s26, $0x1;
	_ =	strace $0x80000046;
	[dreg:$0x1] =	wrdreg $0xFFFFFFFF  }
0xa7: {  	s28 =	simm.s32 $_size_execute0_lowered;
	s3 =	sadd.s32 s3, s5;
	[dreg:$0x0] =	wrdreg $0x0  }
0xa8: {  	s5 =	sshll.u32 s28, $0x1;
	[dreg:$0x2] =	wrdreg s3  }
0xa9: {  	[dreg:$0x3] =	wrdreg s5  }
0xaa: {  	[dreg:$0x4] =	wrdreg $0xC0  }
0xab: {  	_ =	task [dreg:s7], $0x5FFFF  }
0xac: {  	[dreg:$0x1] =	wrdreg $0xFFFFFFFF  }
0xad: {  	[dreg:$0x0] =	wrdreg $0x60  }
0xae: {  	[dreg:$0x2] =	wrdreg s24  }
0xaf: {  	[dreg:$0x3] =	wrdreg s2  }
0xb0: {  	[dreg:$0x4] =	wrdreg $0x58000  }
0xb1: {  	[dreg:$0x5] =	wrdreg $0x9  }
0xb2: {  	_ =	task.clear_ibuf [dreg:s7], $0x6FFFF;
	_ =	strace $0x90000046  }
0xb3: {  	s29 =	simm.s32 $0x9;
	_ =	strace $0x80000048  }
0xb4: {  	_ =	swait.ge [sflag:s29], $0x1  }
0xb5: {  	[sflag:s29] =	ssyncadd.s32 $0xFFFFFFFF  }
0xb6: {  	_ =	strace $0x90000048  }
0xb7: {  	_ =	sfence  }
0xb8: {  	s30 =	sld [smem:$0x0];
	_ =	sdelay $0x2  }
0xb9: {  	s31 =	sshll.u32 s1, $0xD;
	s1 =	sshrl.u32 s1, $0x2  }
0xba: {  	s3 =	sand.u32 $0x4000, s31;
	s1 =	sadd.s32 s1, s30  }
0xbb: {  	s0 =	sor.u32 s3, s0;
	s1 =	sshll.u32 s1, $0x11  }
0xbc: {  	s0 =	sor.u32 s1, s0  }
0xbd: {  	s0 =	sadd.s32 $0x8F2B, s0  }
0xbe: {  	[sflag:s0] =	ssyncadd.remote.s32 $0x1  }
0xbf: {  	_ =	sfence.sel $0xFFFF  }
0xc0: {  	[dreg:$0x0] =	wrdreg $0xFFFFFFFF;
	(pc) =	sbr.abs _section_cstart, $3  }
0xc1: {  	[dreg:$0x1] =	wrdreg $0xFFFFFFFF  }
0xc2: {  	_ =	task.clear_ibuf [dreg:s7], $0x2FFFF;
	_ =	strace $0x9FFFFFFF  }
0xc3: {  	(tm) =	ssettm $0x7FFFFFFF  }
tec
execute0_lowered:
.L_overlay_start_1:
0x0: {  	(tag) =	ssettag $0x1  }
0x1: {  	s0 =	rddreg [dreg:$0x0]  }
0x2: {  	s2 =	rddreg [dreg:$0x2];
	s1 =	srdreg.scid  }
0x3: {  	s4 =	simm.s32 $0x0;
	s10 =	stileid.u32;
	s29 =	simm.s32 $0x4400  }
0x4: {  	s30 =	simm.s32 $0x5;
	s31 =	simm.s32 $0x1;
	s9 =	smul.u32 $0x50000, s10  }
0x5: {  	s1 =	sand.u32 $0x1, s1;
	[smem:$0x7FF] =	sst s4;
	s17 =	smul.u32 $0xA000, s10  }
0x6: {  	s5 =	sadd.s32 $0x28E00, s0;
	s7 =	sadd.s32 $0xE00, s0;
	s25 =	smul.u32 $0x2800, s10  }
0x7: {  	s3 =	sshll.u32 s1, $0x4;
	s6 =	smul.u32 $0x28000, s1;
	s8 =	ssub.s32 $0x2, s1  }
0x8: {  	_ =	strace $0x80000047;
	s1 =	smul.u32 $0xA0000, s1;
	s26 =	sshrl.u32 s8, $0x1  }
0x9: {  	s3 =	sor.u32 s10, s3;
	s12 =	sshrl.u32 s9, $0x2;
	s8 =	ssub.s32 s8, s26  }
0xa: {  	s10 =	simm.s32 $0x3;
	s9 =	sadd.s32 s12, s2;
	s13 =	smax.u32 s8, $0x1  }
0xb: {  	s3 =	smul.u32 $0xA000, s3;
	s14 =	sadd.s32 $0x2800, s9;
	[dreg:$0x6] =	wrdreg s13  }
0xc: {  	s0 =	sadd.s32 s6, s0;
	s15 =	sadd.s32 $0x3C00, s9;
	[dreg:$0x8] =	wrdreg s14  }
0xd: {  	s1 =	sadd.s32 s17, s1;
	s16 =	sadd.s32 $0x5000, s9;
	[dreg:$0x9] =	wrdreg s15  }
0xe: {  	s12 =	simm.s32 $0x2400;
	s18 =	sadd.s32 $0x6400, s9;
	[dreg:$0xa] =	wrdreg s16  }
0xf: {  	s19 =	sadd.s32 $0x7800, s9;
	s20 =	sadd.s32 $0x8C00, s9;
	[dreg:$0xb] =	wrdreg s18  }
0x10: {  	s21 =	sadd.s32 $0xA000, s9;
	s22 =	sadd.s32 $0xB400, s9;
	[dreg:$0xc] =	wrdreg s19  }
0x11: {  	s23 =	sadd.s32 $0xC800, s9;
	s24 =	sor.u32 $0x300, s1;
	[dreg:$0xd] =	wrdreg s20  }
0x12: {  	s1 =	sor.u32 $0x200, s1;
	s26 =	sadd.s32 $0xDC00, s9;
	[dreg:$0xe] =	wrdreg s21  }
0x13: {  	s0 =	sadd.s32 s25, s0;
	s28 =	sadd.s32 $0x12C00, s9;
	[dreg:$0xf] =	wrdreg s22  }
0x14: {  	s8 =	simm.s32 $0x2;
	s3 =	sshrl.u32 s3, $0x3;
	[dreg:$0x10] =	wrdreg s23  }
0x15: {  	s1 =	sshrl.u32 s1, $0x3;
	[dreg:$0x11] =	wrdreg s26;
	s23 =	sadd.s32 $0xF000, s9  }
0x16: {  	s25 =	sadd.s32 $0xC5200, s0;
	s26 =	sadd.s32 $0x11800, s9;
	s0 =	simm.s32 $0x40  }
0x17: {  	s13 =	simm.s32 $0x300;
	s14 =	simm.s32 $0x4;
	s15 =	simm.s32 $0x380  }
0x18: {  	s16 =	simm.s32 $0x0;
	s11 =	sadd.s32 s7, s3;
	s3 =	sadd.s32 $0x1400, s9  }
0x19: {  	s22 =	sadd.s32 s1, s7;
	s1 =	simm.s32 $0x400;
	[dreg:$0x4] =	wrdreg s11  }
0x1a: {  	s6 =	sadd.s32 $0x20, s11;
	[dreg:$0x7] =	wrdreg s3;
	s3 =	sshrl.u32 s24, $0x3  }
0x1b: {  	s24 =	sadd.s32 $0x10400, s9;
	s11 =	simm.s32 $0x280;
	[dreg:$0x5] =	wrdreg s6  }
0x1c: {  	s21 =	sadd.s32 s3, s7;
	s3 =	simm.s32 $0x200;
	s7 =	simm.s32 $0x100  }
.LBB2_1:
0x1d: {  	s6 =	rddreg [dreg:$0x1]  }
0x1e: {  	[tilespmem:s29], [sflag:$0x5] =	stream.linear.gather [hbm4b:s6+s4], $0x1400, $0x38;
	[tilespmem:$0x19800] =	vst v63  }
0x1f: {  	_ =	swait.ge [sflag:s30], $0x1400  }
0x20: {  	[sflag:s30] =	ssyncset.done $0x0  }
0x21: {  	[sflag:s30] =	ssyncadd.s32 $0xFFFFEC00  }
0x22: {  	[spmem:s9] =	stream.linear.scatter [tilespmem:s29], [sflag:$0x5], $0x1400, $0x38;
	[tilespmem:$0x19800] =	vst v63  }
0x23: {  	_ =	swait.ge [sflag:s30], $0x1400  }
0x24: {  	[sflag:s30] =	ssyncset.done $0x0  }
0x25: {  	s20 =	rddreg [dreg:$0x7];
	[sflag:s30] =	ssyncadd.s32 $0xFFFFEC00  }
0x26: {  	[spmem:s20] =	stream.linear.scatter [tilespmem:s29], [sflag:$0x5], $0x1400, $0x38;
	[tilespmem:$0x19800] =	vst v63  }
0x27: {  	_ =	swait.ge [sflag:s30], $0x1400  }
0x28: {  	[sflag:s30] =	ssyncset.done $0x0  }
0x29: {  	s17 =	rddreg [dreg:$0x8];
	[sflag:s30] =	ssyncadd.s32 $0xFFFFEC00  }
0x2a: {  	[spmem:s17] =	stream.linear.scatter [tilespmem:s29], [sflag:$0x5], $0x1400, $0x38;
	[tilespmem:$0x19800] =	vst v63  }
0x2b: {  	_ =	swait.ge [sflag:s30], $0x1400  }
0x2c: {  	[sflag:s30] =	ssyncset.done $0x0  }
0x2d: {  	s18 =	rddreg [dreg:$0x9];
	[sflag:s30] =	ssyncadd.s32 $0xFFFFEC00  }
0x2e: {  	[spmem:s18] =	stream.linear.scatter [tilespmem:s29], [sflag:$0x5], $0x1400, $0x38;
	[tilespmem:$0x19800] =	vst v63  }
0x2f: {  	_ =	swait.ge [sflag:s30], $0x1400  }
0x30: {  	[sflag:s30] =	ssyncset.done $0x0  }
0x31: {  	s19 =	rddreg [dreg:$0xa];
	[sflag:s30] =	ssyncadd.s32 $0xFFFFEC00  }
0x32: {  	[spmem:s19] =	stream.linear.scatter [tilespmem:s29], [sflag:$0x5], $0x1400, $0x38;
	[tilespmem:$0x19800] =	vst v63  }
0x33: {  	_ =	swait.ge [sflag:s30], $0x1400  }
0x34: {  	[sflag:s30] =	ssyncset.done $0x0  }
0x35: {  	s20 =	rddreg [dreg:$0xb];
	[sflag:s30] =	ssyncadd.s32 $0xFFFFEC00  }
0x36: {  	[spmem:s20] =	stream.linear.scatter [tilespmem:s29], [sflag:$0x5], $0x1400, $0x38;
	[tilespmem:$0x19800] =	vst v63  }
0x37: {  	_ =	swait.ge [sflag:s30], $0x1400  }
0x38: {  	[sflag:s30] =	ssyncset.done $0x0  }
0x39: {  	s17 =	rddreg [dreg:$0xc];
	[sflag:s30] =	ssyncadd.s32 $0xFFFFEC00  }
0x3a: {  	[spmem:s17] =	stream.linear.scatter [tilespmem:s29], [sflag:$0x5], $0x1400, $0x38;
	[tilespmem:$0x19800] =	vst v63  }
0x3b: {  	_ =	swait.ge [sflag:s30], $0x1400  }
0x3c: {  	[sflag:s30] =	ssyncset.done $0x0  }
0x3d: {  	s18 =	rddreg [dreg:$0xd];
	[sflag:s30] =	ssyncadd.s32 $0xFFFFEC00  }
0x3e: {  	[spmem:s18] =	stream.linear.scatter [tilespmem:s29], [sflag:$0x5], $0x1400, $0x38;
	[tilespmem:$0x19800] =	vst v63  }
0x3f: {  	_ =	swait.ge [sflag:s30], $0x1400  }
0x40: {  	[sflag:s30] =	ssyncset.done $0x0  }
0x41: {  	s19 =	rddreg [dreg:$0xe];
	[sflag:s30] =	ssyncadd.s32 $0xFFFFEC00  }
0x42: {  	[spmem:s19] =	stream.linear.scatter [tilespmem:s29], [sflag:$0x5], $0x1400, $0x38;
	[tilespmem:$0x19800] =	vst v63  }
0x43: {  	_ =	swait.ge [sflag:s30], $0x1400  }
0x44: {  	[sflag:s30] =	ssyncset.done $0x0  }
0x45: {  	s20 =	rddreg [dreg:$0xf];
	[sflag:s30] =	ssyncadd.s32 $0xFFFFEC00  }
0x46: {  	[spmem:s20] =	stream.linear.scatter [tilespmem:s29], [sflag:$0x5], $0x1400, $0x38;
	[tilespmem:$0x19800] =	vst v63  }
0x47: {  	_ =	swait.ge [sflag:s30], $0x1400  }
0x48: {  	[sflag:s30] =	ssyncset.done $0x0  }
0x49: {  	s17 =	rddreg [dreg:$0x10];
	[sflag:s30] =	ssyncadd.s32 $0xFFFFEC00  }
0x4a: {  	[spmem:s17] =	stream.linear.scatter [tilespmem:s29], [sflag:$0x5], $0x1400, $0x38;
	[tilespmem:$0x19800] =	vst v63  }
0x4b: {  	_ =	swait.ge [sflag:s30], $0x1400  }
0x4c: {  	[sflag:s30] =	ssyncset.done $0x0  }
0x4d: {  	s18 =	rddreg [dreg:$0x11];
	[sflag:s30] =	ssyncadd.s32 $0xFFFFEC00  }
0x4e: {  	[spmem:s18] =	stream.linear.scatter [tilespmem:s29], [sflag:$0x5], $0x1400, $0x38;
	[tilespmem:$0x19800] =	vst v63  }
0x4f: {  	_ =	swait.ge [sflag:s30], $0x1400  }
0x50: {  	[sflag:s30] =	ssyncset.done $0x0  }
0x51: {  	[sflag:s30] =	ssyncadd.s32 $0xFFFFEC00  }
0x52: {  	[spmem:s23] =	stream.linear.scatter [tilespmem:s29], [sflag:$0x5], $0x1400, $0x38;
	[tilespmem:$0x19800] =	vst v63  }
0x53: {  	_ =	swait.ge [sflag:s30], $0x1400  }
0x54: {  	[sflag:s30] =	ssyncset.done $0x0  }
0x55: {  	[sflag:s30] =	ssyncadd.s32 $0xFFFFEC00  }
0x56: {  	[spmem:s24] =	stream.linear.scatter [tilespmem:s29], [sflag:$0x5], $0x1400, $0x38;
	[tilespmem:$0x19800] =	vst v63  }
0x57: {  	_ =	swait.ge [sflag:s30], $0x1400  }
0x58: {  	[sflag:s30] =	ssyncset.done $0x0  }
0x59: {  	[sflag:s30] =	ssyncadd.s32 $0xFFFFEC00  }
0x5a: {  	[spmem:s26] =	stream.linear.scatter [tilespmem:s29], [sflag:$0x5], $0x1400, $0x38;
	[tilespmem:$0x19800] =	vst v63  }
0x5b: {  	_ =	swait.ge [sflag:s30], $0x1400  }
0x5c: {  	[sflag:s30] =	ssyncset.done $0x0  }
0x5d: {  	[sflag:s30] =	ssyncadd.s32 $0xFFFFEC00  }
0x5e: {  	[spmem:s28] =	stream.linear.scatter [tilespmem:s29], [sflag:$0x5], $0x1400, $0x38;
	[tilespmem:$0x19800] =	vst v63  }
0x5f: {  	_ =	swait.ge [sflag:s30], $0x1400  }
0x60: {  	[sflag:s30] =	ssyncset.done $0x0  }
0x61: {  	[sflag:s30] =	ssyncadd.s32 $0xFFFFEC00  }
0x62: {  	[bflag:$0x0] =	sbarrier.arrive $0xFFFF  }
0x63: {  	s19 =	rddreg [dreg:$0x4]  }
0x64: {  	[tilespmem:s4], [sflag:$0x1] =	stream.linear.gather [hbm4b:s19+s4], $0x100, $0x38;
	[tilespmem:$0x19800] =	vst v63  }
0x65: {  	_ =	swait.ge [sflag:s31], $0x100  }
0x66: {  	[sflag:s31] =	ssyncset.done $0x0  }
0x67: {  	[sflag:s31] =	ssyncadd.s32 $0xFFFFFF00  }
0x68: {  	v0 =	vld [tilespmem:$0x0]  }
0x69: {  	v1 =	vld [tilespmem:$0x40]  }
0x6a: {  	v2 =	vld [tilespmem:$0x80]  }
0x6b: {  	v3 =	vld [tilespmem:$0x10]  }
0x6c: {  	v4 =	vld [tilespmem:$0x50]  }
0x6d: {  	v5 =	vld [tilespmem:$0x90]  }
0x6e: {  	v6 =	vld [tilespmem:$0x60]  }
0x6f: {  	v31 =	vld [tilespmem:$0xA0]  }
0x70: {  	v34 =	vld [tilespmem:$0xB0]  }
0x71: {  	v8 =	vld [tilespmem:$0x70]  }
0x72: {  	v7 =	vld [tilespmem:$0x20];
	[tilespmem:$0x300] =	vst v2  }
0x73: {  	v32 =	vld [tilespmem:$0x30];
	v1 =	vmul.u32 $0x2710, v1;
	[tilespmem:$0x310] =	vst v5  }
0x74: {  	v30 =	vmul.u32 $0x2710, v4;
	[tilespmem:$0x320] =	vst v31  }
0x75: {  	v33 =	vmul.u32 $0x2710, v6;
	[tilespmem:$0x330] =	vst v34;
	v0 =	vadd.s32 v0, v1  }
0x76: {  	v35 =	vmul.u32 $0x2710, v8;
	v1 =	vadd.s32 v3, v30;
	[tilespmem:$0x200] =	vst v0  }
0x77: {  	v2 =	vadd.s32 v7, v33;
	[tilespmem:$0x210] =	vst v1  }
0x78: {  	[tilespmem:$0x220] =	vst v2;
	v0 =	vadd.s32 v32, v35  }
0x79: {  	[tilespmem:$0x230] =	vst v0  }
0x7a: {  	[tilespmem:s1], [sflag:$0x3] =	stream.indirect.gather [hbm4b:s5+s0], $0x80, s3, s0, $0xb8;
	[tilespmem:$0x19800] =	vst v63  }
0x7b: {  	s20 =	rddreg [dreg:$0x5]  }
0x7c: {  	[tilespmem:s7], [sflag:$0x2] =	stream.linear.gather [hbm4b:s20+s4], $0x100, $0x38;
	[tilespmem:$0x19800] =	vst v63  }
0x7d: {  	_ =	swait.ge [sflag:s8], $0x100  }
0x7e: {  	[sflag:s8] =	ssyncset.done $0x0  }
0x7f: {  	[sflag:s8] =	ssyncadd.s32 $0xFFFFFF00  }
0x80: {  	v36 =	vld [tilespmem:$0x130]  }
0x81: {  	v37 =	vld [tilespmem:$0x170]  }
0x82: {  	v38 =	vld [tilespmem:$0x120]  }
0x83: {  	v39 =	vld [tilespmem:$0x160]  }
0x84: {  	v40 =	vld [tilespmem:$0x140]  }
0x85: {  	v44 =	vld [tilespmem:$0x1A0]  }
0x86: {  	v46 =	vld [tilespmem:$0x190]  }
0x87: {  	v48 =	vld [tilespmem:$0x1B0]  }
0x88: {  	v49 =	vld [tilespmem:$0x180]  }
0x89: {  	v41 =	vld [tilespmem:$0x150]  }
0x8a: {  	v42 =	vld [tilespmem:$0x100];
	[tilespmem:$0x3A0] =	vst v44  }
0x8b: {  	v43 =	vld [tilespmem:$0x110];
	v1 =	vmul.u32 $0x2710, v37;
	[tilespmem:$0x390] =	vst v46  }
0x8c: {  	v3 =	vmul.u32 $0x2710, v39;
	[tilespmem:$0x3B0] =	vst v48  }
0x8d: {  	v45 =	vmul.u32 $0x2710, v40;
	[tilespmem:$0x380] =	vst v49;
	v0 =	vadd.s32 v36, v1  }
0x8e: {  	v47 =	vmul.u32 $0x2710, v41;
	v2 =	vadd.s32 v38, v3;
	[tilespmem:$0x2B0] =	vst v0  }
0x8f: {  	v1 =	vadd.s32 v42, v45;
	[tilespmem:$0x2A0] =	vst v2  }
0x90: {  	[tilespmem:$0x280] =	vst v1;
	v0 =	vadd.s32 v43, v47  }
0x91: {  	[tilespmem:$0x290] =	vst v0  }
0x92: {  	_ =	swait.ge [sflag:s10], $0x2000  }
0x93: {  	[sflag:s10] =	ssyncset.done $0x0  }
0x94: {  	[sflag:s10] =	ssyncadd.s32 $0xFFFFE000  }
0x95: {  	[tilespmem:s12], [sflag:$0x4] =	stream.indirect.gather [hbm4b:s5+s0], $0x80, s11, s0, $0xb8;
	[tilespmem:$0x19800] =	vst v63  }
0x96: {  	s17 =	sadd.s32 $0x0, s22  }
0x97: {  	[tilespmem:s4], [sflag:$0x1] =	stream.linear.gather [hbm4b:s17+s4], $0x100, $0x38;
	[tilespmem:$0x19800] =	vst v63  }
0x98: {  	_ = 	snop  }
0x99: {  	[spmem:s2] =	stream.indirect.scatter.add.f32 [tilespmem:s1], [sflag:$0x5], $0x80, s13, s0, $0xb8;
	[tilespmem:$0x19800] =	vst v63  }
0x9a: {  	_ =	swait.ge [sflag:s30], $0x2000  }
0x9b: {  	[sflag:s30] =	ssyncset.done $0x0  }
0x9c: {  	[sflag:s30] =	ssyncadd.s32 $0xFFFFE000  }
0x9d: {  	_ =	swait.ge [sflag:s31], $0x100  }
0x9e: {  	[sflag:s31] =	ssyncset.done $0x0  }
0x9f: {  	[sflag:s31] =	ssyncadd.s32 $0xFFFFFF00  }
0xa0: {  	v50 =	vld [tilespmem:$0x40]  }
0xa1: {  	v51 =	vld [tilespmem:$0x50]  }
0xa2: {  	v52 =	vld [tilespmem:$0x60]  }
0xa3: {  	v53 =	vld [tilespmem:$0x10]  }
0xa4: {  	v54 =	vld [tilespmem:$0x20]  }
0xa5: {  	v57 =	vld [tilespmem:$0x80]  }
0xa6: {  	v59 =	vld [tilespmem:$0x90]  }
0xa7: {  	v61 =	vld [tilespmem:$0xA0]  }
0xa8: {  	v62 =	vld [tilespmem:$0xB0]  }
0xa9: {  	v58 =	vld [tilespmem:$0x70]  }
0xaa: {  	v55 =	vld [tilespmem:$0x0];
	[tilespmem:$0x300] =	vst v57  }
0xab: {  	v56 =	vld [tilespmem:$0x30];
	v1 =	vmul.u32 $0x2710, v51;
	[tilespmem:$0x310] =	vst v59  }
0xac: {  	v2 =	vmul.u32 $0x2710, v52;
	[tilespmem:$0x320] =	vst v61  }
0xad: {  	v0 =	vmul.u32 $0x2710, v50;
	[tilespmem:$0x330] =	vst v62;
	v1 =	vadd.s32 v53, v1  }
0xae: {  	v63 =	vmul.u32 $0x2710, v58;
	v60 =	vadd.s32 v54, v2;
	[tilespmem:$0x210] =	vst v1  }
0xaf: {  	v0 =	vadd.s32 v55, v0;
	[tilespmem:$0x220] =	vst v60  }
0xb0: {  	[tilespmem:$0x200] =	vst v0;
	v1 =	vadd.s32 v56, v63  }
0xb1: {  	s18 =	simm.s32 $0x0;
	[tilespmem:$0x230] =	vst v1  }
0xb2: {  	s19 =	simm.s32 $0x80;
	s17 =	simm.s32 $0x40;
	_ =	swait.ge [sflag:s14], $0x2000  }
.LBB2_2:
0xb3: {  	p0 =	sne.s32 s19, $0x1380  }
0xb4: {  	[sflag:s14] =	ssyncset.done $0x0;
	s6 =	smov.u32 s19;
	s19 =	sadd.s32 $0x40, s19  }
0xb5: {  	[sflag:s14] =	ssyncadd.s32 $0xFFFFE000  }
0xb6: {  	[tilespmem:s1], [sflag:$0x3] =	stream.indirect.gather [hbm4b:s5+s0], $0x80, s3, s0, $0xb8;
	[tilespmem:$0x19800] =	vst v63  }
0xb7: {  	s20 =	sadd.s32 s18, s21;
	s18 =	smov.u32 s17;
	s17 =	smov.u32 s6  }
0xb8: {  	[tilespmem:s7], [sflag:$0x2] =	stream.linear.gather [hbm4b:s20+s4], $0x100, $0x38;
	[tilespmem:$0x19800] =	vst v63  }
0xb9: {  	_ = 	snop  }
0xba: {  	[spmem:s2] =	stream.indirect.scatter.add.f32 [tilespmem:s12], [sflag:$0x5], $0x80, s15, s0, $0xb8;
	[tilespmem:$0x19800] =	vst v63  }
0xbb: {  	_ =	swait.ge [sflag:s30], $0x2000  }
0xbc: {  	[sflag:s30] =	ssyncset.done $0x0  }
0xbd: {  	[sflag:s30] =	ssyncadd.s32 $0xFFFFE000  }
0xbe: {  	_ =	swait.ge [sflag:s8], $0x100  }
0xbf: {  	[sflag:s8] =	ssyncset.done $0x0  }
0xc0: {  	[sflag:s8] =	ssyncadd.s32 $0xFFFFFF00  }
0xc1: {  	v0 =	vld [tilespmem:$0x130]  }
0xc2: {  	v1 =	vld [tilespmem:$0x110]  }
0xc3: {  	v2 =	vld [tilespmem:$0x100]  }
0xc4: {  	v3 =	vld [tilespmem:$0x170]  }
0xc5: {  	v4 =	vld [tilespmem:$0x120]  }
0xc6: {  	v5 =	vld [tilespmem:$0x160]  }
0xc7: {  	v6 =	vld [tilespmem:$0x140]  }
0xc8: {  	v7 =	vld [tilespmem:$0x150]  }
0xc9: {  	v8 =	vld [tilespmem:$0x180];
	v3 =	vmul.u32 $0x2710, v3  }
0xca: {  	v9 =	vld [tilespmem:$0x1A0]  }
0xcb: {  	v10 =	vld [tilespmem:$0x190];
	v5 =	vmul.u32 $0x2710, v5;
	v0 =	vadd.s32 v0, v3  }
0xcc: {  	v3 =	vmul.u32 $0x2710, v6;
	v6 =	vld [tilespmem:$0x1B0];
	[tilespmem:$0x2B0] =	vst v0  }
0xcd: {  	v0 =	vmul.u32 $0x2710, v7;
	v4 =	vadd.s32 v4, v5  }
0xce: {  	v2 =	vadd.s32 v2, v3;
	[tilespmem:$0x2A0] =	vst v4  }
0xcf: {  	[tilespmem:$0x280] =	vst v2;
	v0 =	vadd.s32 v1, v0  }
0xd0: {  	[tilespmem:$0x290] =	vst v0  }
0xd1: {  	[tilespmem:$0x3A0] =	vst v9  }
0xd2: {  	[tilespmem:$0x390] =	vst v10  }
0xd3: {  	[tilespmem:$0x3B0] =	vst v6  }
0xd4: {  	[tilespmem:$0x380] =	vst v8  }
0xd5: {  	_ =	swait.ge [sflag:s10], $0x2000  }
0xd6: {  	[sflag:s10] =	ssyncset.done $0x0  }
0xd7: {  	[sflag:s10] =	ssyncadd.s32 $0xFFFFE000  }
0xd8: {  	[tilespmem:s12], [sflag:$0x4] =	stream.indirect.gather [hbm4b:s5+s0], $0x80, s11, s0, $0xb8;
	[tilespmem:$0x19800] =	vst v63  }
0xd9: {  	s6 =	sadd.s32 s18, s22  }
0xda: {  	[tilespmem:s4], [sflag:$0x1] =	stream.linear.gather [hbm4b:s6+s4], $0x100, $0x38;
	[tilespmem:$0x19800] =	vst v63  }
0xdb: {  	_ = 	snop  }
0xdc: {  	[spmem:s2] =	stream.indirect.scatter.add.f32 [tilespmem:s1], [sflag:$0x5], $0x80, s13, s0, $0xb8;
	[tilespmem:$0x19800] =	vst v63  }
0xdd: {  	_ =	swait.ge [sflag:s30], $0x2000  }
0xde: {  	[sflag:s30] =	ssyncset.done $0x0  }
0xdf: {  	[sflag:s30] =	ssyncadd.s32 $0xFFFFE000  }
0xe0: {  	_ =	swait.ge [sflag:s31], $0x100  }
0xe1: {  	[sflag:s31] =	ssyncset.done $0x0  }
0xe2: {  	[sflag:s31] =	ssyncadd.s32 $0xFFFFFF00  }
0xe3: {  	v0 =	vld [tilespmem:$0x40]  }
0xe4: {  	v1 =	vld [tilespmem:$0x50]  }
0xe5: {  	v2 =	vld [tilespmem:$0x60]  }
0xe6: {  	v3 =	vld [tilespmem:$0x10]  }
0xe7: {  	v4 =	vld [tilespmem:$0x20]  }
0xe8: {  	v5 =	vld [tilespmem:$0x0];
	v0 =	vmul.u32 $0x2710, v0  }
0xe9: {  	v1 =	vmul.u32 $0x2710, v1;
	v6 =	vld [tilespmem:$0x30]  }
0xea: {  	v7 =	vld [tilespmem:$0x80];
	v2 =	vmul.u32 $0x2710, v2  }
0xeb: {  	v1 =	vadd.s32 v3, v1;
	v3 =	vld [tilespmem:$0x70]  }
0xec: {  	v8 =	vld [tilespmem:$0x90];
	[tilespmem:$0x210] =	vst v1;
	v1 =	vadd.s32 v4, v2  }
0xed: {  	v0 =	vadd.s32 v5, v0;
	v2 =	vld [tilespmem:$0xA0];
	[tilespmem:$0x220] =	vst v1  }
0xee: {  	[tilespmem:$0x200] =	vst v0;
	v0 =	vld [tilespmem:$0xB0]  }
0xef: {  	[tilespmem:$0x300] =	vst v7  }
0xf0: {  	v1 =	vmul.u32 $0x2710, v3  }
.Ltmp0:
0xf1: {  	[tilespmem:$0x310] =	vst v8;
	(pc) =	sbr.rel @p0 .LBB2_2-.Ltmp0, $4  }
0xf2: {  	[tilespmem:$0x320] =	vst v2;
	v1 =	vadd.s32 v6, v1  }
0xf3: {  	[tilespmem:$0x230] =	vst v1  }
0xf4: {  	[tilespmem:$0x330] =	vst v0  }
0xf5: {  	_ =	swait.ge [sflag:s14], $0x2000  }
0xf6: {  	[sflag:s14] =	ssyncset.done $0x0  }
0xf7: {  	[sflag:s14] =	ssyncadd.s32 $0xFFFFE000  }
0xf8: {  	[tilespmem:s1], [sflag:$0x3] =	stream.indirect.gather [hbm4b:s5+s0], $0x80, s3, s0, $0xb8;
	[tilespmem:$0x19800] =	vst v63  }
0xf9: {  	s6 =	sadd.s32 s18, s21  }
0xfa: {  	[tilespmem:s7], [sflag:$0x2] =	stream.linear.gather [hbm4b:s6+s4], $0x100, $0x38;
	[tilespmem:$0x19800] =	vst v63  }
0xfb: {  	_ = 	snop  }
0xfc: {  	[spmem:s2] =	stream.indirect.scatter.add.f32 [tilespmem:s12], [sflag:$0x5], $0x80, s15, s0, $0xb8;
	[tilespmem:$0x19800] =	vst v63  }
0xfd: {  	_ =	swait.ge [sflag:s30], $0x2000  }
0xfe: {  	[sflag:s30] =	ssyncset.done $0x0  }
0xff: {  	[sflag:s30] =	ssyncadd.s32 $0xFFFFE000  }
0x100: {  	_ =	swait.ge [sflag:s8], $0x100  }
0x101: {  	[sflag:s8] =	ssyncset.done $0x0  }
0x102: {  	[sflag:s8] =	ssyncadd.s32 $0xFFFFFF00  }
0x103: {  	v0 =	vld [tilespmem:$0x130]  }
0x104: {  	v1 =	vld [tilespmem:$0x170]  }
0x105: {  	v2 =	vld [tilespmem:$0x120]  }
0x106: {  	v3 =	vld [tilespmem:$0x160]  }
0x107: {  	v4 =	vld [tilespmem:$0x140]  }
0x108: {  	v8 =	vld [tilespmem:$0x1A0]  }
0x109: {  	v31 =	vld [tilespmem:$0x190]  }
0x10a: {  	v33 =	vld [tilespmem:$0x1B0]  }
0x10b: {  	v34 =	vld [tilespmem:$0x180]  }
0x10c: {  	v5 =	vld [tilespmem:$0x150]  }
0x10d: {  	v6 =	vld [tilespmem:$0x100];
	[tilespmem:$0x3A0] =	vst v8  }
0x10e: {  	v7 =	vld [tilespmem:$0x110];
	v1 =	vmul.u32 $0x2710, v1;
	[tilespmem:$0x390] =	vst v31  }
0x10f: {  	v3 =	vmul.u32 $0x2710, v3;
	[tilespmem:$0x3B0] =	vst v33  }
0x110: {  	v30 =	vmul.u32 $0x2710, v4;
	[tilespmem:$0x380] =	vst v34;
	v0 =	vadd.s32 v0, v1  }
0x111: {  	v32 =	vmul.u32 $0x2710, v5;
	v2 =	vadd.s32 v2, v3;
	[tilespmem:$0x2B0] =	vst v0  }
0x112: {  	v1 =	vadd.s32 v6, v30;
	[tilespmem:$0x2A0] =	vst v2  }
0x113: {  	[tilespmem:$0x280] =	vst v1;
	v0 =	vadd.s32 v7, v32  }
0x114: {  	[tilespmem:$0x290] =	vst v0  }
0x115: {  	_ =	swait.ge [sflag:s10], $0x2000  }
0x116: {  	[sflag:s10] =	ssyncset.done $0x0  }
0x117: {  	[sflag:s10] =	ssyncadd.s32 $0xFFFFE000  }
0x118: {  	[tilespmem:s12], [sflag:$0x4] =	stream.indirect.gather [hbm4b:s5+s0], $0x80, s11, s0, $0xb8;
	[tilespmem:$0x19800] =	vst v63  }
0x119: {  	s18 =	sadd.s32 s17, s22  }
0x11a: {  	[tilespmem:s4], [sflag:$0x1] =	stream.linear.gather [hbm4b:s18+s4], $0x100, $0x38;
	[tilespmem:$0x19800] =	vst v63  }
0x11b: {  	_ = 	snop  }
0x11c: {  	[spmem:s2] =	stream.indirect.scatter.add.f32 [tilespmem:s1], [sflag:$0x5], $0x80, s13, s0, $0xb8;
	[tilespmem:$0x19800] =	vst v63  }
0x11d: {  	_ =	swait.ge [sflag:s30], $0x2000  }
0x11e: {  	[sflag:s30] =	ssyncset.done $0x0  }
0x11f: {  	[sflag:s30] =	ssyncadd.s32 $0xFFFFE000  }
0x120: {  	_ =	swait.ge [sflag:s31], $0x100  }
0x121: {  	[sflag:s31] =	ssyncset.done $0x0  }
0x122: {  	[sflag:s31] =	ssyncadd.s32 $0xFFFFFF00  }
0x123: {  	v35 =	vld [tilespmem:$0x40]  }
0x124: {  	v36 =	vld [tilespmem:$0x50]  }
0x125: {  	v37 =	vld [tilespmem:$0x60]  }
0x126: {  	v38 =	vld [tilespmem:$0x10]  }
0x127: {  	v39 =	vld [tilespmem:$0x20]  }
0x128: {  	v42 =	vld [tilespmem:$0x80]  }
0x129: {  	v44 =	vld [tilespmem:$0x90]  }
0x12a: {  	v46 =	vld [tilespmem:$0xA0]  }
0x12b: {  	v47 =	vld [tilespmem:$0xB0]  }
0x12c: {  	v43 =	vld [tilespmem:$0x70]  }
0x12d: {  	v40 =	vld [tilespmem:$0x0];
	[tilespmem:$0x300] =	vst v42  }
0x12e: {  	v41 =	vld [tilespmem:$0x30];
	v1 =	vmul.u32 $0x2710, v36;
	[tilespmem:$0x310] =	vst v44  }
0x12f: {  	v2 =	vmul.u32 $0x2710, v37;
	[tilespmem:$0x320] =	vst v46  }
0x130: {  	v0 =	vmul.u32 $0x2710, v35;
	[tilespmem:$0x330] =	vst v47;
	v1 =	vadd.s32 v38, v1  }
0x131: {  	v48 =	vmul.u32 $0x2710, v43;
	v45 =	vadd.s32 v39, v2;
	[tilespmem:$0x210] =	vst v1  }
0x132: {  	v0 =	vadd.s32 v40, v0;
	[tilespmem:$0x220] =	vst v45  }
0x133: {  	[tilespmem:$0x200] =	vst v0;
	v1 =	vadd.s32 v41, v48  }
0x134: {  	[tilespmem:$0x230] =	vst v1  }
0x135: {  	_ =	swait.ge [sflag:s14], $0x2000  }
0x136: {  	[sflag:s14] =	ssyncset.done $0x0  }
0x137: {  	[sflag:s14] =	ssyncadd.s32 $0xFFFFE000  }
0x138: {  	[tilespmem:s1], [sflag:$0x3] =	stream.indirect.gather [hbm4b:s5+s0], $0x80, s3, s0, $0xb8;
	[tilespmem:$0x19800] =	vst v63  }
0x139: {  	s19 =	sadd.s32 s17, s21  }
0x13a: {  	[tilespmem:s7], [sflag:$0x2] =	stream.linear.gather [hbm4b:s19+s4], $0x100, $0x38;
	[tilespmem:$0x19800] =	vst v63  }
0x13b: {  	_ = 	snop  }
0x13c: {  	[spmem:s2] =	stream.indirect.scatter.add.f32 [tilespmem:s12], [sflag:$0x5], $0x80, s15, s0, $0xb8;
	[tilespmem:$0x19800] =	vst v63  }
0x13d: {  	_ =	swait.ge [sflag:s30], $0x2000  }
0x13e: {  	[sflag:s30] =	ssyncset.done $0x0  }
0x13f: {  	[sflag:s30] =	ssyncadd.s32 $0xFFFFE000  }
0x140: {  	_ =	swait.ge [sflag:s8], $0x100  }
0x141: {  	[sflag:s8] =	ssyncset.done $0x0  }
0x142: {  	[sflag:s8] =	ssyncadd.s32 $0xFFFFFF00  }
0x143: {  	v49 =	vld [tilespmem:$0x100]  }
0x144: {  	v50 =	vld [tilespmem:$0x140]  }
0x145: {  	v51 =	vld [tilespmem:$0x180]  }
0x146: {  	v52 =	vld [tilespmem:$0x110]  }
0x147: {  	v53 =	vld [tilespmem:$0x150]  }
0x148: {  	v54 =	vld [tilespmem:$0x190]  }
0x149: {  	v55 =	vld [tilespmem:$0x160]  }
0x14a: {  	v59 =	vld [tilespmem:$0x1A0]  }
0x14b: {  	v62 =	vld [tilespmem:$0x1B0]  }
0x14c: {  	v57 =	vld [tilespmem:$0x170]  }
0x14d: {  	v56 =	vld [tilespmem:$0x120];
	[tilespmem:$0x380] =	vst v51  }
0x14e: {  	v60 =	vld [tilespmem:$0x130];
	v1 =	vmul.u32 $0x2710, v50;
	[tilespmem:$0x390] =	vst v54  }
0x14f: {  	v58 =	vmul.u32 $0x2710, v53;
	[tilespmem:$0x3A0] =	vst v59  }
0x150: {  	v61 =	vmul.u32 $0x2710, v55;
	[tilespmem:$0x3B0] =	vst v62;
	v0 =	vadd.s32 v49, v1  }
0x151: {  	v63 =	vmul.u32 $0x2710, v57;
	v1 =	vadd.s32 v52, v58;
	[tilespmem:$0x280] =	vst v0  }
0x152: {  	v2 =	vadd.s32 v56, v61;
	[tilespmem:$0x290] =	vst v1  }
0x153: {  	[tilespmem:$0x2A0] =	vst v2;
	v0 =	vadd.s32 v60, v63  }
0x154: {  	[tilespmem:$0x2B0] =	vst v0  }
0x155: {  	_ =	swait.ge [sflag:s10], $0x2000  }
0x156: {  	[sflag:s10] =	ssyncset.done $0x0  }
0x157: {  	[sflag:s10] =	ssyncadd.s32 $0xFFFFE000  }
0x158: {  	[tilespmem:s12], [sflag:$0x4] =	stream.indirect.gather [hbm4b:s5+s0], $0x80, s11, s0, $0xb8;
	[tilespmem:$0x19800] =	vst v63  }
0x159: {  	_ = 	snop  }
0x15a: {  	[spmem:s2] =	stream.indirect.scatter.add.f32 [tilespmem:s1], [sflag:$0x5], $0x80, s13, s0, $0xb8;
	[tilespmem:$0x19800] =	vst v63  }
0x15b: {  	_ =	swait.ge [sflag:s30], $0x2000  }
0x15c: {  	[sflag:s30] =	ssyncset.done $0x0  }
0x15d: {  	[sflag:s30] =	ssyncadd.s32 $0xFFFFE000  }
0x15e: {  	_ =	swait.ge [sflag:s14], $0x2000  }
0x15f: {  	[sflag:s14] =	ssyncset.done $0x0  }
0x160: {  	[sflag:s14] =	ssyncadd.s32 $0xFFFFE000  }
0x161: {  	[spmem:s2] =	stream.indirect.scatter.add.f32 [tilespmem:s12], [sflag:$0x5], $0x80, s15, s0, $0xb8;
	[tilespmem:$0x19800] =	vst v63  }
0x162: {  	_ =	swait.ge [sflag:s30], $0x2000  }
0x163: {  	[sflag:s30] =	ssyncset.done $0x0  }
0x164: {  	[sflag:s30] =	ssyncadd.s32 $0xFFFFE000  }
0x165: {  	[bflag:$0x0] =	sbarrier.arrive $0xFFFF  }
0x166: {  	[tilespmem:s29], [sflag:$0x5] =	stream.linear.gather [spmem:s9], $0x1400, $0x38;
	[tilespmem:$0x19800] =	vst v63  }
0x167: {  	_ =	swait.ge [sflag:s30], $0x1400  }
0x168: {  	[sflag:s30] =	ssyncset.done $0x0  }
0x169: {  	s20 =	sadd.s32 $0x0, s25;
	[sflag:s30] =	ssyncadd.s32 $0xFFFFEC00  }
0x16a: {  	[hbm4b:s20+s4] =	stream.linear.scatter [tilespmem:s29], [sflag:$0x5], $0x1400, $0x38;
	[tilespmem:$0x19800] =	vst v63  }
0x16b: {  	_ =	swait.ge [sflag:s30], $0x1400  }
0x16c: {  	s17 =	simm.s32 $0x280;
	s18 =	smov.u32 s9;
	[sflag:s30] =	ssyncset.done $0x0  }
.LBB2_4:
0x16d: {  	p0 =	sne.s32 s17, $0x2580;
	[sflag:s30] =	ssyncadd.s32 $0xFFFFEC00;
	s18 =	sadd.s32 $0x1400, s18  }
0x16e: {  	[tilespmem:s29], [sflag:$0x5] =	stream.linear.gather [spmem:s18], $0x1400, $0x38;
	[tilespmem:$0x19800] =	vst v63  }
0x16f: {  	s6 =	smov.u32 s17;
	s17 =	sadd.s32 $0x280, s17;
	_ =	swait.ge [sflag:s30], $0x1400  }
.Ltmp1:
0x170: {  	[sflag:s30] =	ssyncset.done $0x0;
	(pc) =	sbr.rel @p0 .LBB2_4-.Ltmp1, $4  }
0x171: {  	s6 =	sadd.s32 s6, s25;
	[sflag:s30] =	ssyncadd.s32 $0xFFFFEC00  }
0x172: {  	[hbm4b:s6+s4] =	stream.linear.scatter [tilespmem:s29], [sflag:$0x5], $0x1400, $0x38;
	[tilespmem:$0x19800] =	vst v63  }
0x173: {  	_ =	swait.ge [sflag:s30], $0x1400  }
0x174: {  	[sflag:s30] =	ssyncset.done $0x0  }
0x175: {  	s16 =	sadd.s32 $0x1, s16;
	s6 =	rddreg [dreg:$0x6]  }
0x176: {  	p0 =	sne.s32 s16, s6  }
.Ltmp2:
0x177: {  	_ = 	snop;
	(pc) =	sbr.rel @p0 .LBB2_1-.Ltmp2, $2  }
0x178: {  	_ =	sdelay $0x2  }
0x179: {  	[sflag:s30] =	ssyncadd.s32 $0xFFFFEC00  }
0x17a: {  	_ =	sfence.sel $0x180000  }
0x17b: {  	[bflag:$0x0] =	sbarrier.arrive $0xFFFF  }
0x17c: {  	_ =	strace $0x90000047  }
0x17d: {  	s0 =	stileid.u32;
	[bflag:$0x2] =	sbarrier.arrive $0xFFFF  }
0x17e: {  	p0 =	sne.s32 s0, $0x0;
	s0 =	rddreg [dreg:$0x3]  }
0x17f: {  	s0 =	sadd.s32 @!p0 $0x100000, s0  }
0x180: {  	[sflag:s0] =	ssyncadd.tile.s32 @!p0 $0x1;
	_ =	shalt  }
.Lfunc_end2:
_tile_overlayer_lowered:
.L_overlay_start_2:
0x181: {  	(tag) =	ssettag $0x2  }
0x182: {  	s0 =	rddreg [dreg:$0x0];
	s2 =	stileid.u32  }
0x183: {  	s1 =	rddreg [dreg:$0x1];
	p0 =	sne.s32 s2, $0x0  }
0x184: {  	s3 =	rddreg [dreg:$0x2];
	[bflag:$0x3] =	sbarrier.arrive $0xFFFF;
	s2 =	simm.s32 @!p0 $0x1C05  }
0x185: {  	[timem:s3], [sflag:s2] =	dma.local @!p0 [hbm:s0], s1  }
0x186: {  	s0 =	simm.s32 @!p0 $0x5  }
0x187: {  	_ =	swait.ge @!p0 [sflag:s0], s1  }
0x188: {  	s1 =	ssub.s32 @!p0 $0x0, s1;
	[sflag:s0] =	ssyncset.done @!p0 $0x0  }
0x189: {  	[sflag:s0] =	ssyncadd.s32 @!p0 s1  }
0x18a: {  	[bflag:$0x3] =	sbarrier.arrive $0xFFFF  }
0x18b: {  	_ =	shalt  }

</sc_bundles>
